<compile_context>
chip_gen: v7x
topology: tpu7x:2x2x1
jax: 0.10.2.dev20260603
libtpu: 0.0.44.dev20260713+nightly
codegen_flags: <defaults>
</compile_context>

<pallas_src>
import functools
import math

import jax
import jax.numpy as jnp
from jax import lax
from jax.experimental import pallas as pl
from jax.experimental.pallas import tpu as pltpu
from jax.experimental.pallas import tpu_sc as plsc

N = 10000
E = 320000
D = 128
OUT = 40
EPS = 1e-5
BNS = 1.0 / math.sqrt(1.0 + EPS)

NC, NS = 2, 16
NW = NC * NS
CB = 128
NCHUNK = E // CB
CPW = NCHUNK // NW
XW = NCHUNK - CPW * NW
BQ = 6
NSUP = CPW // BQ
NPAD = 10240
RPT = NPAD // NS
QCH = RPT // CB


def _make_agg(with_deg: bool):
    out_type = [jax.ShapeDtypeStruct((NC, NPAD, D), jnp.float32)]
    if with_deg:
        out_type.append(jax.ShapeDtypeStruct((NC, NPAD), jnp.float32))

    scratch = [
        pltpu.VMEM((BQ * CB,), jnp.int32),
        pltpu.VMEM((BQ * CB,), jnp.int32),
        pltpu.VMEM((CB,), jnp.int32),
        pltpu.VMEM((CB,), jnp.int32),
        pltpu.VMEM((CB, D), jnp.float32),
        pltpu.VMEM((CB, D), jnp.float32),
        pltpu.VMEM((CB,), jnp.float32),
        pltpu.VMEM((RPT,), jnp.float32),
        pltpu.VMEM_SHARED((NPAD, D), jnp.float32),
        pltpu.VMEM_SHARED((NPAD,), jnp.float32),
        pltpu.SemaphoreType.DMA,
    ]

    def body(h_hbm, src_hbm, dst_hbm, z_hbm, one_hbm, *refs):
        if with_deg:
            aggp, degp = refs[0], refs[1]
            rest = refs[2:]
        else:
            aggp, degp = refs[0], None
            rest = refs[1:]
        (sb, db, xs, xd, rowsA, rowsB, ones_v, dv,
         acc_sh, deg_sh, sem_g) = rest

        c = lax.axis_index("c")
        s = lax.axis_index("s")
        w = s * NC + c

        pltpu.sync_copy(z_hbm, rowsA)
        pltpu.sync_copy(one_hbm, ones_v)

        def zero_q(q, carry):
            off = s * RPT + q * CB
            pltpu.sync_copy(rowsA, acc_sh.at[pl.ds(off, CB)])
            if with_deg:
                pltpu.sync_copy(rowsA.at[0], deg_sh.at[pl.ds(off, CB)])
            return carry

        lax.fori_loop(0, QCH, zero_q, 0)
        plsc.subcore_barrier()

        def fire_g(ib, j, rbuf):
            pltpu.async_copy(h_hbm.at[ib.at[pl.ds(j * CB, CB)]], rbuf, sem_g)

        def drain_g(ib, j, rbuf):
            pltpu.make_async_copy(h_hbm.at[ib.at[pl.ds(j * CB, CB)]], rbuf,
                                  sem_g).wait()

        def scat(ib, j, rbuf):
            pltpu.sync_copy(rbuf, acc_sh.at[ib.at[pl.ds(j * CB, CB)]],
                            add=True)
            if with_deg:
                pltpu.sync_copy(ones_v, deg_sh.at[ib.at[pl.ds(j * CB, CB)]],
                                add=True)

        @pl.when(w < XW)
        def _():
            b = (NW * CPW + w) * CB
            pltpu.sync_copy(src_hbm.at[pl.ds(b, CB)], xs)
            pltpu.sync_copy(dst_hbm.at[pl.ds(b, CB)], xd)
            pltpu.async_copy(h_hbm.at[xs], rowsA, sem_g).wait()
            pltpu.sync_copy(rowsA, acc_sh.at[xd], add=True)
            if with_deg:
                pltpu.sync_copy(ones_v, deg_sh.at[xd], add=True)

        base = w * CPW * CB

        def sup(q, carry):
            b0 = base + q * BQ * CB
            pltpu.sync_copy(src_hbm.at[pl.ds(b0, BQ * CB)], sb)
            pltpu.sync_copy(dst_hbm.at[pl.ds(b0, BQ * CB)], db)
            fire_g(sb, 0, rowsA)
            for j in range(BQ):
                rcur = rowsA if j % 2 == 0 else rowsB
                rnxt = rowsB if j % 2 == 0 else rowsA
                drain_g(sb, j, rcur)
                if j + 1 < BQ:
                    fire_g(sb, j + 1, rnxt)
                scat(db, j, rcur)
            return carry

        lax.fori_loop(0, NSUP, sup, 0)

        plsc.subcore_barrier()

        if with_deg:
            pltpu.sync_copy(deg_sh.at[pl.ds(s * RPT, RPT)], dv)
            pltpu.sync_copy(dv, degp.at[c, pl.ds(s * RPT, RPT)])

        def wb_q(q, carry):
            off = s * RPT + q * CB
            pltpu.sync_copy(acc_sh.at[pl.ds(off, CB)], rowsA)
            pltpu.sync_copy(rowsA, aggp.at[c, pl.ds(off, CB)])
            return carry

        lax.fori_loop(0, QCH, wb_q, 0)

    mesh = plsc.VectorSubcoreMesh(
        core_axis_name="c", subcore_axis_name="s",
        num_cores=NC, num_subcores=NS)
    return pl.kernel(body, out_type=out_type, mesh=mesh,
                     scratch_types=scratch)


_agg_deg = _make_agg(True)
_agg = _make_agg(False)

BR = 2000
GRID = N // BR


def _conv_body(h_ref, p_ref, d_ref, ws_ref, wn_ref, g_ref, b_ref, o_ref):
    dsum = jnp.maximum(d_ref[0] + d_ref[1], 1.0)
    agg = (p_ref[0] + p_ref[1]) / dsum
    rst = (jnp.dot(h_ref[...], ws_ref[...], preferred_element_type=jnp.float32)
           + jnp.dot(agg, wn_ref[...], preferred_element_type=jnp.float32))
    y = rst * (g_ref[0] * BNS) + b_ref[0]
    o_ref[...] = jnp.maximum(y, 0.0)


def _final_body(h_ref, p_ref, d_ref, ws_ref, wn_ref, g_ref, b_ref,
                w0_ref, b0_ref, g0_ref, be0_ref, w1_ref, b1_ref, o_ref):
    dsum = jnp.maximum(d_ref[0] + d_ref[1], 1.0)
    agg = (p_ref[0] + p_ref[1]) / dsum
    rst = (jnp.dot(h_ref[...], ws_ref[...], preferred_element_type=jnp.float32)
           + jnp.dot(agg, wn_ref[...], preferred_element_type=jnp.float32))
    h3 = jnp.maximum(rst * (g_ref[0] * BNS) + b_ref[0], 0.0)
    t = jnp.dot(h3, w0_ref[...], preferred_element_type=jnp.float32) + b0_ref[0]
    t = jnp.maximum(t * (g0_ref[0] * BNS) + be0_ref[0], 0.0)
    o_ref[...] = (jnp.dot(t, w1_ref[...], preferred_element_type=jnp.float32)
                  + b1_ref[0])


_ROWS = pl.BlockSpec((BR, D), lambda i: (i, 0))
_PART = pl.BlockSpec((NC, BR, D), lambda i: (0, i, 0))
_DEG = pl.BlockSpec((NC, BR, 1), lambda i: (0, i, 0))
_MAT = pl.BlockSpec((D, D), lambda i: (0, 0))
_VEC = pl.BlockSpec((1, D), lambda i: (0, 0))

_conv_tc = pl.pallas_call(
    _conv_body,
    grid=(GRID,),
    in_specs=[_ROWS, _PART, _DEG, _MAT, _MAT, _VEC, _VEC],
    out_specs=_ROWS,
    out_shape=jax.ShapeDtypeStruct((N, D), jnp.float32),
)

_final_tc = pl.pallas_call(
    _final_body,
    grid=(GRID,),
    in_specs=[_ROWS, _PART, _DEG, _MAT, _MAT, _VEC, _VEC,
              _MAT, _VEC, _VEC, _VEC,
              pl.BlockSpec((D, OUT), lambda i: (0, 0)),
              pl.BlockSpec((1, OUT), lambda i: (0, 0))],
    out_specs=pl.BlockSpec((BR, OUT), lambda i: (i, 0)),
    out_shape=jax.ShapeDtypeStruct((N, OUT), jnp.float32),
)


def kernel(feat, params, edge_index):
    src = edge_index[0]
    dst = edge_index[1]
    zeros = jnp.zeros((CB, D), jnp.float32)
    ones = jnp.ones((CB,), jnp.float32)

    convs = params["convs"]
    c0, c1 = params["cls"][0], params["cls"][1]
    row = lambda v: v.reshape(1, -1)

    h = feat
    degp3 = None
    for i in range(len(convs)):
        p = convs[i]
        if i == 0:
            aggp, degp = _agg_deg(h, src, dst, zeros, ones)
            degp3 = degp[:, :, None]
        else:
            (aggp,) = _agg(h, src, dst, zeros, ones)
        if i < len(convs) - 1:
            h = _conv_tc(h, aggp, degp3, p["W_self"], p["W_neigh"],
                         row(p["gamma"]), row(p["beta"]))
        else:
            h = _final_tc(h, aggp, degp3, p["W_self"], p["W_neigh"],
                          row(p["gamma"]), row(p["beta"]),
                          c0["W"], row(c0["b"]), row(c0["gamma"]),
                          row(c0["beta"]), c1["W"], row(c1["b"]))
    return h

# --- scband reference (transcript-rebuilt; emitter-appended) ---
"""Pipeline reference for scband-sagemlp-12695923327563 (READ-ONLY COPY).

The authoritative reference and input builder live on the scoring server;
editing this copy changes nothing except your own understanding.
"""

import jax, jax.numpy as jnp
import numpy as np

N = 10000
E = 320000
IN_DIM = 128
HID = 128
OUT = 40
N_LAYERS = 3
EPS = 1e-5


def setup_inputs(seed: int = 0) -> dict:
    key = jax.random.key(seed)
    ks = jax.random.split(key, 32)
    feat = jax.random.normal(ks[0], (N, IN_DIM), dtype=jnp.float32)
    edge_index = jax.random.randint(ks[1], (2, E), 0, N, dtype=jnp.int32)
    params = {"convs": [], "cls": []}
    ki = 2
    in_d = IN_DIM
    for i in range(N_LAYERS):
        s_self = 1.0 / np.sqrt(in_d)
        params["convs"].append({
            "W_self": jax.random.uniform(ks[ki], (in_d, HID), jnp.float32, -s_self, s_self),
            "W_neigh": jax.random.uniform(ks[ki + 1], (in_d, HID), jnp.float32, -s_self, s_self),
            "gamma": jnp.ones((HID,), jnp.float32),
            "beta": jnp.zeros((HID,), jnp.float32),
        })
        ki += 2
        in_d = HID
    # classifier block 0: linear(HID->HID) + BN + ReLU
    s0 = 1.0 / np.sqrt(HID)
    params["cls"].append({
        "W": jax.random.uniform(ks[ki], (HID, HID), jnp.float32, -s0, s0),
        "b": jax.random.uniform(ks[ki + 1], (HID,), jnp.float32, -s0, s0),
        "gamma": jnp.ones((HID,), jnp.float32),
        "beta": jnp.zeros((HID,), jnp.float32),
    })
    ki += 2
    # classifier block 1: linear(HID->OUT), no bn, no act
    params["cls"].append({
        "W": jax.random.uniform(ks[ki], (HID, OUT), jnp.float32, -s0, s0),
        "b": jax.random.uniform(ks[ki + 1], (OUT,), jnp.float32, -s0, s0),
    })
    return {"feat": feat, "params": params, "edge_index": edge_index}


def _bn_eval(x, gamma, beta):
    # eval-mode BatchNorm1d with running_mean=0, running_var=1
    return x / jnp.sqrt(1.0 + EPS) * gamma + beta


def reference(feat, params, edge_index):
    src = edge_index[0]
    dst = edge_index[1]
    deg = jnp.zeros((N,), jnp.float32).at[dst].add(1.0)
    deg = jnp.maximum(deg, 1.0)
    h = feat  # input_drop is identity in eval
    for i in range(N_LAYERS):
        p = params["convs"][i]
        msg = jnp.take(h, src, axis=0)
        agg = jax.ops.segment_sum(msg, dst, num_segments=N) / deg[:, None]
        rst = h @ p["W_self"] + agg @ p["W_neigh"]  # SAGEConv mean, bias=False
        rst = _bn_eval(rst, p["gamma"], p["beta"])
        h = jax.nn.relu(rst)  # dropout is identity in eval
    c0 = params["cls"][0]
    h = h @ c0["W"] + c0["b"]
    h = _bn_eval(h, c0["gamma"], c0["beta"])
    h = jax.nn.relu(h)
    c1 = params["cls"][1]
    h = h @ c1["W"] + c1["b"]
    return h

if __name__ == "__main__":
    import jax
    _d = setup_inputs()
    print(jax.jit(kernel)(*tuple(_d.values())))

</pallas_src>

<mosaic_0001>
#map = affine_map<(d0, d1) -> (0, 0)>
#map1 = affine_map<(d0, d1) -> (0)>
#map2 = affine_map<(d0, d1) -> (0, 0, 0)>
module attributes {stable_mosaic.version = 14 : i64} {
  func.func @body(%arg0: i32, %arg1: i32, %arg2: memref<10000x128xf32, #tpu.memory_space<hbm>>, %arg3: memref<320000xi32, #tpu.memory_space<hbm>>, %arg4: memref<320000xi32, #tpu.memory_space<hbm>>, %arg5: memref<128x128xf32, #tpu.memory_space<hbm>>, %arg6: memref<128xf32, #tpu.memory_space<hbm>>, %arg7: memref<2x10240x128xf32, #tpu.memory_space<hbm>>, %arg8: memref<768xi32, #tpu.memory_space<vmem>>, %arg9: memref<768xi32, #tpu.memory_space<vmem>>, %arg10: memref<128xi32, #tpu.memory_space<vmem>>, %arg11: memref<128xi32, #tpu.memory_space<vmem>>, %arg12: memref<128x128xf32, #tpu.memory_space<vmem>>, %arg13: memref<128x128xf32, #tpu.memory_space<vmem>>, %arg14: memref<128xf32, #tpu.memory_space<vmem>>, %arg15: memref<640xf32, #tpu.memory_space<vmem>>, %arg16: memref<10240x128xf32, #tpu.memory_space<vmem_shared>>, %arg17: memref<10240xf32, #tpu.memory_space<vmem_shared>>, %arg18: memref<!tpu.dma_semaphore, #tpu.memory_space<semaphore_mem>>) attributes {dimension_semantics = [#tpu.dimension_semantics<core_parallel>, #tpu.dimension_semantics<subcore_parallel>], iteration_bounds = array<i64: 2, 16>, scalar_prefetch = 0 : i64, scratch_operands = 11 : i64, tpu.core_type = #tpu.core_type<sc_vector_subcore>, window_params = [{transform_indices = #map}, {transform_indices = #map1}, {transform_indices = #map1}, {transform_indices = #map}, {transform_indices = #map1}, {transform_indices = #map2}]} {
    %mul3A = arith.constant 2 : i32
    %mul3A_0 = arith.muli %arg1, %mul3A : i32
    %add3A = arith.addi %mul3A_0, %arg0 : i32
    "tpu.region"() ({
      %run_scoped3A = tpu.sem_alloc : memref<!tpu.dma_semaphore, #tpu.memory_space<semaphore_mem>>
      tpu.enqueue_dma source(%arg5 : memref<128x128xf32, #tpu.memory_space<hbm>>) target(%arg12 : memref<128x128xf32, #tpu.memory_space<vmem>>) target_semaphore(%run_scoped3A : memref<!tpu.dma_semaphore, #tpu.memory_space<semaphore_mem>>)
      tpu.wait_dma2 semaphore(%run_scoped3A : memref<!tpu.dma_semaphore, #tpu.memory_space<semaphore_mem>>) src(%arg5 : memref<128x128xf32, #tpu.memory_space<hbm>>) dst(%arg12 : memref<128x128xf32, #tpu.memory_space<vmem>>)
      tpu.yield
    }) : () -> ()
    "tpu.region"() ({
      %run_scoped3A = tpu.sem_alloc : memref<!tpu.dma_semaphore, #tpu.memory_space<semaphore_mem>>
      tpu.enqueue_dma source(%arg6 : memref<128xf32, #tpu.memory_space<hbm>>) target(%arg14 : memref<128xf32, #tpu.memory_space<vmem>>) target_semaphore(%run_scoped3A : memref<!tpu.dma_semaphore, #tpu.memory_space<semaphore_mem>>)
      tpu.wait_dma2 semaphore(%run_scoped3A : memref<!tpu.dma_semaphore, #tpu.memory_space<semaphore_mem>>) src(%arg6 : memref<128xf32, #tpu.memory_space<hbm>>) dst(%arg14 : memref<128xf32, #tpu.memory_space<vmem>>)
      tpu.yield
    }) : () -> ()
    %scan3A = arith.constant 0 : i32
    %scan3A_1 = arith.constant 0 : i32
    %scan3A_2 = arith.constant 5 : i32
    %scan3A_3 = arith.addi %scan3A_1, %scan3A_2 : i32
    %scan3A_4 = arith.constant 1 : i32
    scf.for %scan3A_25 = %scan3A_1 to %scan3A_3 step %scan3A_4  : i32 {
      %mul3A_26 = arith.constant 640 : i32
      %mul3A_27 = arith.muli %arg1, %mul3A_26 : i32
      %mul3A_28 = arith.constant 128 : i32
      %mul3A_29 = arith.muli %scan3A_25, %mul3A_28 : i32
      %add3A_30 = arith.addi %mul3A_27, %mul3A_29 : i32
      "tpu.region"() ({
        %run_scoped3A = tpu.sem_alloc : memref<!tpu.dma_semaphore, #tpu.memory_space<semaphore_mem>>
        %dma_start3A = arith.constant 0 : i32
        %dma_start3A_31 = tpu.memref_slice %arg16[%add3A_30, %dma_start3A] : memref<10240x128xf32, #tpu.memory_space<vmem_shared>> -> memref<128x128xf32, #tpu.memory_space<vmem_shared>>
        %dma_start3A_32 = arith.constant 0 : i32
        %dma_start3A_33 = tpu.memref_slice %arg16[%add3A_30, %dma_start3A_32] : memref<10240x128xf32, #tpu.memory_space<vmem_shared>> -> memref<128x128xf32, #tpu.memory_space<vmem_shared>>
        tpu.enqueue_dma source(%arg12 : memref<128x128xf32, #tpu.memory_space<vmem>>) target(%dma_start3A_33 : memref<128x128xf32, #tpu.memory_space<vmem_shared>>) target_semaphore(%run_scoped3A : memref<!tpu.dma_semaphore, #tpu.memory_space<semaphore_mem>>)
        %dma_wait3A = arith.constant 0 : i32
        %dma_wait3A_34 = tpu.memref_slice %arg16[%add3A_30, %dma_wait3A] : memref<10240x128xf32, #tpu.memory_space<vmem_shared>> -> memref<128x128xf32, #tpu.memory_space<vmem_shared>>
        %dma_wait3A_35 = arith.constant 0 : i32
        %dma_wait3A_36 = tpu.memref_slice %arg16[%add3A_30, %dma_wait3A_35] : memref<10240x128xf32, #tpu.memory_space<vmem_shared>> -> memref<128x128xf32, #tpu.memory_space<vmem_shared>>
        tpu.wait_dma2 semaphore(%run_scoped3A : memref<!tpu.dma_semaphore, #tpu.memory_space<semaphore_mem>>) src(%arg12 : memref<128x128xf32, #tpu.memory_space<vmem>>) dst(%dma_wait3A_36 : memref<128x128xf32, #tpu.memory_space<vmem_shared>>)
        tpu.yield
      }) : () -> ()
    }
    %scan3A_5 = arith.constant 5 : i32
    %barrier3A = arith.constant 0 : index
    tpu.barrier barrier_id(%barrier3A)
    %lt3A = arith.constant 4 : i32
    %lt3A_6 = arith.cmpi slt, %add3A, %lt3A : i32
    %convert_element_type3A = arith.extui %lt3A_6 : i1 to i32
    %cond3A = arith.constant 0 : i32
    %cond3A_7 = arith.cmpi ne, %convert_element_type3A, %cond3A : i32
    scf.if %cond3A_7 {
      %add3A_25 = arith.constant 2496 : i32
      %add3A_26 = arith.addi %add3A_25, %add3A : i32
      %mul3A_27 = arith.constant 128 : i32
      %mul3A_28 = arith.muli %add3A_26, %mul3A_27 : i32
      "tpu.region"() ({
        %run_scoped3A = tpu.sem_alloc : memref<!tpu.dma_semaphore, #tpu.memory_space<semaphore_mem>>
        %dma_start3A_33 = tpu.memref_slice %arg3[%mul3A_28] : memref<320000xi32, #tpu.memory_space<hbm>> -> memref<128xi32, #tpu.memory_space<hbm>>
        %dma_start3A_34 = tpu.memref_slice %arg3[%mul3A_28] : memref<320000xi32, #tpu.memory_space<hbm>> -> memref<128xi32, #tpu.memory_space<hbm>>
        tpu.enqueue_dma source(%dma_start3A_34 : memref<128xi32, #tpu.memory_space<hbm>>) target(%arg10 : memref<128xi32, #tpu.memory_space<vmem>>) target_semaphore(%run_scoped3A : memref<!tpu.dma_semaphore, #tpu.memory_space<semaphore_mem>>)
        %dma_wait3A_35 = tpu.memref_slice %arg3[%mul3A_28] : memref<320000xi32, #tpu.memory_space<hbm>> -> memref<128xi32, #tpu.memory_space<hbm>>
        %dma_wait3A_36 = tpu.memref_slice %arg3[%mul3A_28] : memref<320000xi32, #tpu.memory_space<hbm>> -> memref<128xi32, #tpu.memory_space<hbm>>
        tpu.wait_dma2 semaphore(%run_scoped3A : memref<!tpu.dma_semaphore, #tpu.memory_space<semaphore_mem>>) src(%dma_wait3A_36 : memref<128xi32, #tpu.memory_space<hbm>>) dst(%arg10 : memref<128xi32, #tpu.memory_space<vmem>>)
        tpu.yield
      }) : () -> ()
      "tpu.region"() ({
        %run_scoped3A = tpu.sem_alloc : memref<!tpu.dma_semaphore, #tpu.memory_space<semaphore_mem>>
        %dma_start3A_33 = tpu.memref_slice %arg4[%mul3A_28] : memref<320000xi32, #tpu.memory_space<hbm>> -> memref<128xi32, #tpu.memory_space<hbm>>
        %dma_start3A_34 = tpu.memref_slice %arg4[%mul3A_28] : memref<320000xi32, #tpu.memory_space<hbm>> -> memref<128xi32, #tpu.memory_space<hbm>>
        tpu.enqueue_dma source(%dma_start3A_34 : memref<128xi32, #tpu.memory_space<hbm>>) target(%arg11 : memref<128xi32, #tpu.memory_space<vmem>>) target_semaphore(%run_scoped3A : memref<!tpu.dma_semaphore, #tpu.memory_space<semaphore_mem>>)
        %dma_wait3A_35 = tpu.memref_slice %arg4[%mul3A_28] : memref<320000xi32, #tpu.memory_space<hbm>> -> memref<128xi32, #tpu.memory_space<hbm>>
        %dma_wait3A_36 = tpu.memref_slice %arg4[%mul3A_28] : memref<320000xi32, #tpu.memory_space<hbm>> -> memref<128xi32, #tpu.memory_space<hbm>>
        tpu.wait_dma2 semaphore(%run_scoped3A : memref<!tpu.dma_semaphore, #tpu.memory_space<semaphore_mem>>) src(%dma_wait3A_36 : memref<128xi32, #tpu.memory_space<hbm>>) dst(%arg11 : memref<128xi32, #tpu.memory_space<vmem>>)
        tpu.yield
      }) : () -> ()
      %dma_start3A = arith.constant 0 : i32
      %dma_start3A_29 = arith.constant 0 : i32
      %dma_start3A_30 = tpu.memref_slice %arg2[%dma_start3A, %dma_start3A_29] : memref<10000x128xf32, #tpu.memory_space<hbm>> -> memref<10000x128xf32, #tpu.memory_space<hbm>>
      tpu.enqueue_indirect_dma source(%dma_start3A_30 : memref<10000x128xf32, #tpu.memory_space<hbm>>) target(%arg12 : memref<128x128xf32, #tpu.memory_space<vmem>>) offsets(%arg10 : memref<128xi32, #tpu.memory_space<vmem>>) semaphore(%arg18 : memref<!tpu.dma_semaphore, #tpu.memory_space<semaphore_mem>>)
      %dma_wait3A = arith.constant 0 : i32
      %dma_wait3A_31 = arith.constant 0 : i32
      %dma_wait3A_32 = tpu.memref_slice %arg2[%dma_wait3A, %dma_wait3A_31] : memref<10000x128xf32, #tpu.memory_space<hbm>> -> memref<10000x128xf32, #tpu.memory_space<hbm>>
      tpu.wait_indirect_dma semaphore(%arg18 : memref<!tpu.dma_semaphore, #tpu.memory_space<semaphore_mem>>) src(%dma_wait3A_32 : memref<10000x128xf32, #tpu.memory_space<hbm>>) dst(%arg12 : memref<128x128xf32, #tpu.memory_space<vmem>>)
      "tpu.region"() ({
        %run_scoped3A = tpu.sem_alloc : memref<!tpu.dma_semaphore, #tpu.memory_space<semaphore_mem>>
        %dma_start3A_33 = arith.constant 0 : i32
        %dma_start3A_34 = arith.constant 0 : i32
        %dma_start3A_35 = tpu.memref_slice %arg16[%dma_start3A_33, %dma_start3A_34] : memref<10240x128xf32, #tpu.memory_space<vmem_shared>> -> memref<10240x128xf32, #tpu.memory_space<vmem_shared>>
        tpu.enqueue_indirect_dma source(%arg12 : memref<128x128xf32, #tpu.memory_space<vmem>>) target(%dma_start3A_35 : memref<10240x128xf32, #tpu.memory_space<vmem_shared>>) offsets(%arg11 : memref<128xi32, #tpu.memory_space<vmem>>) semaphore(%run_scoped3A : memref<!tpu.dma_semaphore, #tpu.memory_space<semaphore_mem>>) {add = true}
        %dma_wait3A_36 = arith.constant 0 : i32
        %dma_wait3A_37 = arith.constant 0 : i32
        %dma_wait3A_38 = tpu.memref_slice %arg16[%dma_wait3A_36, %dma_wait3A_37] : memref<10240x128xf32, #tpu.memory_space<vmem_shared>> -> memref<10240x128xf32, #tpu.memory_space<vmem_shared>>
        tpu.wait_indirect_dma semaphore(%run_scoped3A : memref<!tpu.dma_semaphore, #tpu.memory_space<semaphore_mem>>) src(%arg12 : memref<128x128xf32, #tpu.memory_space<vmem>>) dst(%dma_wait3A_38 : memref<10240x128xf32, #tpu.memory_space<vmem_shared>>)
        tpu.yield
      }) : () -> ()
    } else {
    }
    %mul3A_8 = arith.constant 78 : i32
    %mul3A_9 = arith.muli %add3A, %mul3A_8 : i32
    %mul3A_10 = arith.constant 128 : i32
    %mul3A_11 = arith.muli %mul3A_9, %mul3A_10 : i32
    %scan3A_12 = arith.constant 0 : i32
    %scan3A_13 = arith.constant 0 : i32
    %scan3A_14 = arith.constant 13 : i32
    %scan3A_15 = arith.addi %scan3A_13, %scan3A_14 : i32
    %scan3A_16 = arith.constant 1 : i32
    scf.for %scan3A_25 = %scan3A_13 to %scan3A_15 step %scan3A_16  : i32 {
      %mul3A_26 = arith.constant 6 : i32
      %mul3A_27 = arith.muli %scan3A_25, %mul3A_26 : i32
      %mul3A_28 = arith.constant 128 : i32
      %mul3A_29 = arith.muli %mul3A_27, %mul3A_28 : i32
      %add3A_30 = arith.addi %mul3A_11, %mul3A_29 : i32
      "tpu.region"() ({
        %run_scoped3A = tpu.sem_alloc : memref<!tpu.dma_semaphore, #tpu.memory_space<semaphore_mem>>
        %dma_start3A_89 = tpu.memref_slice %arg3[%add3A_30] : memref<320000xi32, #tpu.memory_space<hbm>> -> memref<768xi32, #tpu.memory_space<hbm>>
        %dma_start3A_90 = tpu.memref_slice %arg3[%add3A_30] : memref<320000xi32, #tpu.memory_space<hbm>> -> memref<768xi32, #tpu.memory_space<hbm>>
        tpu.enqueue_dma source(%dma_start3A_90 : memref<768xi32, #tpu.memory_space<hbm>>) target(%arg8 : memref<768xi32, #tpu.memory_space<vmem>>) target_semaphore(%run_scoped3A : memref<!tpu.dma_semaphore, #tpu.memory_space<semaphore_mem>>)
        %dma_wait3A_91 = tpu.memref_slice %arg3[%add3A_30] : memref<320000xi32, #tpu.memory_space<hbm>> -> memref<768xi32, #tpu.memory_space<hbm>>
        %dma_wait3A_92 = tpu.memref_slice %arg3[%add3A_30] : memref<320000xi32, #tpu.memory_space<hbm>> -> memref<768xi32, #tpu.memory_space<hbm>>
        tpu.wait_dma2 semaphore(%run_scoped3A : memref<!tpu.dma_semaphore, #tpu.memory_space<semaphore_mem>>) src(%dma_wait3A_92 : memref<768xi32, #tpu.memory_space<hbm>>) dst(%arg8 : memref<768xi32, #tpu.memory_space<vmem>>)
        tpu.yield
      }) : () -> ()
      "tpu.region"() ({
        %run_scoped3A = tpu.sem_alloc : memref<!tpu.dma_semaphore, #tpu.memory_space<semaphore_mem>>
        %dma_start3A_89 = tpu.memref_slice %arg4[%add3A_30] : memref<320000xi32, #tpu.memory_space<hbm>> -> memref<768xi32, #tpu.memory_space<hbm>>
        %dma_start3A_90 = tpu.memref_slice %arg4[%add3A_30] : memref<320000xi32, #tpu.memory_space<hbm>> -> memref<768xi32, #tpu.memory_space<hbm>>
        tpu.enqueue_dma source(%dma_start3A_90 : memref<768xi32, #tpu.memory_space<hbm>>) target(%arg9 : memref<768xi32, #tpu.memory_space<vmem>>) target_semaphore(%run_scoped3A : memref<!tpu.dma_semaphore, #tpu.memory_space<semaphore_mem>>)
        %dma_wait3A_91 = tpu.memref_slice %arg4[%add3A_30] : memref<320000xi32, #tpu.memory_space<hbm>> -> memref<768xi32, #tpu.memory_space<hbm>>
        %dma_wait3A_92 = tpu.memref_slice %arg4[%add3A_30] : memref<320000xi32, #tpu.memory_space<hbm>> -> memref<768xi32, #tpu.memory_space<hbm>>
        tpu.wait_dma2 semaphore(%run_scoped3A : memref<!tpu.dma_semaphore, #tpu.memory_space<semaphore_mem>>) src(%dma_wait3A_92 : memref<768xi32, #tpu.memory_space<hbm>>) dst(%arg9 : memref<768xi32, #tpu.memory_space<vmem>>)
        tpu.yield
      }) : () -> ()
      %dma_start3A = arith.constant 0 : i32
      %dma_start3A_31 = tpu.memref_slice %arg8[%dma_start3A] : memref<768xi32, #tpu.memory_space<vmem>> -> memref<128xi32, #tpu.memory_space<vmem>>
      %dma_start3A_32 = arith.constant 0 : i32
      %dma_start3A_33 = arith.constant 0 : i32
      %dma_start3A_34 = tpu.memref_slice %arg2[%dma_start3A_32, %dma_start3A_33] : memref<10000x128xf32, #tpu.memory_space<hbm>> -> memref<10000x128xf32, #tpu.memory_space<hbm>>
      tpu.enqueue_indirect_dma source(%dma_start3A_34 : memref<10000x128xf32, #tpu.memory_space<hbm>>) target(%arg12 : memref<128x128xf32, #tpu.memory_space<vmem>>) offsets(%dma_start3A_31 : memref<128xi32, #tpu.memory_space<vmem>>) semaphore(%arg18 : memref<!tpu.dma_semaphore, #tpu.memory_space<semaphore_mem>>)
      %dma_wait3A = arith.constant 0 : i32
      %dma_wait3A_35 = tpu.memref_slice %arg8[%dma_wait3A] : memref<768xi32, #tpu.memory_space<vmem>> -> memref<128xi32, #tpu.memory_space<vmem>>
      %dma_wait3A_36 = arith.constant 0 : i32
      %dma_wait3A_37 = arith.constant 0 : i32
      %dma_wait3A_38 = tpu.memref_slice %arg2[%dma_wait3A_36, %dma_wait3A_37] : memref<10000x128xf32, #tpu.memory_space<hbm>> -> memref<10000x128xf32, #tpu.memory_space<hbm>>
      tpu.wait_indirect_dma semaphore(%arg18 : memref<!tpu.dma_semaphore, #tpu.memory_space<semaphore_mem>>) src(%dma_wait3A_38 : memref<10000x128xf32, #tpu.memory_space<hbm>>) dst(%arg12 : memref<128x128xf32, #tpu.memory_space<vmem>>)
      %dma_start3A_39 = arith.constant 128 : i32
      %dma_start3A_40 = tpu.memref_slice %arg8[%dma_start3A_39] : memref<768xi32, #tpu.memory_space<vmem>> -> memref<128xi32, #tpu.memory_space<vmem>>
      %dma_start3A_41 = arith.constant 0 : i32
      %dma_start3A_42 = arith.constant 0 : i32
      %dma_start3A_43 = tpu.memref_slice %arg2[%dma_start3A_41, %dma_start3A_42] : memref<10000x128xf32, #tpu.memory_space<hbm>> -> memref<10000x128xf32, #tpu.memory_space<hbm>>
      tpu.enqueue_indirect_dma source(%dma_start3A_43 : memref<10000x128xf32, #tpu.memory_space<hbm>>) target(%arg13 : memref<128x128xf32, #tpu.memory_space<vmem>>) offsets(%dma_start3A_40 : memref<128xi32, #tpu.memory_space<vmem>>) semaphore(%arg18 : memref<!tpu.dma_semaphore, #tpu.memory_space<semaphore_mem>>)
      "tpu.region"() ({
        %run_scoped3A = tpu.sem_alloc : memref<!tpu.dma_semaphore, #tpu.memory_space<semaphore_mem>>
        %dma_start3A_89 = arith.constant 0 : i32
        %dma_start3A_90 = tpu.memref_slice %arg9[%dma_start3A_89] : memref<768xi32, #tpu.memory_space<vmem>> -> memref<128xi32, #tpu.memory_space<vmem>>
        %dma_start3A_91 = arith.constant 0 : i32
        %dma_start3A_92 = arith.constant 0 : i32
        %dma_start3A_93 = tpu.memref_slice %arg16[%dma_start3A_91, %dma_start3A_92] : memref<10240x128xf32, #tpu.memory_space<vmem_shared>> -> memref<10240x128xf32, #tpu.memory_space<vmem_shared>>
        tpu.enqueue_indirect_dma source(%arg12 : memref<128x128xf32, #tpu.memory_space<vmem>>) target(%dma_start3A_93 : memref<10240x128xf32, #tpu.memory_space<vmem_shared>>) offsets(%dma_start3A_90 : memref<128xi32, #tpu.memory_space<vmem>>) semaphore(%run_scoped3A : memref<!tpu.dma_semaphore, #tpu.memory_space<semaphore_mem>>) {add = true}
        %dma_wait3A_94 = arith.constant 0 : i32
        %dma_wait3A_95 = tpu.memref_slice %arg9[%dma_wait3A_94] : memref<768xi32, #tpu.memory_space<vmem>> -> memref<128xi32, #tpu.memory_space<vmem>>
        %dma_wait3A_96 = arith.constant 0 : i32
        %dma_wait3A_97 = arith.constant 0 : i32
        %dma_wait3A_98 = tpu.memref_slice %arg16[%dma_wait3A_96, %dma_wait3A_97] : memref<10240x128xf32, #tpu.memory_space<vmem_shared>> -> memref<10240x128xf32, #tpu.memory_space<vmem_shared>>
        tpu.wait_indirect_dma semaphore(%run_scoped3A : memref<!tpu.dma_semaphore, #tpu.memory_space<semaphore_mem>>) src(%arg12 : memref<128x128xf32, #tpu.memory_space<vmem>>) dst(%dma_wait3A_98 : memref<10240x128xf32, #tpu.memory_space<vmem_shared>>)
        tpu.yield
      }) : () -> ()
      %dma_wait3A_44 = arith.constant 128 : i32
      %dma_wait3A_45 = tpu.memref_slice %arg8[%dma_wait3A_44] : memref<768xi32, #tpu.memory_space<vmem>> -> memref<128xi32, #tpu.memory_space<vmem>>
      %dma_wait3A_46 = arith.constant 0 : i32
      %dma_wait3A_47 = arith.constant 0 : i32
      %dma_wait3A_48 = tpu.memref_slice %arg2[%dma_wait3A_46, %dma_wait3A_47] : memref<10000x128xf32, #tpu.memory_space<hbm>> -> memref<10000x128xf32, #tpu.memory_space<hbm>>
      tpu.wait_indirect_dma semaphore(%arg18 : memref<!tpu.dma_semaphore, #tpu.memory_space<semaphore_mem>>) src(%dma_wait3A_48 : memref<10000x128xf32, #tpu.memory_space<hbm>>) dst(%arg13 : memref<128x128xf32, #tpu.memory_space<vmem>>)
      %dma_start3A_49 = arith.constant 256 : i32
      %dma_start3A_50 = tpu.memref_slice %arg8[%dma_start3A_49] : memref<768xi32, #tpu.memory_space<vmem>> -> memref<128xi32, #tpu.memory_space<vmem>>
      %dma_start3A_51 = arith.constant 0 : i32
      %dma_start3A_52 = arith.constant 0 : i32
      %dma_start3A_53 = tpu.memref_slice %arg2[%dma_start3A_51, %dma_start3A_52] : memref<10000x128xf32, #tpu.memory_space<hbm>> -> memref<10000x128xf32, #tpu.memory_space<hbm>>
      tpu.enqueue_indirect_dma source(%dma_start3A_53 : memref<10000x128xf32, #tpu.memory_space<hbm>>) target(%arg12 : memref<128x128xf32, #tpu.memory_space<vmem>>) offsets(%dma_start3A_50 : memref<128xi32, #tpu.memory_space<vmem>>) semaphore(%arg18 : memref<!tpu.dma_semaphore, #tpu.memory_space<semaphore_mem>>)
      "tpu.region"() ({
        %run_scoped3A = tpu.sem_alloc : memref<!tpu.dma_semaphore, #tpu.memory_space<semaphore_mem>>
        %dma_start3A_89 = arith.constant 128 : i32
        %dma_start3A_90 = tpu.memref_slice %arg9[%dma_start3A_89] : memref<768xi32, #tpu.memory_space<vmem>> -> memref<128xi32, #tpu.memory_space<vmem>>
        %dma_start3A_91 = arith.constant 0 : i32
        %dma_start3A_92 = arith.constant 0 : i32
        %dma_start3A_93 = tpu.memref_slice %arg16[%dma_start3A_91, %dma_start3A_92] : memref<10240x128xf32, #tpu.memory_space<vmem_shared>> -> memref<10240x128xf32, #tpu.memory_space<vmem_shared>>
        tpu.enqueue_indirect_dma source(%arg13 : memref<128x128xf32, #tpu.memory_space<vmem>>) target(%dma_start3A_93 : memref<10240x128xf32, #tpu.memory_space<vmem_shared>>) offsets(%dma_start3A_90 : memref<128xi32, #tpu.memory_space<vmem>>) semaphore(%run_scoped3A : memref<!tpu.dma_semaphore, #tpu.memory_space<semaphore_mem>>) {add = true}
        %dma_wait3A_94 = arith.constant 128 : i32
        %dma_wait3A_95 = tpu.memref_slice %arg9[%dma_wait3A_94] : memref<768xi32, #tpu.memory_space<vmem>> -> memref<128xi32, #tpu.memory_space<vmem>>
        %dma_wait3A_96 = arith.constant 0 : i32
        %dma_wait3A_97 = arith.constant 0 : i32
        %dma_wait3A_98 = tpu.memref_slice %arg16[%dma_wait3A_96, %dma_wait3A_97] : memref<10240x128xf32, #tpu.memory_space<vmem_shared>> -> memref<10240x128xf32, #tpu.memory_space<vmem_shared>>
        tpu.wait_indirect_dma semaphore(%run_scoped3A : memref<!tpu.dma_semaphore, #tpu.memory_space<semaphore_mem>>) src(%arg13 : memref<128x128xf32, #tpu.memory_space<vmem>>) dst(%dma_wait3A_98 : memref<10240x128xf32, #tpu.memory_space<vmem_shared>>)
        tpu.yield
      }) : () -> ()
      %dma_wait3A_54 = arith.constant 256 : i32
      %dma_wait3A_55 = tpu.memref_slice %arg8[%dma_wait3A_54] : memref<768xi32, #tpu.memory_space<vmem>> -> memref<128xi32, #tpu.memory_space<vmem>>
      %dma_wait3A_56 = arith.constant 0 : i32
      %dma_wait3A_57 = arith.constant 0 : i32
      %dma_wait3A_58 = tpu.memref_slice %arg2[%dma_wait3A_56, %dma_wait3A_57] : memref<10000x128xf32, #tpu.memory_space<hbm>> -> memref<10000x128xf32, #tpu.memory_space<hbm>>
      tpu.wait_indirect_dma semaphore(%arg18 : memref<!tpu.dma_semaphore, #tpu.memory_space<semaphore_mem>>) src(%dma_wait3A_58 : memref<10000x128xf32, #tpu.memory_space<hbm>>) dst(%arg12 : memref<128x128xf32, #tpu.memory_space<vmem>>)
      %dma_start3A_59 = arith.constant 384 : i32
      %dma_start3A_60 = tpu.memref_slice %arg8[%dma_start3A_59] : memref<768xi32, #tpu.memory_space<vmem>> -> memref<128xi32, #tpu.memory_space<vmem>>
      %dma_start3A_61 = arith.constant 0 : i32
      %dma_start3A_62 = arith.constant 0 : i32
      %dma_start3A_63 = tpu.memref_slice %arg2[%dma_start3A_61, %dma_start3A_62] : memref<10000x128xf32, #tpu.memory_space<hbm>> -> memref<10000x128xf32, #tpu.memory_space<hbm>>
      tpu.enqueue_indirect_dma source(%dma_start3A_63 : memref<10000x128xf32, #tpu.memory_space<hbm>>) target(%arg13 : memref<128x128xf32, #tpu.memory_space<vmem>>) offsets(%dma_start3A_60 : memref<128xi32, #tpu.memory_space<vmem>>) semaphore(%arg18 : memref<!tpu.dma_semaphore, #tpu.memory_space<semaphore_mem>>)
      "tpu.region"() ({
        %run_scoped3A = tpu.sem_alloc : memref<!tpu.dma_semaphore, #tpu.memory_space<semaphore_mem>>
        %dma_start3A_89 = arith.constant 256 : i32
        %dma_start3A_90 = tpu.memref_slice %arg9[%dma_start3A_89] : memref<768xi32, #tpu.memory_space<vmem>> -> memref<128xi32, #tpu.memory_space<vmem>>
        %dma_start3A_91 = arith.constant 0 : i32
        %dma_start3A_92 = arith.constant 0 : i32
        %dma_start3A_93 = tpu.memref_slice %arg16[%dma_start3A_91, %dma_start3A_92] : memref<10240x128xf32, #tpu.memory_space<vmem_shared>> -> memref<10240x128xf32, #tpu.memory_space<vmem_shared>>
        tpu.enqueue_indirect_dma source(%arg12 : memref<128x128xf32, #tpu.memory_space<vmem>>) target(%dma_start3A_93 : memref<10240x128xf32, #tpu.memory_space<vmem_shared>>) offsets(%dma_start3A_90 : memref<128xi32, #tpu.memory_space<vmem>>) semaphore(%run_scoped3A : memref<!tpu.dma_semaphore, #tpu.memory_space<semaphore_mem>>) {add = true}
        %dma_wait3A_94 = arith.constant 256 : i32
        %dma_wait3A_95 = tpu.memref_slice %arg9[%dma_wait3A_94] : memref<768xi32, #tpu.memory_space<vmem>> -> memref<128xi32, #tpu.memory_space<vmem>>
        %dma_wait3A_96 = arith.constant 0 : i32
        %dma_wait3A_97 = arith.constant 0 : i32
        %dma_wait3A_98 = tpu.memref_slice %arg16[%dma_wait3A_96, %dma_wait3A_97] : memref<10240x128xf32, #tpu.memory_space<vmem_shared>> -> memref<10240x128xf32, #tpu.memory_space<vmem_shared>>
        tpu.wait_indirect_dma semaphore(%run_scoped3A : memref<!tpu.dma_semaphore, #tpu.memory_space<semaphore_mem>>) src(%arg12 : memref<128x128xf32, #tpu.memory_space<vmem>>) dst(%dma_wait3A_98 : memref<10240x128xf32, #tpu.memory_space<vmem_shared>>)
        tpu.yield
      }) : () -> ()
      %dma_wait3A_64 = arith.constant 384 : i32
      %dma_wait3A_65 = tpu.memref_slice %arg8[%dma_wait3A_64] : memref<768xi32, #tpu.memory_space<vmem>> -> memref<128xi32, #tpu.memory_space<vmem>>
      %dma_wait3A_66 = arith.constant 0 : i32
      %dma_wait3A_67 = arith.constant 0 : i32
      %dma_wait3A_68 = tpu.memref_slice %arg2[%dma_wait3A_66, %dma_wait3A_67] : memref<10000x128xf32, #tpu.memory_space<hbm>> -> memref<10000x128xf32, #tpu.memory_space<hbm>>
      tpu.wait_indirect_dma semaphore(%arg18 : memref<!tpu.dma_semaphore, #tpu.memory_space<semaphore_mem>>) src(%dma_wait3A_68 : memref<10000x128xf32, #tpu.memory_space<hbm>>) dst(%arg13 : memref<128x128xf32, #tpu.memory_space<vmem>>)
      %dma_start3A_69 = arith.constant 512 : i32
      %dma_start3A_70 = tpu.memref_slice %arg8[%dma_start3A_69] : memref<768xi32, #tpu.memory_space<vmem>> -> memref<128xi32, #tpu.memory_space<vmem>>
      %dma_start3A_71 = arith.constant 0 : i32
      %dma_start3A_72 = arith.constant 0 : i32
      %dma_start3A_73 = tpu.memref_slice %arg2[%dma_start3A_71, %dma_start3A_72] : memref<10000x128xf32, #tpu.memory_space<hbm>> -> memref<10000x128xf32, #tpu.memory_space<hbm>>
      tpu.enqueue_indirect_dma source(%dma_start3A_73 : memref<10000x128xf32, #tpu.memory_space<hbm>>) target(%arg12 : memref<128x128xf32, #tpu.memory_space<vmem>>) offsets(%dma_start3A_70 : memref<128xi32, #tpu.memory_space<vmem>>) semaphore(%arg18 : memref<!tpu.dma_semaphore, #tpu.memory_space<semaphore_mem>>)
      "tpu.region"() ({
        %run_scoped3A = tpu.sem_alloc : memref<!tpu.dma_semaphore, #tpu.memory_space<semaphore_mem>>
        %dma_start3A_89 = arith.constant 384 : i32
        %dma_start3A_90 = tpu.memref_slice %arg9[%dma_start3A_89] : memref<768xi32, #tpu.memory_space<vmem>> -> memref<128xi32, #tpu.memory_space<vmem>>
        %dma_start3A_91 = arith.constant 0 : i32
        %dma_start3A_92 = arith.constant 0 : i32
        %dma_start3A_93 = tpu.memref_slice %arg16[%dma_start3A_91, %dma_start3A_92] : memref<10240x128xf32, #tpu.memory_space<vmem_shared>> -> memref<10240x128xf32, #tpu.memory_space<vmem_shared>>
        tpu.enqueue_indirect_dma source(%arg13 : memref<128x128xf32, #tpu.memory_space<vmem>>) target(%dma_start3A_93 : memref<10240x128xf32, #tpu.memory_space<vmem_shared>>) offsets(%dma_start3A_90 : memref<128xi32, #tpu.memory_space<vmem>>) semaphore(%run_scoped3A : memref<!tpu.dma_semaphore, #tpu.memory_space<semaphore_mem>>) {add = true}
        %dma_wait3A_94 = arith.constant 384 : i32
        %dma_wait3A_95 = tpu.memref_slice %arg9[%dma_wait3A_94] : memref<768xi32, #tpu.memory_space<vmem>> -> memref<128xi32, #tpu.memory_space<vmem>>
        %dma_wait3A_96 = arith.constant 0 : i32
        %dma_wait3A_97 = arith.constant 0 : i32
        %dma_wait3A_98 = tpu.memref_slice %arg16[%dma_wait3A_96, %dma_wait3A_97] : memref<10240x128xf32, #tpu.memory_space<vmem_shared>> -> memref<10240x128xf32, #tpu.memory_space<vmem_shared>>
        tpu.wait_indirect_dma semaphore(%run_scoped3A : memref<!tpu.dma_semaphore, #tpu.memory_space<semaphore_mem>>) src(%arg13 : memref<128x128xf32, #tpu.memory_space<vmem>>) dst(%dma_wait3A_98 : memref<10240x128xf32, #tpu.memory_space<vmem_shared>>)
        tpu.yield
      }) : () -> ()
      %dma_wait3A_74 = arith.constant 512 : i32
      %dma_wait3A_75 = tpu.memref_slice %arg8[%dma_wait3A_74] : memref<768xi32, #tpu.memory_space<vmem>> -> memref<128xi32, #tpu.memory_space<vmem>>
      %dma_wait3A_76 = arith.constant 0 : i32
      %dma_wait3A_77 = arith.constant 0 : i32
      %dma_wait3A_78 = tpu.memref_slice %arg2[%dma_wait3A_76, %dma_wait3A_77] : memref<10000x128xf32, #tpu.memory_space<hbm>> -> memref<10000x128xf32, #tpu.memory_space<hbm>>
      tpu.wait_indirect_dma semaphore(%arg18 : memref<!tpu.dma_semaphore, #tpu.memory_space<semaphore_mem>>) src(%dma_wait3A_78 : memref<10000x128xf32, #tpu.memory_space<hbm>>) dst(%arg12 : memref<128x128xf32, #tpu.memory_space<vmem>>)
      %dma_start3A_79 = arith.constant 640 : i32
      %dma_start3A_80 = tpu.memref_slice %arg8[%dma_start3A_79] : memref<768xi32, #tpu.memory_space<vmem>> -> memref<128xi32, #tpu.memory_space<vmem>>
      %dma_start3A_81 = arith.constant 0 : i32
      %dma_start3A_82 = arith.constant 0 : i32
      %dma_start3A_83 = tpu.memref_slice %arg2[%dma_start3A_81, %dma_start3A_82] : memref<10000x128xf32, #tpu.memory_space<hbm>> -> memref<10000x128xf32, #tpu.memory_space<hbm>>
      tpu.enqueue_indirect_dma source(%dma_start3A_83 : memref<10000x128xf32, #tpu.memory_space<hbm>>) target(%arg13 : memref<128x128xf32, #tpu.memory_space<vmem>>) offsets(%dma_start3A_80 : memref<128xi32, #tpu.memory_space<vmem>>) semaphore(%arg18 : memref<!tpu.dma_semaphore, #tpu.memory_space<semaphore_mem>>)
      "tpu.region"() ({
        %run_scoped3A = tpu.sem_alloc : memref<!tpu.dma_semaphore, #tpu.memory_space<semaphore_mem>>
        %dma_start3A_89 = arith.constant 512 : i32
        %dma_start3A_90 = tpu.memref_slice %arg9[%dma_start3A_89] : memref<768xi32, #tpu.memory_space<vmem>> -> memref<128xi32, #tpu.memory_space<vmem>>
        %dma_start3A_91 = arith.constant 0 : i32
        %dma_start3A_92 = arith.constant 0 : i32
        %dma_start3A_93 = tpu.memref_slice %arg16[%dma_start3A_91, %dma_start3A_92] : memref<10240x128xf32, #tpu.memory_space<vmem_shared>> -> memref<10240x128xf32, #tpu.memory_space<vmem_shared>>
        tpu.enqueue_indirect_dma source(%arg12 : memref<128x128xf32, #tpu.memory_space<vmem>>) target(%dma_start3A_93 : memref<10240x128xf32, #tpu.memory_space<vmem_shared>>) offsets(%dma_start3A_90 : memref<128xi32, #tpu.memory_space<vmem>>) semaphore(%run_scoped3A : memref<!tpu.dma_semaphore, #tpu.memory_space<semaphore_mem>>) {add = true}
        %dma_wait3A_94 = arith.constant 512 : i32
        %dma_wait3A_95 = tpu.memref_slice %arg9[%dma_wait3A_94] : memref<768xi32, #tpu.memory_space<vmem>> -> memref<128xi32, #tpu.memory_space<vmem>>
        %dma_wait3A_96 = arith.constant 0 : i32
        %dma_wait3A_97 = arith.constant 0 : i32
        %dma_wait3A_98 = tpu.memref_slice %arg16[%dma_wait3A_96, %dma_wait3A_97] : memref<10240x128xf32, #tpu.memory_space<vmem_shared>> -> memref<10240x128xf32, #tpu.memory_space<vmem_shared>>
        tpu.wait_indirect_dma semaphore(%run_scoped3A : memref<!tpu.dma_semaphore, #tpu.memory_space<semaphore_mem>>) src(%arg12 : memref<128x128xf32, #tpu.memory_space<vmem>>) dst(%dma_wait3A_98 : memref<10240x128xf32, #tpu.memory_space<vmem_shared>>)
        tpu.yield
      }) : () -> ()
      %dma_wait3A_84 = arith.constant 640 : i32
      %dma_wait3A_85 = tpu.memref_slice %arg8[%dma_wait3A_84] : memref<768xi32, #tpu.memory_space<vmem>> -> memref<128xi32, #tpu.memory_space<vmem>>
      %dma_wait3A_86 = arith.constant 0 : i32
      %dma_wait3A_87 = arith.constant 0 : i32
      %dma_wait3A_88 = tpu.memref_slice %arg2[%dma_wait3A_86, %dma_wait3A_87] : memref<10000x128xf32, #tpu.memory_space<hbm>> -> memref<10000x128xf32, #tpu.memory_space<hbm>>
      tpu.wait_indirect_dma semaphore(%arg18 : memref<!tpu.dma_semaphore, #tpu.memory_space<semaphore_mem>>) src(%dma_wait3A_88 : memref<10000x128xf32, #tpu.memory_space<hbm>>) dst(%arg13 : memref<128x128xf32, #tpu.memory_space<vmem>>)
      "tpu.region"() ({
        %run_scoped3A = tpu.sem_alloc : memref<!tpu.dma_semaphore, #tpu.memory_space<semaphore_mem>>
        %dma_start3A_89 = arith.constant 640 : i32
        %dma_start3A_90 = tpu.memref_slice %arg9[%dma_start3A_89] : memref<768xi32, #tpu.memory_space<vmem>> -> memref<128xi32, #tpu.memory_space<vmem>>
        %dma_start3A_91 = arith.constant 0 : i32
        %dma_start3A_92 = arith.constant 0 : i32
        %dma_start3A_93 = tpu.memref_slice %arg16[%dma_start3A_91, %dma_start3A_92] : memref<10240x128xf32, #tpu.memory_space<vmem_shared>> -> memref<10240x128xf32, #tpu.memory_space<vmem_shared>>
        tpu.enqueue_indirect_dma source(%arg13 : memref<128x128xf32, #tpu.memory_space<vmem>>) target(%dma_start3A_93 : memref<10240x128xf32, #tpu.memory_space<vmem_shared>>) offsets(%dma_start3A_90 : memref<128xi32, #tpu.memory_space<vmem>>) semaphore(%run_scoped3A : memref<!tpu.dma_semaphore, #tpu.memory_space<semaphore_mem>>) {add = true}
        %dma_wait3A_94 = arith.constant 640 : i32
        %dma_wait3A_95 = tpu.memref_slice %arg9[%dma_wait3A_94] : memref<768xi32, #tpu.memory_space<vmem>> -> memref<128xi32, #tpu.memory_space<vmem>>
        %dma_wait3A_96 = arith.constant 0 : i32
        %dma_wait3A_97 = arith.constant 0 : i32
        %dma_wait3A_98 = tpu.memref_slice %arg16[%dma_wait3A_96, %dma_wait3A_97] : memref<10240x128xf32, #tpu.memory_space<vmem_shared>> -> memref<10240x128xf32, #tpu.memory_space<vmem_shared>>
        tpu.wait_indirect_dma semaphore(%run_scoped3A : memref<!tpu.dma_semaphore, #tpu.memory_space<semaphore_mem>>) src(%arg13 : memref<128x128xf32, #tpu.memory_space<vmem>>) dst(%dma_wait3A_98 : memref<10240x128xf32, #tpu.memory_space<vmem_shared>>)
        tpu.yield
      }) : () -> ()
    }
    %scan3A_17 = arith.constant 13 : i32
    %barrier3A_18 = arith.constant 0 : index
    tpu.barrier barrier_id(%barrier3A_18)
    %scan3A_19 = arith.constant 0 : i32
    %scan3A_20 = arith.constant 0 : i32
    %scan3A_21 = arith.constant 5 : i32
    %scan3A_22 = arith.addi %scan3A_20, %scan3A_21 : i32
    %scan3A_23 = arith.constant 1 : i32
    scf.for %scan3A_25 = %scan3A_20 to %scan3A_22 step %scan3A_23  : i32 {
      %mul3A_26 = arith.constant 640 : i32
      %mul3A_27 = arith.muli %arg1, %mul3A_26 : i32
      %mul3A_28 = arith.constant 128 : i32
      %mul3A_29 = arith.muli %scan3A_25, %mul3A_28 : i32
      %add3A_30 = arith.addi %mul3A_27, %mul3A_29 : i32
      "tpu.region"() ({
        %run_scoped3A = tpu.sem_alloc : memref<!tpu.dma_semaphore, #tpu.memory_space<semaphore_mem>>
        %dma_start3A = arith.constant 0 : i32
        %dma_start3A_31 = tpu.memref_slice %arg16[%add3A_30, %dma_start3A] : memref<10240x128xf32, #tpu.memory_space<vmem_shared>> -> memref<128x128xf32, #tpu.memory_space<vmem_shared>>
        %dma_start3A_32 = arith.constant 0 : i32
        %dma_start3A_33 = tpu.memref_slice %arg16[%add3A_30, %dma_start3A_32] : memref<10240x128xf32, #tpu.memory_space<vmem_shared>> -> memref<128x128xf32, #tpu.memory_space<vmem_shared>>
        tpu.enqueue_dma source(%dma_start3A_33 : memref<128x128xf32, #tpu.memory_space<vmem_shared>>) target(%arg12 : memref<128x128xf32, #tpu.memory_space<vmem>>) target_semaphore(%run_scoped3A : memref<!tpu.dma_semaphore, #tpu.memory_space<semaphore_mem>>)
        %dma_wait3A = arith.constant 0 : i32
        %dma_wait3A_34 = tpu.memref_slice %arg16[%add3A_30, %dma_wait3A] : memref<10240x128xf32, #tpu.memory_space<vmem_shared>> -> memref<128x128xf32, #tpu.memory_space<vmem_shared>>
        %dma_wait3A_35 = arith.constant 0 : i32
        %dma_wait3A_36 = tpu.memref_slice %arg16[%add3A_30, %dma_wait3A_35] : memref<10240x128xf32, #tpu.memory_space<vmem_shared>> -> memref<128x128xf32, #tpu.memory_space<vmem_shared>>
        tpu.wait_dma2 semaphore(%run_scoped3A : memref<!tpu.dma_semaphore, #tpu.memory_space<semaphore_mem>>) src(%dma_wait3A_36 : memref<128x128xf32, #tpu.memory_space<vmem_shared>>) dst(%arg12 : memref<128x128xf32, #tpu.memory_space<vmem>>)
        tpu.yield
      }) : () -> ()
      "tpu.region"() ({
        %run_scoped3A = tpu.sem_alloc : memref<!tpu.dma_semaphore, #tpu.memory_space<semaphore_mem>>
        %dma_start3A = arith.constant 0 : i32
        %dma_start3A_31 = tpu.memref_slice %arg7[%arg0, %add3A_30, %dma_start3A] : memref<2x10240x128xf32, #tpu.memory_space<hbm>> -> memref<1x128x128xf32, #tpu.memory_space<hbm>>
        %dma_start3A_32 = tpu.memref_squeeze %dma_start3A_31 : memref<1x128x128xf32, #tpu.memory_space<hbm>> -> memref<128x128xf32, #tpu.memory_space<hbm>>
        %dma_start3A_33 = arith.constant 0 : i32
        %dma_start3A_34 = tpu.memref_slice %arg7[%arg0, %add3A_30, %dma_start3A_33] : memref<2x10240x128xf32, #tpu.memory_space<hbm>> -> memref<1x128x128xf32, #tpu.memory_space<hbm>>
        %dma_start3A_35 = tpu.memref_squeeze %dma_start3A_34 : memref<1x128x128xf32, #tpu.memory_space<hbm>> -> memref<128x128xf32, #tpu.memory_space<hbm>>
        tpu.enqueue_dma source(%arg12 : memref<128x128xf32, #tpu.memory_space<vmem>>) target(%dma_start3A_35 : memref<128x128xf32, #tpu.memory_space<hbm>>) target_semaphore(%run_scoped3A : memref<!tpu.dma_semaphore, #tpu.memory_space<semaphore_mem>>)
        %dma_wait3A = arith.constant 0 : i32
        %dma_wait3A_36 = tpu.memref_slice %arg7[%arg0, %add3A_30, %dma_wait3A] : memref<2x10240x128xf32, #tpu.memory_space<hbm>> -> memref<1x128x128xf32, #tpu.memory_space<hbm>>
        %dma_wait3A_37 = tpu.memref_squeeze %dma_wait3A_36 : memref<1x128x128xf32, #tpu.memory_space<hbm>> -> memref<128x128xf32, #tpu.memory_space<hbm>>
        %dma_wait3A_38 = arith.constant 0 : i32
        %dma_wait3A_39 = tpu.memref_slice %arg7[%arg0, %add3A_30, %dma_wait3A_38] : memref<2x10240x128xf32, #tpu.memory_space<hbm>> -> memref<1x128x128xf32, #tpu.memory_space<hbm>>
        %dma_wait3A_40 = tpu.memref_squeeze %dma_wait3A_39 : memref<1x128x128xf32, #tpu.memory_space<hbm>> -> memref<128x128xf32, #tpu.memory_space<hbm>>
        tpu.wait_dma2 semaphore(%run_scoped3A : memref<!tpu.dma_semaphore, #tpu.memory_space<semaphore_mem>>) src(%arg12 : memref<128x128xf32, #tpu.memory_space<vmem>>) dst(%dma_wait3A_40 : memref<128x128xf32, #tpu.memory_space<hbm>>)
        tpu.yield
      }) : () -> ()
    }
    %scan3A_24 = arith.constant 5 : i32
    return
  }
}

#map = affine_map<(d0, d1) -> (0, 0)>
#map1 = affine_map<(d0, d1) -> (0)>
#map2 = affine_map<(d0, d1) -> (0, 0, 0)>
module attributes {stable_mosaic.version = 14 : i64} {
  func.func @body(%arg0: i32, %arg1: i32, %arg2: memref<10000x128xf32, #tpu.memory_space<hbm>>, %arg3: memref<320000xi32, #tpu.memory_space<hbm>>, %arg4: memref<320000xi32, #tpu.memory_space<hbm>>, %arg5: memref<128x128xf32, #tpu.memory_space<hbm>>, %arg6: memref<128xf32, #tpu.memory_space<hbm>>, %arg7: memref<2x10240x128xf32, #tpu.memory_space<hbm>>, %arg8: memref<2x10240xf32, #tpu.memory_space<hbm>>, %arg9: memref<768xi32, #tpu.memory_space<vmem>>, %arg10: memref<768xi32, #tpu.memory_space<vmem>>, %arg11: memref<128xi32, #tpu.memory_space<vmem>>, %arg12: memref<128xi32, #tpu.memory_space<vmem>>, %arg13: memref<128x128xf32, #tpu.memory_space<vmem>>, %arg14: memref<128x128xf32, #tpu.memory_space<vmem>>, %arg15: memref<128xf32, #tpu.memory_space<vmem>>, %arg16: memref<640xf32, #tpu.memory_space<vmem>>, %arg17: memref<10240x128xf32, #tpu.memory_space<vmem_shared>>, %arg18: memref<10240xf32, #tpu.memory_space<vmem_shared>>, %arg19: memref<!tpu.dma_semaphore, #tpu.memory_space<semaphore_mem>>) attributes {dimension_semantics = [#tpu.dimension_semantics<core_parallel>, #tpu.dimension_semantics<subcore_parallel>], iteration_bounds = array<i64: 2, 16>, scalar_prefetch = 0 : i64, scratch_operands = 11 : i64, tpu.core_type = #tpu.core_type<sc_vector_subcore>, window_params = [{transform_indices = #map}, {transform_indices = #map1}, {transform_indices = #map1}, {transform_indices = #map}, {transform_indices = #map1}, {transform_indices = #map2}, {transform_indices = #map}]} {
    %mul3A = arith.constant 2 : i32
    %mul3A_0 = arith.muli %arg1, %mul3A : i32
    %add3A = arith.addi %mul3A_0, %arg0 : i32
    "tpu.region"() ({
      %run_scoped3A = tpu.sem_alloc : memref<!tpu.dma_semaphore, #tpu.memory_space<semaphore_mem>>
      tpu.enqueue_dma source(%arg5 : memref<128x128xf32, #tpu.memory_space<hbm>>) target(%arg13 : memref<128x128xf32, #tpu.memory_space<vmem>>) target_semaphore(%run_scoped3A : memref<!tpu.dma_semaphore, #tpu.memory_space<semaphore_mem>>)
      tpu.wait_dma2 semaphore(%run_scoped3A : memref<!tpu.dma_semaphore, #tpu.memory_space<semaphore_mem>>) src(%arg5 : memref<128x128xf32, #tpu.memory_space<hbm>>) dst(%arg13 : memref<128x128xf32, #tpu.memory_space<vmem>>)
      tpu.yield
    }) : () -> ()
    "tpu.region"() ({
      %run_scoped3A = tpu.sem_alloc : memref<!tpu.dma_semaphore, #tpu.memory_space<semaphore_mem>>
      tpu.enqueue_dma source(%arg6 : memref<128xf32, #tpu.memory_space<hbm>>) target(%arg15 : memref<128xf32, #tpu.memory_space<vmem>>) target_semaphore(%run_scoped3A : memref<!tpu.dma_semaphore, #tpu.memory_space<semaphore_mem>>)
      tpu.wait_dma2 semaphore(%run_scoped3A : memref<!tpu.dma_semaphore, #tpu.memory_space<semaphore_mem>>) src(%arg6 : memref<128xf32, #tpu.memory_space<hbm>>) dst(%arg15 : memref<128xf32, #tpu.memory_space<vmem>>)
      tpu.yield
    }) : () -> ()
    %scan3A = arith.constant 0 : i32
    %scan3A_1 = arith.constant 0 : i32
    %scan3A_2 = arith.constant 5 : i32
    %scan3A_3 = arith.addi %scan3A_1, %scan3A_2 : i32
    %scan3A_4 = arith.constant 1 : i32
    scf.for %scan3A_29 = %scan3A_1 to %scan3A_3 step %scan3A_4  : i32 {
      %mul3A_30 = arith.constant 640 : i32
      %mul3A_31 = arith.muli %arg1, %mul3A_30 : i32
      %mul3A_32 = arith.constant 128 : i32
      %mul3A_33 = arith.muli %scan3A_29, %mul3A_32 : i32
      %add3A_34 = arith.addi %mul3A_31, %mul3A_33 : i32
      "tpu.region"() ({
        %run_scoped3A_35 = tpu.sem_alloc : memref<!tpu.dma_semaphore, #tpu.memory_space<semaphore_mem>>
        %dma_start3A = arith.constant 0 : i32
        %dma_start3A_36 = tpu.memref_slice %arg17[%add3A_34, %dma_start3A] : memref<10240x128xf32, #tpu.memory_space<vmem_shared>> -> memref<128x128xf32, #tpu.memory_space<vmem_shared>>
        %dma_start3A_37 = arith.constant 0 : i32
        %dma_start3A_38 = tpu.memref_slice %arg17[%add3A_34, %dma_start3A_37] : memref<10240x128xf32, #tpu.memory_space<vmem_shared>> -> memref<128x128xf32, #tpu.memory_space<vmem_shared>>
        tpu.enqueue_dma source(%arg13 : memref<128x128xf32, #tpu.memory_space<vmem>>) target(%dma_start3A_38 : memref<128x128xf32, #tpu.memory_space<vmem_shared>>) target_semaphore(%run_scoped3A_35 : memref<!tpu.dma_semaphore, #tpu.memory_space<semaphore_mem>>)
        %dma_wait3A = arith.constant 0 : i32
        %dma_wait3A_39 = tpu.memref_slice %arg17[%add3A_34, %dma_wait3A] : memref<10240x128xf32, #tpu.memory_space<vmem_shared>> -> memref<128x128xf32, #tpu.memory_space<vmem_shared>>
        %dma_wait3A_40 = arith.constant 0 : i32
        %dma_wait3A_41 = tpu.memref_slice %arg17[%add3A_34, %dma_wait3A_40] : memref<10240x128xf32, #tpu.memory_space<vmem_shared>> -> memref<128x128xf32, #tpu.memory_space<vmem_shared>>
        tpu.wait_dma2 semaphore(%run_scoped3A_35 : memref<!tpu.dma_semaphore, #tpu.memory_space<semaphore_mem>>) src(%arg13 : memref<128x128xf32, #tpu.memory_space<vmem>>) dst(%dma_wait3A_41 : memref<128x128xf32, #tpu.memory_space<vmem_shared>>)
        tpu.yield
      }) : () -> ()
      %run_scoped3A = arith.constant 0 : i32
      "tpu.region"() ({
        %run_scoped3A_35 = tpu.sem_alloc : memref<!tpu.dma_semaphore, #tpu.memory_space<semaphore_mem>>
        %dma_start3A = arith.constant 0 : i32
        %dma_start3A_36 = tpu.memref_slice %arg13[%run_scoped3A, %dma_start3A] : memref<128x128xf32, #tpu.memory_space<vmem>> -> memref<1x128xf32, #tpu.memory_space<vmem>>
        %dma_start3A_37 = tpu.memref_squeeze %dma_start3A_36 : memref<1x128xf32, #tpu.memory_space<vmem>> -> memref<128xf32, #tpu.memory_space<vmem>>
        %dma_start3A_38 = tpu.memref_slice %arg18[%add3A_34] : memref<10240xf32, #tpu.memory_space<vmem_shared>> -> memref<128xf32, #tpu.memory_space<vmem_shared>>
        %dma_start3A_39 = tpu.memref_slice %arg18[%add3A_34] : memref<10240xf32, #tpu.memory_space<vmem_shared>> -> memref<128xf32, #tpu.memory_space<vmem_shared>>
        %dma_start3A_40 = arith.constant 0 : i32
        %dma_start3A_41 = tpu.memref_slice %arg13[%run_scoped3A, %dma_start3A_40] : memref<128x128xf32, #tpu.memory_space<vmem>> -> memref<1x128xf32, #tpu.memory_space<vmem>>
        %dma_start3A_42 = tpu.memref_squeeze %dma_start3A_41 : memref<1x128xf32, #tpu.memory_space<vmem>> -> memref<128xf32, #tpu.memory_space<vmem>>
        tpu.enqueue_dma source(%dma_start3A_42 : memref<128xf32, #tpu.memory_space<vmem>>) target(%dma_start3A_39 : memref<128xf32, #tpu.memory_space<vmem_shared>>) target_semaphore(%run_scoped3A_35 : memref<!tpu.dma_semaphore, #tpu.memory_space<semaphore_mem>>)
        %dma_wait3A = arith.constant 0 : i32
        %dma_wait3A_43 = tpu.memref_slice %arg13[%run_scoped3A, %dma_wait3A] : memref<128x128xf32, #tpu.memory_space<vmem>> -> memref<1x128xf32, #tpu.memory_space<vmem>>
        %dma_wait3A_44 = tpu.memref_squeeze %dma_wait3A_43 : memref<1x128xf32, #tpu.memory_space<vmem>> -> memref<128xf32, #tpu.memory_space<vmem>>
        %dma_wait3A_45 = tpu.memref_slice %arg18[%add3A_34] : memref<10240xf32, #tpu.memory_space<vmem_shared>> -> memref<128xf32, #tpu.memory_space<vmem_shared>>
        %dma_wait3A_46 = tpu.memref_slice %arg18[%add3A_34] : memref<10240xf32, #tpu.memory_space<vmem_shared>> -> memref<128xf32, #tpu.memory_space<vmem_shared>>
        %dma_wait3A_47 = arith.constant 0 : i32
        %dma_wait3A_48 = tpu.memref_slice %arg13[%run_scoped3A, %dma_wait3A_47] : memref<128x128xf32, #tpu.memory_space<vmem>> -> memref<1x128xf32, #tpu.memory_space<vmem>>
        %dma_wait3A_49 = tpu.memref_squeeze %dma_wait3A_48 : memref<1x128xf32, #tpu.memory_space<vmem>> -> memref<128xf32, #tpu.memory_space<vmem>>
        tpu.wait_dma2 semaphore(%run_scoped3A_35 : memref<!tpu.dma_semaphore, #tpu.memory_space<semaphore_mem>>) src(%dma_wait3A_49 : memref<128xf32, #tpu.memory_space<vmem>>) dst(%dma_wait3A_46 : memref<128xf32, #tpu.memory_space<vmem_shared>>)
        tpu.yield
      }) : () -> ()
    }
    %scan3A_5 = arith.constant 5 : i32
    %barrier3A = arith.constant 0 : index
    tpu.barrier barrier_id(%barrier3A)
    %lt3A = arith.constant 4 : i32
    %lt3A_6 = arith.cmpi slt, %add3A, %lt3A : i32
    %convert_element_type3A = arith.extui %lt3A_6 : i1 to i32
    %cond3A = arith.constant 0 : i32
    %cond3A_7 = arith.cmpi ne, %convert_element_type3A, %cond3A : i32
    scf.if %cond3A_7 {
      %add3A_29 = arith.constant 2496 : i32
      %add3A_30 = arith.addi %add3A_29, %add3A : i32
      %mul3A_31 = arith.constant 128 : i32
      %mul3A_32 = arith.muli %add3A_30, %mul3A_31 : i32
      "tpu.region"() ({
        %run_scoped3A = tpu.sem_alloc : memref<!tpu.dma_semaphore, #tpu.memory_space<semaphore_mem>>
        %dma_start3A_37 = tpu.memref_slice %arg3[%mul3A_32] : memref<320000xi32, #tpu.memory_space<hbm>> -> memref<128xi32, #tpu.memory_space<hbm>>
        %dma_start3A_38 = tpu.memref_slice %arg3[%mul3A_32] : memref<320000xi32, #tpu.memory_space<hbm>> -> memref<128xi32, #tpu.memory_space<hbm>>
        tpu.enqueue_dma source(%dma_start3A_38 : memref<128xi32, #tpu.memory_space<hbm>>) target(%arg11 : memref<128xi32, #tpu.memory_space<vmem>>) target_semaphore(%run_scoped3A : memref<!tpu.dma_semaphore, #tpu.memory_space<semaphore_mem>>)
        %dma_wait3A_39 = tpu.memref_slice %arg3[%mul3A_32] : memref<320000xi32, #tpu.memory_space<hbm>> -> memref<128xi32, #tpu.memory_space<hbm>>
        %dma_wait3A_40 = tpu.memref_slice %arg3[%mul3A_32] : memref<320000xi32, #tpu.memory_space<hbm>> -> memref<128xi32, #tpu.memory_space<hbm>>
        tpu.wait_dma2 semaphore(%run_scoped3A : memref<!tpu.dma_semaphore, #tpu.memory_space<semaphore_mem>>) src(%dma_wait3A_40 : memref<128xi32, #tpu.memory_space<hbm>>) dst(%arg11 : memref<128xi32, #tpu.memory_space<vmem>>)
        tpu.yield
      }) : () -> ()
      "tpu.region"() ({
        %run_scoped3A = tpu.sem_alloc : memref<!tpu.dma_semaphore, #tpu.memory_space<semaphore_mem>>
        %dma_start3A_37 = tpu.memref_slice %arg4[%mul3A_32] : memref<320000xi32, #tpu.memory_space<hbm>> -> memref<128xi32, #tpu.memory_space<hbm>>
        %dma_start3A_38 = tpu.memref_slice %arg4[%mul3A_32] : memref<320000xi32, #tpu.memory_space<hbm>> -> memref<128xi32, #tpu.memory_space<hbm>>
        tpu.enqueue_dma source(%dma_start3A_38 : memref<128xi32, #tpu.memory_space<hbm>>) target(%arg12 : memref<128xi32, #tpu.memory_space<vmem>>) target_semaphore(%run_scoped3A : memref<!tpu.dma_semaphore, #tpu.memory_space<semaphore_mem>>)
        %dma_wait3A_39 = tpu.memref_slice %arg4[%mul3A_32] : memref<320000xi32, #tpu.memory_space<hbm>> -> memref<128xi32, #tpu.memory_space<hbm>>
        %dma_wait3A_40 = tpu.memref_slice %arg4[%mul3A_32] : memref<320000xi32, #tpu.memory_space<hbm>> -> memref<128xi32, #tpu.memory_space<hbm>>
        tpu.wait_dma2 semaphore(%run_scoped3A : memref<!tpu.dma_semaphore, #tpu.memory_space<semaphore_mem>>) src(%dma_wait3A_40 : memref<128xi32, #tpu.memory_space<hbm>>) dst(%arg12 : memref<128xi32, #tpu.memory_space<vmem>>)
        tpu.yield
      }) : () -> ()
      %dma_start3A = arith.constant 0 : i32
      %dma_start3A_33 = arith.constant 0 : i32
      %dma_start3A_34 = tpu.memref_slice %arg2[%dma_start3A, %dma_start3A_33] : memref<10000x128xf32, #tpu.memory_space<hbm>> -> memref<10000x128xf32, #tpu.memory_space<hbm>>
      tpu.enqueue_indirect_dma source(%dma_start3A_34 : memref<10000x128xf32, #tpu.memory_space<hbm>>) target(%arg13 : memref<128x128xf32, #tpu.memory_space<vmem>>) offsets(%arg11 : memref<128xi32, #tpu.memory_space<vmem>>) semaphore(%arg19 : memref<!tpu.dma_semaphore, #tpu.memory_space<semaphore_mem>>)
      %dma_wait3A = arith.constant 0 : i32
      %dma_wait3A_35 = arith.constant 0 : i32
      %dma_wait3A_36 = tpu.memref_slice %arg2[%dma_wait3A, %dma_wait3A_35] : memref<10000x128xf32, #tpu.memory_space<hbm>> -> memref<10000x128xf32, #tpu.memory_space<hbm>>
      tpu.wait_indirect_dma semaphore(%arg19 : memref<!tpu.dma_semaphore, #tpu.memory_space<semaphore_mem>>) src(%dma_wait3A_36 : memref<10000x128xf32, #tpu.memory_space<hbm>>) dst(%arg13 : memref<128x128xf32, #tpu.memory_space<vmem>>)
      "tpu.region"() ({
        %run_scoped3A = tpu.sem_alloc : memref<!tpu.dma_semaphore, #tpu.memory_space<semaphore_mem>>
        %dma_start3A_37 = arith.constant 0 : i32
        %dma_start3A_38 = arith.constant 0 : i32
        %dma_start3A_39 = tpu.memref_slice %arg17[%dma_start3A_37, %dma_start3A_38] : memref<10240x128xf32, #tpu.memory_space<vmem_shared>> -> memref<10240x128xf32, #tpu.memory_space<vmem_shared>>
        tpu.enqueue_indirect_dma source(%arg13 : memref<128x128xf32, #tpu.memory_space<vmem>>) target(%dma_start3A_39 : memref<10240x128xf32, #tpu.memory_space<vmem_shared>>) offsets(%arg12 : memref<128xi32, #tpu.memory_space<vmem>>) semaphore(%run_scoped3A : memref<!tpu.dma_semaphore, #tpu.memory_space<semaphore_mem>>) {add = true}
        %dma_wait3A_40 = arith.constant 0 : i32
        %dma_wait3A_41 = arith.constant 0 : i32
        %dma_wait3A_42 = tpu.memref_slice %arg17[%dma_wait3A_40, %dma_wait3A_41] : memref<10240x128xf32, #tpu.memory_space<vmem_shared>> -> memref<10240x128xf32, #tpu.memory_space<vmem_shared>>
        tpu.wait_indirect_dma semaphore(%run_scoped3A : memref<!tpu.dma_semaphore, #tpu.memory_space<semaphore_mem>>) src(%arg13 : memref<128x128xf32, #tpu.memory_space<vmem>>) dst(%dma_wait3A_42 : memref<10240x128xf32, #tpu.memory_space<vmem_shared>>)
        tpu.yield
      }) : () -> ()
      "tpu.region"() ({
        %run_scoped3A = tpu.sem_alloc : memref<!tpu.dma_semaphore, #tpu.memory_space<semaphore_mem>>
        %dma_start3A_37 = arith.constant 0 : i32
        %dma_start3A_38 = tpu.memref_slice %arg18[%dma_start3A_37] : memref<10240xf32, #tpu.memory_space<vmem_shared>> -> memref<10240xf32, #tpu.memory_space<vmem_shared>>
        tpu.enqueue_indirect_dma source(%arg15 : memref<128xf32, #tpu.memory_space<vmem>>) target(%dma_start3A_38 : memref<10240xf32, #tpu.memory_space<vmem_shared>>) offsets(%arg12 : memref<128xi32, #tpu.memory_space<vmem>>) semaphore(%run_scoped3A : memref<!tpu.dma_semaphore, #tpu.memory_space<semaphore_mem>>) {add = true}
        %dma_wait3A_39 = arith.constant 0 : i32
        %dma_wait3A_40 = tpu.memref_slice %arg18[%dma_wait3A_39] : memref<10240xf32, #tpu.memory_space<vmem_shared>> -> memref<10240xf32, #tpu.memory_space<vmem_shared>>
        tpu.wait_indirect_dma semaphore(%run_scoped3A : memref<!tpu.dma_semaphore, #tpu.memory_space<semaphore_mem>>) src(%arg15 : memref<128xf32, #tpu.memory_space<vmem>>) dst(%dma_wait3A_40 : memref<10240xf32, #tpu.memory_space<vmem_shared>>)
        tpu.yield
      }) : () -> ()
    } else {
    }
    %mul3A_8 = arith.constant 78 : i32
    %mul3A_9 = arith.muli %add3A, %mul3A_8 : i32
    %mul3A_10 = arith.constant 128 : i32
    %mul3A_11 = arith.muli %mul3A_9, %mul3A_10 : i32
    %scan3A_12 = arith.constant 0 : i32
    %scan3A_13 = arith.constant 0 : i32
    %scan3A_14 = arith.constant 13 : i32
    %scan3A_15 = arith.addi %scan3A_13, %scan3A_14 : i32
    %scan3A_16 = arith.constant 1 : i32
    scf.for %scan3A_29 = %scan3A_13 to %scan3A_15 step %scan3A_16  : i32 {
      %mul3A_30 = arith.constant 6 : i32
      %mul3A_31 = arith.muli %scan3A_29, %mul3A_30 : i32
      %mul3A_32 = arith.constant 128 : i32
      %mul3A_33 = arith.muli %mul3A_31, %mul3A_32 : i32
      %add3A_34 = arith.addi %mul3A_11, %mul3A_33 : i32
      "tpu.region"() ({
        %run_scoped3A = tpu.sem_alloc : memref<!tpu.dma_semaphore, #tpu.memory_space<semaphore_mem>>
        %dma_start3A_93 = tpu.memref_slice %arg3[%add3A_34] : memref<320000xi32, #tpu.memory_space<hbm>> -> memref<768xi32, #tpu.memory_space<hbm>>
        %dma_start3A_94 = tpu.memref_slice %arg3[%add3A_34] : memref<320000xi32, #tpu.memory_space<hbm>> -> memref<768xi32, #tpu.memory_space<hbm>>
        tpu.enqueue_dma source(%dma_start3A_94 : memref<768xi32, #tpu.memory_space<hbm>>) target(%arg9 : memref<768xi32, #tpu.memory_space<vmem>>) target_semaphore(%run_scoped3A : memref<!tpu.dma_semaphore, #tpu.memory_space<semaphore_mem>>)
        %dma_wait3A_95 = tpu.memref_slice %arg3[%add3A_34] : memref<320000xi32, #tpu.memory_space<hbm>> -> memref<768xi32, #tpu.memory_space<hbm>>
        %dma_wait3A_96 = tpu.memref_slice %arg3[%add3A_34] : memref<320000xi32, #tpu.memory_space<hbm>> -> memref<768xi32, #tpu.memory_space<hbm>>
        tpu.wait_dma2 semaphore(%run_scoped3A : memref<!tpu.dma_semaphore, #tpu.memory_space<semaphore_mem>>) src(%dma_wait3A_96 : memref<768xi32, #tpu.memory_space<hbm>>) dst(%arg9 : memref<768xi32, #tpu.memory_space<vmem>>)
        tpu.yield
      }) : () -> ()
      "tpu.region"() ({
        %run_scoped3A = tpu.sem_alloc : memref<!tpu.dma_semaphore, #tpu.memory_space<semaphore_mem>>
        %dma_start3A_93 = tpu.memref_slice %arg4[%add3A_34] : memref<320000xi32, #tpu.memory_space<hbm>> -> memref<768xi32, #tpu.memory_space<hbm>>
        %dma_start3A_94 = tpu.memref_slice %arg4[%add3A_34] : memref<320000xi32, #tpu.memory_space<hbm>> -> memref<768xi32, #tpu.memory_space<hbm>>
        tpu.enqueue_dma source(%dma_start3A_94 : memref<768xi32, #tpu.memory_space<hbm>>) target(%arg10 : memref<768xi32, #tpu.memory_space<vmem>>) target_semaphore(%run_scoped3A : memref<!tpu.dma_semaphore, #tpu.memory_space<semaphore_mem>>)
        %dma_wait3A_95 = tpu.memref_slice %arg4[%add3A_34] : memref<320000xi32, #tpu.memory_space<hbm>> -> memref<768xi32, #tpu.memory_space<hbm>>
        %dma_wait3A_96 = tpu.memref_slice %arg4[%add3A_34] : memref<320000xi32, #tpu.memory_space<hbm>> -> memref<768xi32, #tpu.memory_space<hbm>>
        tpu.wait_dma2 semaphore(%run_scoped3A : memref<!tpu.dma_semaphore, #tpu.memory_space<semaphore_mem>>) src(%dma_wait3A_96 : memref<768xi32, #tpu.memory_space<hbm>>) dst(%arg10 : memref<768xi32, #tpu.memory_space<vmem>>)
        tpu.yield
      }) : () -> ()
      %dma_start3A = arith.constant 0 : i32
      %dma_start3A_35 = tpu.memref_slice %arg9[%dma_start3A] : memref<768xi32, #tpu.memory_space<vmem>> -> memref<128xi32, #tpu.memory_space<vmem>>
      %dma_start3A_36 = arith.constant 0 : i32
      %dma_start3A_37 = arith.constant 0 : i32
      %dma_start3A_38 = tpu.memref_slice %arg2[%dma_start3A_36, %dma_start3A_37] : memref<10000x128xf32, #tpu.memory_space<hbm>> -> memref<10000x128xf32, #tpu.memory_space<hbm>>
      tpu.enqueue_indirect_dma source(%dma_start3A_38 : memref<10000x128xf32, #tpu.memory_space<hbm>>) target(%arg13 : memref<128x128xf32, #tpu.memory_space<vmem>>) offsets(%dma_start3A_35 : memref<128xi32, #tpu.memory_space<vmem>>) semaphore(%arg19 : memref<!tpu.dma_semaphore, #tpu.memory_space<semaphore_mem>>)
      %dma_wait3A = arith.constant 0 : i32
      %dma_wait3A_39 = tpu.memref_slice %arg9[%dma_wait3A] : memref<768xi32, #tpu.memory_space<vmem>> -> memref<128xi32, #tpu.memory_space<vmem>>
      %dma_wait3A_40 = arith.constant 0 : i32
      %dma_wait3A_41 = arith.constant 0 : i32
      %dma_wait3A_42 = tpu.memref_slice %arg2[%dma_wait3A_40, %dma_wait3A_41] : memref<10000x128xf32, #tpu.memory_space<hbm>> -> memref<10000x128xf32, #tpu.memory_space<hbm>>
      tpu.wait_indirect_dma semaphore(%arg19 : memref<!tpu.dma_semaphore, #tpu.memory_space<semaphore_mem>>) src(%dma_wait3A_42 : memref<10000x128xf32, #tpu.memory_space<hbm>>) dst(%arg13 : memref<128x128xf32, #tpu.memory_space<vmem>>)
      %dma_start3A_43 = arith.constant 128 : i32
      %dma_start3A_44 = tpu.memref_slice %arg9[%dma_start3A_43] : memref<768xi32, #tpu.memory_space<vmem>> -> memref<128xi32, #tpu.memory_space<vmem>>
      %dma_start3A_45 = arith.constant 0 : i32
      %dma_start3A_46 = arith.constant 0 : i32
      %dma_start3A_47 = tpu.memref_slice %arg2[%dma_start3A_45, %dma_start3A_46] : memref<10000x128xf32, #tpu.memory_space<hbm>> -> memref<10000x128xf32, #tpu.memory_space<hbm>>
      tpu.enqueue_indirect_dma source(%dma_start3A_47 : memref<10000x128xf32, #tpu.memory_space<hbm>>) target(%arg14 : memref<128x128xf32, #tpu.memory_space<vmem>>) offsets(%dma_start3A_44 : memref<128xi32, #tpu.memory_space<vmem>>) semaphore(%arg19 : memref<!tpu.dma_semaphore, #tpu.memory_space<semaphore_mem>>)
      "tpu.region"() ({
        %run_scoped3A = tpu.sem_alloc : memref<!tpu.dma_semaphore, #tpu.memory_space<semaphore_mem>>
        %dma_start3A_93 = arith.constant 0 : i32
        %dma_start3A_94 = tpu.memref_slice %arg10[%dma_start3A_93] : memref<768xi32, #tpu.memory_space<vmem>> -> memref<128xi32, #tpu.memory_space<vmem>>
        %dma_start3A_95 = arith.constant 0 : i32
        %dma_start3A_96 = arith.constant 0 : i32
        %dma_start3A_97 = tpu.memref_slice %arg17[%dma_start3A_95, %dma_start3A_96] : memref<10240x128xf32, #tpu.memory_space<vmem_shared>> -> memref<10240x128xf32, #tpu.memory_space<vmem_shared>>
        tpu.enqueue_indirect_dma source(%arg13 : memref<128x128xf32, #tpu.memory_space<vmem>>) target(%dma_start3A_97 : memref<10240x128xf32, #tpu.memory_space<vmem_shared>>) offsets(%dma_start3A_94 : memref<128xi32, #tpu.memory_space<vmem>>) semaphore(%run_scoped3A : memref<!tpu.dma_semaphore, #tpu.memory_space<semaphore_mem>>) {add = true}
        %dma_wait3A_98 = arith.constant 0 : i32
        %dma_wait3A_99 = tpu.memref_slice %arg10[%dma_wait3A_98] : memref<768xi32, #tpu.memory_space<vmem>> -> memref<128xi32, #tpu.memory_space<vmem>>
        %dma_wait3A_100 = arith.constant 0 : i32
        %dma_wait3A_101 = arith.constant 0 : i32
        %dma_wait3A_102 = tpu.memref_slice %arg17[%dma_wait3A_100, %dma_wait3A_101] : memref<10240x128xf32, #tpu.memory_space<vmem_shared>> -> memref<10240x128xf32, #tpu.memory_space<vmem_shared>>
        tpu.wait_indirect_dma semaphore(%run_scoped3A : memref<!tpu.dma_semaphore, #tpu.memory_space<semaphore_mem>>) src(%arg13 : memref<128x128xf32, #tpu.memory_space<vmem>>) dst(%dma_wait3A_102 : memref<10240x128xf32, #tpu.memory_space<vmem_shared>>)
        tpu.yield
      }) : () -> ()
      "tpu.region"() ({
        %run_scoped3A = tpu.sem_alloc : memref<!tpu.dma_semaphore, #tpu.memory_space<semaphore_mem>>
        %dma_start3A_93 = arith.constant 0 : i32
        %dma_start3A_94 = tpu.memref_slice %arg10[%dma_start3A_93] : memref<768xi32, #tpu.memory_space<vmem>> -> memref<128xi32, #tpu.memory_space<vmem>>
        %dma_start3A_95 = arith.constant 0 : i32
        %dma_start3A_96 = tpu.memref_slice %arg18[%dma_start3A_95] : memref<10240xf32, #tpu.memory_space<vmem_shared>> -> memref<10240xf32, #tpu.memory_space<vmem_shared>>
        tpu.enqueue_indirect_dma source(%arg15 : memref<128xf32, #tpu.memory_space<vmem>>) target(%dma_start3A_96 : memref<10240xf32, #tpu.memory_space<vmem_shared>>) offsets(%dma_start3A_94 : memref<128xi32, #tpu.memory_space<vmem>>) semaphore(%run_scoped3A : memref<!tpu.dma_semaphore, #tpu.memory_space<semaphore_mem>>) {add = true}
        %dma_wait3A_97 = arith.constant 0 : i32
        %dma_wait3A_98 = tpu.memref_slice %arg10[%dma_wait3A_97] : memref<768xi32, #tpu.memory_space<vmem>> -> memref<128xi32, #tpu.memory_space<vmem>>
        %dma_wait3A_99 = arith.constant 0 : i32
        %dma_wait3A_100 = tpu.memref_slice %arg18[%dma_wait3A_99] : memref<10240xf32, #tpu.memory_space<vmem_shared>> -> memref<10240xf32, #tpu.memory_space<vmem_shared>>
        tpu.wait_indirect_dma semaphore(%run_scoped3A : memref<!tpu.dma_semaphore, #tpu.memory_space<semaphore_mem>>) src(%arg15 : memref<128xf32, #tpu.memory_space<vmem>>) dst(%dma_wait3A_100 : memref<10240xf32, #tpu.memory_space<vmem_shared>>)
        tpu.yield
      }) : () -> ()
      %dma_wait3A_48 = arith.constant 128 : i32
      %dma_wait3A_49 = tpu.memref_slice %arg9[%dma_wait3A_48] : memref<768xi32, #tpu.memory_space<vmem>> -> memref<128xi32, #tpu.memory_space<vmem>>
      %dma_wait3A_50 = arith.constant 0 : i32
      %dma_wait3A_51 = arith.constant 0 : i32
      %dma_wait3A_52 = tpu.memref_slice %arg2[%dma_wait3A_50, %dma_wait3A_51] : memref<10000x128xf32, #tpu.memory_space<hbm>> -> memref<10000x128xf32, #tpu.memory_space<hbm>>
      tpu.wait_indirect_dma semaphore(%arg19 : memref<!tpu.dma_semaphore, #tpu.memory_space<semaphore_mem>>) src(%dma_wait3A_52 : memref<10000x128xf32, #tpu.memory_space<hbm>>) dst(%arg14 : memref<128x128xf32, #tpu.memory_space<vmem>>)
      %dma_start3A_53 = arith.constant 256 : i32
      %dma_start3A_54 = tpu.memref_slice %arg9[%dma_start3A_53] : memref<768xi32, #tpu.memory_space<vmem>> -> memref<128xi32, #tpu.memory_space<vmem>>
      %dma_start3A_55 = arith.constant 0 : i32
      %dma_start3A_56 = arith.constant 0 : i32
      %dma_start3A_57 = tpu.memref_slice %arg2[%dma_start3A_55, %dma_start3A_56] : memref<10000x128xf32, #tpu.memory_space<hbm>> -> memref<10000x128xf32, #tpu.memory_space<hbm>>
      tpu.enqueue_indirect_dma source(%dma_start3A_57 : memref<10000x128xf32, #tpu.memory_space<hbm>>) target(%arg13 : memref<128x128xf32, #tpu.memory_space<vmem>>) offsets(%dma_start3A_54 : memref<128xi32, #tpu.memory_space<vmem>>) semaphore(%arg19 : memref<!tpu.dma_semaphore, #tpu.memory_space<semaphore_mem>>)
      "tpu.region"() ({
        %run_scoped3A = tpu.sem_alloc : memref<!tpu.dma_semaphore, #tpu.memory_space<semaphore_mem>>
        %dma_start3A_93 = arith.constant 128 : i32
        %dma_start3A_94 = tpu.memref_slice %arg10[%dma_start3A_93] : memref<768xi32, #tpu.memory_space<vmem>> -> memref<128xi32, #tpu.memory_space<vmem>>
        %dma_start3A_95 = arith.constant 0 : i32
        %dma_start3A_96 = arith.constant 0 : i32
        %dma_start3A_97 = tpu.memref_slice %arg17[%dma_start3A_95, %dma_start3A_96] : memref<10240x128xf32, #tpu.memory_space<vmem_shared>> -> memref<10240x128xf32, #tpu.memory_space<vmem_shared>>
        tpu.enqueue_indirect_dma source(%arg14 : memref<128x128xf32, #tpu.memory_space<vmem>>) target(%dma_start3A_97 : memref<10240x128xf32, #tpu.memory_space<vmem_shared>>) offsets(%dma_start3A_94 : memref<128xi32, #tpu.memory_space<vmem>>) semaphore(%run_scoped3A : memref<!tpu.dma_semaphore, #tpu.memory_space<semaphore_mem>>) {add = true}
        %dma_wait3A_98 = arith.constant 128 : i32
        %dma_wait3A_99 = tpu.memref_slice %arg10[%dma_wait3A_98] : memref<768xi32, #tpu.memory_space<vmem>> -> memref<128xi32, #tpu.memory_space<vmem>>
        %dma_wait3A_100 = arith.constant 0 : i32
        %dma_wait3A_101 = arith.constant 0 : i32
        %dma_wait3A_102 = tpu.memref_slice %arg17[%dma_wait3A_100, %dma_wait3A_101] : memref<10240x128xf32, #tpu.memory_space<vmem_shared>> -> memref<10240x128xf32, #tpu.memory_space<vmem_shared>>
        tpu.wait_indirect_dma semaphore(%run_scoped3A : memref<!tpu.dma_semaphore, #tpu.memory_space<semaphore_mem>>) src(%arg14 : memref<128x128xf32, #tpu.memory_space<vmem>>) dst(%dma_wait3A_102 : memref<10240x128xf32, #tpu.memory_space<vmem_shared>>)
        tpu.yield
      }) : () -> ()
      "tpu.region"() ({
        %run_scoped3A = tpu.sem_alloc : memref<!tpu.dma_semaphore, #tpu.memory_space<semaphore_mem>>
        %dma_start3A_93 = arith.constant 128 : i32
        %dma_start3A_94 = tpu.memref_slice %arg10[%dma_start3A_93] : memref<768xi32, #tpu.memory_space<vmem>> -> memref<128xi32, #tpu.memory_space<vmem>>
        %dma_start3A_95 = arith.constant 0 : i32
        %dma_start3A_96 = tpu.memref_slice %arg18[%dma_start3A_95] : memref<10240xf32, #tpu.memory_space<vmem_shared>> -> memref<10240xf32, #tpu.memory_space<vmem_shared>>
        tpu.enqueue_indirect_dma source(%arg15 : memref<128xf32, #tpu.memory_space<vmem>>) target(%dma_start3A_96 : memref<10240xf32, #tpu.memory_space<vmem_shared>>) offsets(%dma_start3A_94 : memref<128xi32, #tpu.memory_space<vmem>>) semaphore(%run_scoped3A : memref<!tpu.dma_semaphore, #tpu.memory_space<semaphore_mem>>) {add = true}
        %dma_wait3A_97 = arith.constant 128 : i32
        %dma_wait3A_98 = tpu.memref_slice %arg10[%dma_wait3A_97] : memref<768xi32, #tpu.memory_space<vmem>> -> memref<128xi32, #tpu.memory_space<vmem>>
        %dma_wait3A_99 = arith.constant 0 : i32
        %dma_wait3A_100 = tpu.memref_slice %arg18[%dma_wait3A_99] : memref<10240xf32, #tpu.memory_space<vmem_shared>> -> memref<10240xf32, #tpu.memory_space<vmem_shared>>
        tpu.wait_indirect_dma semaphore(%run_scoped3A : memref<!tpu.dma_semaphore, #tpu.memory_space<semaphore_mem>>) src(%arg15 : memref<128xf32, #tpu.memory_space<vmem>>) dst(%dma_wait3A_100 : memref<10240xf32, #tpu.memory_space<vmem_shared>>)
        tpu.yield
      }) : () -> ()
      %dma_wait3A_58 = arith.constant 256 : i32
      %dma_wait3A_59 = tpu.memref_slice %arg9[%dma_wait3A_58] : memref<768xi32, #tpu.memory_space<vmem>> -> memref<128xi32, #tpu.memory_space<vmem>>
      %dma_wait3A_60 = arith.constant 0 : i32
      %dma_wait3A_61 = arith.constant 0 : i32
      %dma_wait3A_62 = tpu.memref_slice %arg2[%dma_wait3A_60, %dma_wait3A_61] : memref<10000x128xf32, #tpu.memory_space<hbm>> -> memref<10000x128xf32, #tpu.memory_space<hbm>>
      tpu.wait_indirect_dma semaphore(%arg19 : memref<!tpu.dma_semaphore, #tpu.memory_space<semaphore_mem>>) src(%dma_wait3A_62 : memref<10000x128xf32, #tpu.memory_space<hbm>>) dst(%arg13 : memref<128x128xf32, #tpu.memory_space<vmem>>)
      %dma_start3A_63 = arith.constant 384 : i32
      %dma_start3A_64 = tpu.memref_slice %arg9[%dma_start3A_63] : memref<768xi32, #tpu.memory_space<vmem>> -> memref<128xi32, #tpu.memory_space<vmem>>
      %dma_start3A_65 = arith.constant 0 : i32
      %dma_start3A_66 = arith.constant 0 : i32
      %dma_start3A_67 = tpu.memref_slice %arg2[%dma_start3A_65, %dma_start3A_66] : memref<10000x128xf32, #tpu.memory_space<hbm>> -> memref<10000x128xf32, #tpu.memory_space<hbm>>
      tpu.enqueue_indirect_dma source(%dma_start3A_67 : memref<10000x128xf32, #tpu.memory_space<hbm>>) target(%arg14 : memref<128x128xf32, #tpu.memory_space<vmem>>) offsets(%dma_start3A_64 : memref<128xi32, #tpu.memory_space<vmem>>) semaphore(%arg19 : memref<!tpu.dma_semaphore, #tpu.memory_space<semaphore_mem>>)
      "tpu.region"() ({
        %run_scoped3A = tpu.sem_alloc : memref<!tpu.dma_semaphore, #tpu.memory_space<semaphore_mem>>
        %dma_start3A_93 = arith.constant 256 : i32
        %dma_start3A_94 = tpu.memref_slice %arg10[%dma_start3A_93] : memref<768xi32, #tpu.memory_space<vmem>> -> memref<128xi32, #tpu.memory_space<vmem>>
        %dma_start3A_95 = arith.constant 0 : i32
        %dma_start3A_96 = arith.constant 0 : i32
        %dma_start3A_97 = tpu.memref_slice %arg17[%dma_start3A_95, %dma_start3A_96] : memref<10240x128xf32, #tpu.memory_space<vmem_shared>> -> memref<10240x128xf32, #tpu.memory_space<vmem_shared>>
        tpu.enqueue_indirect_dma source(%arg13 : memref<128x128xf32, #tpu.memory_space<vmem>>) target(%dma_start3A_97 : memref<10240x128xf32, #tpu.memory_space<vmem_shared>>) offsets(%dma_start3A_94 : memref<128xi32, #tpu.memory_space<vmem>>) semaphore(%run_scoped3A : memref<!tpu.dma_semaphore, #tpu.memory_space<semaphore_mem>>) {add = true}
        %dma_wait3A_98 = arith.constant 256 : i32
        %dma_wait3A_99 = tpu.memref_slice %arg10[%dma_wait3A_98] : memref<768xi32, #tpu.memory_space<vmem>> -> memref<128xi32, #tpu.memory_space<vmem>>
        %dma_wait3A_100 = arith.constant 0 : i32
        %dma_wait3A_101 = arith.constant 0 : i32
        %dma_wait3A_102 = tpu.memref_slice %arg17[%dma_wait3A_100, %dma_wait3A_101] : memref<10240x128xf32, #tpu.memory_space<vmem_shared>> -> memref<10240x128xf32, #tpu.memory_space<vmem_shared>>
        tpu.wait_indirect_dma semaphore(%run_scoped3A : memref<!tpu.dma_semaphore, #tpu.memory_space<semaphore_mem>>) src(%arg13 : memref<128x128xf32, #tpu.memory_space<vmem>>) dst(%dma_wait3A_102 : memref<10240x128xf32, #tpu.memory_space<vmem_shared>>)
        tpu.yield
      }) : () -> ()
      "tpu.region"() ({
        %run_scoped3A = tpu.sem_alloc : memref<!tpu.dma_semaphore, #tpu.memory_space<semaphore_mem>>
        %dma_start3A_93 = arith.constant 256 : i32
        %dma_start3A_94 = tpu.memref_slice %arg10[%dma_start3A_93] : memref<768xi32, #tpu.memory_space<vmem>> -> memref<128xi32, #tpu.memory_space<vmem>>
        %dma_start3A_95 = arith.constant 0 : i32
        %dma_start3A_96 = tpu.memref_slice %arg18[%dma_start3A_95] : memref<10240xf32, #tpu.memory_space<vmem_shared>> -> memref<10240xf32, #tpu.memory_space<vmem_shared>>
        tpu.enqueue_indirect_dma source(%arg15 : memref<128xf32, #tpu.memory_space<vmem>>) target(%dma_start3A_96 : memref<10240xf32, #tpu.memory_space<vmem_shared>>) offsets(%dma_start3A_94 : memref<128xi32, #tpu.memory_space<vmem>>) semaphore(%run_scoped3A : memref<!tpu.dma_semaphore, #tpu.memory_space<semaphore_mem>>) {add = true}
        %dma_wait3A_97 = arith.constant 256 : i32
        %dma_wait3A_98 = tpu.memref_slice %arg10[%dma_wait3A_97] : memref<768xi32, #tpu.memory_space<vmem>> -> memref<128xi32, #tpu.memory_space<vmem>>
        %dma_wait3A_99 = arith.constant 0 : i32
        %dma_wait3A_100 = tpu.memref_slice %arg18[%dma_wait3A_99] : memref<10240xf32, #tpu.memory_space<vmem_shared>> -> memref<10240xf32, #tpu.memory_space<vmem_shared>>
        tpu.wait_indirect_dma semaphore(%run_scoped3A : memref<!tpu.dma_semaphore, #tpu.memory_space<semaphore_mem>>) src(%arg15 : memref<128xf32, #tpu.memory_space<vmem>>) dst(%dma_wait3A_100 : memref<10240xf32, #tpu.memory_space<vmem_shared>>)
        tpu.yield
      }) : () -> ()
      %dma_wait3A_68 = arith.constant 384 : i32
      %dma_wait3A_69 = tpu.memref_slice %arg9[%dma_wait3A_68] : memref<768xi32, #tpu.memory_space<vmem>> -> memref<128xi32, #tpu.memory_space<vmem>>
      %dma_wait3A_70 = arith.constant 0 : i32
      %dma_wait3A_71 = arith.constant 0 : i32
      %dma_wait3A_72 = tpu.memref_slice %arg2[%dma_wait3A_70, %dma_wait3A_71] : memref<10000x128xf32, #tpu.memory_space<hbm>> -> memref<10000x128xf32, #tpu.memory_space<hbm>>
      tpu.wait_indirect_dma semaphore(%arg19 : memref<!tpu.dma_semaphore, #tpu.memory_space<semaphore_mem>>) src(%dma_wait3A_72 : memref<10000x128xf32, #tpu.memory_space<hbm>>) dst(%arg14 : memref<128x128xf32, #tpu.memory_space<vmem>>)
      %dma_start3A_73 = arith.constant 512 : i32
      %dma_start3A_74 = tpu.memref_slice %arg9[%dma_start3A_73] : memref<768xi32, #tpu.memory_space<vmem>> -> memref<128xi32, #tpu.memory_space<vmem>>
      %dma_start3A_75 = arith.constant 0 : i32
      %dma_start3A_76 = arith.constant 0 : i32
      %dma_start3A_77 = tpu.memref_slice %arg2[%dma_start3A_75, %dma_start3A_76] : memref<10000x128xf32, #tpu.memory_space<hbm>> -> memref<10000x128xf32, #tpu.memory_space<hbm>>
      tpu.enqueue_indirect_dma source(%dma_start3A_77 : memref<10000x128xf32, #tpu.memory_space<hbm>>) target(%arg13 : memref<128x128xf32, #tpu.memory_space<vmem>>) offsets(%dma_start3A_74 : memref<128xi32, #tpu.memory_space<vmem>>) semaphore(%arg19 : memref<!tpu.dma_semaphore, #tpu.memory_space<semaphore_mem>>)
      "tpu.region"() ({
        %run_scoped3A = tpu.sem_alloc : memref<!tpu.dma_semaphore, #tpu.memory_space<semaphore_mem>>
        %dma_start3A_93 = arith.constant 384 : i32
        %dma_start3A_94 = tpu.memref_slice %arg10[%dma_start3A_93] : memref<768xi32, #tpu.memory_space<vmem>> -> memref<128xi32, #tpu.memory_space<vmem>>
        %dma_start3A_95 = arith.constant 0 : i32
        %dma_start3A_96 = arith.constant 0 : i32
        %dma_start3A_97 = tpu.memref_slice %arg17[%dma_start3A_95, %dma_start3A_96] : memref<10240x128xf32, #tpu.memory_space<vmem_shared>> -> memref<10240x128xf32, #tpu.memory_space<vmem_shared>>
        tpu.enqueue_indirect_dma source(%arg14 : memref<128x128xf32, #tpu.memory_space<vmem>>) target(%dma_start3A_97 : memref<10240x128xf32, #tpu.memory_space<vmem_shared>>) offsets(%dma_start3A_94 : memref<128xi32, #tpu.memory_space<vmem>>) semaphore(%run_scoped3A : memref<!tpu.dma_semaphore, #tpu.memory_space<semaphore_mem>>) {add = true}
        %dma_wait3A_98 = arith.constant 384 : i32
        %dma_wait3A_99 = tpu.memref_slice %arg10[%dma_wait3A_98] : memref<768xi32, #tpu.memory_space<vmem>> -> memref<128xi32, #tpu.memory_space<vmem>>
        %dma_wait3A_100 = arith.constant 0 : i32
        %dma_wait3A_101 = arith.constant 0 : i32
        %dma_wait3A_102 = tpu.memref_slice %arg17[%dma_wait3A_100, %dma_wait3A_101] : memref<10240x128xf32, #tpu.memory_space<vmem_shared>> -> memref<10240x128xf32, #tpu.memory_space<vmem_shared>>
        tpu.wait_indirect_dma semaphore(%run_scoped3A : memref<!tpu.dma_semaphore, #tpu.memory_space<semaphore_mem>>) src(%arg14 : memref<128x128xf32, #tpu.memory_space<vmem>>) dst(%dma_wait3A_102 : memref<10240x128xf32, #tpu.memory_space<vmem_shared>>)
        tpu.yield
      }) : () -> ()
      "tpu.region"() ({
        %run_scoped3A = tpu.sem_alloc : memref<!tpu.dma_semaphore, #tpu.memory_space<semaphore_mem>>
        %dma_start3A_93 = arith.constant 384 : i32
        %dma_start3A_94 = tpu.memref_slice %arg10[%dma_start3A_93] : memref<768xi32, #tpu.memory_space<vmem>> -> memref<128xi32, #tpu.memory_space<vmem>>
        %dma_start3A_95 = arith.constant 0 : i32
        %dma_start3A_96 = tpu.memref_slice %arg18[%dma_start3A_95] : memref<10240xf32, #tpu.memory_space<vmem_shared>> -> memref<10240xf32, #tpu.memory_space<vmem_shared>>
        tpu.enqueue_indirect_dma source(%arg15 : memref<128xf32, #tpu.memory_space<vmem>>) target(%dma_start3A_96 : memref<10240xf32, #tpu.memory_space<vmem_shared>>) offsets(%dma_start3A_94 : memref<128xi32, #tpu.memory_space<vmem>>) semaphore(%run_scoped3A : memref<!tpu.dma_semaphore, #tpu.memory_space<semaphore_mem>>) {add = true}
        %dma_wait3A_97 = arith.constant 384 : i32
        %dma_wait3A_98 = tpu.memref_slice %arg10[%dma_wait3A_97] : memref<768xi32, #tpu.memory_space<vmem>> -> memref<128xi32, #tpu.memory_space<vmem>>
        %dma_wait3A_99 = arith.constant 0 : i32
        %dma_wait3A_100 = tpu.memref_slice %arg18[%dma_wait3A_99] : memref<10240xf32, #tpu.memory_space<vmem_shared>> -> memref<10240xf32, #tpu.memory_space<vmem_shared>>
        tpu.wait_indirect_dma semaphore(%run_scoped3A : memref<!tpu.dma_semaphore, #tpu.memory_space<semaphore_mem>>) src(%arg15 : memref<128xf32, #tpu.memory_space<vmem>>) dst(%dma_wait3A_100 : memref<10240xf32, #tpu.memory_space<vmem_shared>>)
        tpu.yield
      }) : () -> ()
      %dma_wait3A_78 = arith.constant 512 : i32
      %dma_wait3A_79 = tpu.memref_slice %arg9[%dma_wait3A_78] : memref<768xi32, #tpu.memory_space<vmem>> -> memref<128xi32, #tpu.memory_space<vmem>>
      %dma_wait3A_80 = arith.constant 0 : i32
      %dma_wait3A_81 = arith.constant 0 : i32
      %dma_wait3A_82 = tpu.memref_slice %arg2[%dma_wait3A_80, %dma_wait3A_81] : memref<10000x128xf32, #tpu.memory_space<hbm>> -> memref<10000x128xf32, #tpu.memory_space<hbm>>
      tpu.wait_indirect_dma semaphore(%arg19 : memref<!tpu.dma_semaphore, #tpu.memory_space<semaphore_mem>>) src(%dma_wait3A_82 : memref<10000x128xf32, #tpu.memory_space<hbm>>) dst(%arg13 : memref<128x128xf32, #tpu.memory_space<vmem>>)
      %dma_start3A_83 = arith.constant 640 : i32
      %dma_start3A_84 = tpu.memref_slice %arg9[%dma_start3A_83] : memref<768xi32, #tpu.memory_space<vmem>> -> memref<128xi32, #tpu.memory_space<vmem>>
      %dma_start3A_85 = arith.constant 0 : i32
      %dma_start3A_86 = arith.constant 0 : i32
      %dma_start3A_87 = tpu.memref_slice %arg2[%dma_start3A_85, %dma_start3A_86] : memref<10000x128xf32, #tpu.memory_space<hbm>> -> memref<10000x128xf32, #tpu.memory_space<hbm>>
      tpu.enqueue_indirect_dma source(%dma_start3A_87 : memref<10000x128xf32, #tpu.memory_space<hbm>>) target(%arg14 : memref<128x128xf32, #tpu.memory_space<vmem>>) offsets(%dma_start3A_84 : memref<128xi32, #tpu.memory_space<vmem>>) semaphore(%arg19 : memref<!tpu.dma_semaphore, #tpu.memory_space<semaphore_mem>>)
      "tpu.region"() ({
        %run_scoped3A = tpu.sem_alloc : memref<!tpu.dma_semaphore, #tpu.memory_space<semaphore_mem>>
        %dma_start3A_93 = arith.constant 512 : i32
        %dma_start3A_94 = tpu.memref_slice %arg10[%dma_start3A_93] : memref<768xi32, #tpu.memory_space<vmem>> -> memref<128xi32, #tpu.memory_space<vmem>>
        %dma_start3A_95 = arith.constant 0 : i32
        %dma_start3A_96 = arith.constant 0 : i32
        %dma_start3A_97 = tpu.memref_slice %arg17[%dma_start3A_95, %dma_start3A_96] : memref<10240x128xf32, #tpu.memory_space<vmem_shared>> -> memref<10240x128xf32, #tpu.memory_space<vmem_shared>>
        tpu.enqueue_indirect_dma source(%arg13 : memref<128x128xf32, #tpu.memory_space<vmem>>) target(%dma_start3A_97 : memref<10240x128xf32, #tpu.memory_space<vmem_shared>>) offsets(%dma_start3A_94 : memref<128xi32, #tpu.memory_space<vmem>>) semaphore(%run_scoped3A : memref<!tpu.dma_semaphore, #tpu.memory_space<semaphore_mem>>) {add = true}
        %dma_wait3A_98 = arith.constant 512 : i32
        %dma_wait3A_99 = tpu.memref_slice %arg10[%dma_wait3A_98] : memref<768xi32, #tpu.memory_space<vmem>> -> memref<128xi32, #tpu.memory_space<vmem>>
        %dma_wait3A_100 = arith.constant 0 : i32
        %dma_wait3A_101 = arith.constant 0 : i32
        %dma_wait3A_102 = tpu.memref_slice %arg17[%dma_wait3A_100, %dma_wait3A_101] : memref<10240x128xf32, #tpu.memory_space<vmem_shared>> -> memref<10240x128xf32, #tpu.memory_space<vmem_shared>>
        tpu.wait_indirect_dma semaphore(%run_scoped3A : memref<!tpu.dma_semaphore, #tpu.memory_space<semaphore_mem>>) src(%arg13 : memref<128x128xf32, #tpu.memory_space<vmem>>) dst(%dma_wait3A_102 : memref<10240x128xf32, #tpu.memory_space<vmem_shared>>)
        tpu.yield
      }) : () -> ()
      "tpu.region"() ({
        %run_scoped3A = tpu.sem_alloc : memref<!tpu.dma_semaphore, #tpu.memory_space<semaphore_mem>>
        %dma_start3A_93 = arith.constant 512 : i32
        %dma_start3A_94 = tpu.memref_slice %arg10[%dma_start3A_93] : memref<768xi32, #tpu.memory_space<vmem>> -> memref<128xi32, #tpu.memory_space<vmem>>
        %dma_start3A_95 = arith.constant 0 : i32
        %dma_start3A_96 = tpu.memref_slice %arg18[%dma_start3A_95] : memref<10240xf32, #tpu.memory_space<vmem_shared>> -> memref<10240xf32, #tpu.memory_space<vmem_shared>>
        tpu.enqueue_indirect_dma source(%arg15 : memref<128xf32, #tpu.memory_space<vmem>>) target(%dma_start3A_96 : memref<10240xf32, #tpu.memory_space<vmem_shared>>) offsets(%dma_start3A_94 : memref<128xi32, #tpu.memory_space<vmem>>) semaphore(%run_scoped3A : memref<!tpu.dma_semaphore, #tpu.memory_space<semaphore_mem>>) {add = true}
        %dma_wait3A_97 = arith.constant 512 : i32
        %dma_wait3A_98 = tpu.memref_slice %arg10[%dma_wait3A_97] : memref<768xi32, #tpu.memory_space<vmem>> -> memref<128xi32, #tpu.memory_space<vmem>>
        %dma_wait3A_99 = arith.constant 0 : i32
        %dma_wait3A_100 = tpu.memref_slice %arg18[%dma_wait3A_99] : memref<10240xf32, #tpu.memory_space<vmem_shared>> -> memref<10240xf32, #tpu.memory_space<vmem_shared>>
        tpu.wait_indirect_dma semaphore(%run_scoped3A : memref<!tpu.dma_semaphore, #tpu.memory_space<semaphore_mem>>) src(%arg15 : memref<128xf32, #tpu.memory_space<vmem>>) dst(%dma_wait3A_100 : memref<10240xf32, #tpu.memory_space<vmem_shared>>)
        tpu.yield
      }) : () -> ()
      %dma_wait3A_88 = arith.constant 640 : i32
      %dma_wait3A_89 = tpu.memref_slice %arg9[%dma_wait3A_88] : memref<768xi32, #tpu.memory_space<vmem>> -> memref<128xi32, #tpu.memory_space<vmem>>
      %dma_wait3A_90 = arith.constant 0 : i32
      %dma_wait3A_91 = arith.constant 0 : i32
      %dma_wait3A_92 = tpu.memref_slice %arg2[%dma_wait3A_90, %dma_wait3A_91] : memref<10000x128xf32, #tpu.memory_space<hbm>> -> memref<10000x128xf32, #tpu.memory_space<hbm>>
      tpu.wait_indirect_dma semaphore(%arg19 : memref<!tpu.dma_semaphore, #tpu.memory_space<semaphore_mem>>) src(%dma_wait3A_92 : memref<10000x128xf32, #tpu.memory_space<hbm>>) dst(%arg14 : memref<128x128xf32, #tpu.memory_space<vmem>>)
      "tpu.region"() ({
        %run_scoped3A = tpu.sem_alloc : memref<!tpu.dma_semaphore, #tpu.memory_space<semaphore_mem>>
        %dma_start3A_93 = arith.constant 640 : i32
        %dma_start3A_94 = tpu.memref_slice %arg10[%dma_start3A_93] : memref<768xi32, #tpu.memory_space<vmem>> -> memref<128xi32, #tpu.memory_space<vmem>>
        %dma_start3A_95 = arith.constant 0 : i32
        %dma_start3A_96 = arith.constant 0 : i32
        %dma_start3A_97 = tpu.memref_slice %arg17[%dma_start3A_95, %dma_start3A_96] : memref<10240x128xf32, #tpu.memory_space<vmem_shared>> -> memref<10240x128xf32, #tpu.memory_space<vmem_shared>>
        tpu.enqueue_indirect_dma source(%arg14 : memref<128x128xf32, #tpu.memory_space<vmem>>) target(%dma_start3A_97 : memref<10240x128xf32, #tpu.memory_space<vmem_shared>>) offsets(%dma_start3A_94 : memref<128xi32, #tpu.memory_space<vmem>>) semaphore(%run_scoped3A : memref<!tpu.dma_semaphore, #tpu.memory_space<semaphore_mem>>) {add = true}
        %dma_wait3A_98 = arith.constant 640 : i32
        %dma_wait3A_99 = tpu.memref_slice %arg10[%dma_wait3A_98] : memref<768xi32, #tpu.memory_space<vmem>> -> memref<128xi32, #tpu.memory_space<vmem>>
        %dma_wait3A_100 = arith.constant 0 : i32
        %dma_wait3A_101 = arith.constant 0 : i32
        %dma_wait3A_102 = tpu.memref_slice %arg17[%dma_wait3A_100, %dma_wait3A_101] : memref<10240x128xf32, #tpu.memory_space<vmem_shared>> -> memref<10240x128xf32, #tpu.memory_space<vmem_shared>>
        tpu.wait_indirect_dma semaphore(%run_scoped3A : memref<!tpu.dma_semaphore, #tpu.memory_space<semaphore_mem>>) src(%arg14 : memref<128x128xf32, #tpu.memory_space<vmem>>) dst(%dma_wait3A_102 : memref<10240x128xf32, #tpu.memory_space<vmem_shared>>)
        tpu.yield
      }) : () -> ()
      "tpu.region"() ({
        %run_scoped3A = tpu.sem_alloc : memref<!tpu.dma_semaphore, #tpu.memory_space<semaphore_mem>>
        %dma_start3A_93 = arith.constant 640 : i32
        %dma_start3A_94 = tpu.memref_slice %arg10[%dma_start3A_93] : memref<768xi32, #tpu.memory_space<vmem>> -> memref<128xi32, #tpu.memory_space<vmem>>
        %dma_start3A_95 = arith.constant 0 : i32
        %dma_start3A_96 = tpu.memref_slice %arg18[%dma_start3A_95] : memref<10240xf32, #tpu.memory_space<vmem_shared>> -> memref<10240xf32, #tpu.memory_space<vmem_shared>>
        tpu.enqueue_indirect_dma source(%arg15 : memref<128xf32, #tpu.memory_space<vmem>>) target(%dma_start3A_96 : memref<10240xf32, #tpu.memory_space<vmem_shared>>) offsets(%dma_start3A_94 : memref<128xi32, #tpu.memory_space<vmem>>) semaphore(%run_scoped3A : memref<!tpu.dma_semaphore, #tpu.memory_space<semaphore_mem>>) {add = true}
        %dma_wait3A_97 = arith.constant 640 : i32
        %dma_wait3A_98 = tpu.memref_slice %arg10[%dma_wait3A_97] : memref<768xi32, #tpu.memory_space<vmem>> -> memref<128xi32, #tpu.memory_space<vmem>>
        %dma_wait3A_99 = arith.constant 0 : i32
        %dma_wait3A_100 = tpu.memref_slice %arg18[%dma_wait3A_99] : memref<10240xf32, #tpu.memory_space<vmem_shared>> -> memref<10240xf32, #tpu.memory_space<vmem_shared>>
        tpu.wait_indirect_dma semaphore(%run_scoped3A : memref<!tpu.dma_semaphore, #tpu.memory_space<semaphore_mem>>) src(%arg15 : memref<128xf32, #tpu.memory_space<vmem>>) dst(%dma_wait3A_100 : memref<10240xf32, #tpu.memory_space<vmem_shared>>)
        tpu.yield
      }) : () -> ()
    }
    %scan3A_17 = arith.constant 13 : i32
    %barrier3A_18 = arith.constant 0 : index
    tpu.barrier barrier_id(%barrier3A_18)
    %mul3A_19 = arith.constant 640 : i32
    %mul3A_20 = arith.muli %arg1, %mul3A_19 : i32
    "tpu.region"() ({
      %run_scoped3A = tpu.sem_alloc : memref<!tpu.dma_semaphore, #tpu.memory_space<semaphore_mem>>
      %dma_start3A = tpu.memref_slice %arg18[%mul3A_20] : memref<10240xf32, #tpu.memory_space<vmem_shared>> -> memref<640xf32, #tpu.memory_space<vmem_shared>>
      %dma_start3A_29 = tpu.memref_slice %arg18[%mul3A_20] : memref<10240xf32, #tpu.memory_space<vmem_shared>> -> memref<640xf32, #tpu.memory_space<vmem_shared>>
      tpu.enqueue_dma source(%dma_start3A_29 : memref<640xf32, #tpu.memory_space<vmem_shared>>) target(%arg16 : memref<640xf32, #tpu.memory_space<vmem>>) target_semaphore(%run_scoped3A : memref<!tpu.dma_semaphore, #tpu.memory_space<semaphore_mem>>)
      %dma_wait3A = tpu.memref_slice %arg18[%mul3A_20] : memref<10240xf32, #tpu.memory_space<vmem_shared>> -> memref<640xf32, #tpu.memory_space<vmem_shared>>
      %dma_wait3A_30 = tpu.memref_slice %arg18[%mul3A_20] : memref<10240xf32, #tpu.memory_space<vmem_shared>> -> memref<640xf32, #tpu.memory_space<vmem_shared>>
      tpu.wait_dma2 semaphore(%run_scoped3A : memref<!tpu.dma_semaphore, #tpu.memory_space<semaphore_mem>>) src(%dma_wait3A_30 : memref<640xf32, #tpu.memory_space<vmem_shared>>) dst(%arg16 : memref<640xf32, #tpu.memory_space<vmem>>)
      tpu.yield
    }) : () -> ()
    %mul3A_21 = arith.constant 640 : i32
    %mul3A_22 = arith.muli %arg1, %mul3A_21 : i32
    "tpu.region"() ({
      %run_scoped3A = tpu.sem_alloc : memref<!tpu.dma_semaphore, #tpu.memory_space<semaphore_mem>>
      %dma_start3A = tpu.memref_slice %arg8[%arg0, %mul3A_22] : memref<2x10240xf32, #tpu.memory_space<hbm>> -> memref<1x640xf32, #tpu.memory_space<hbm>>
      %dma_start3A_29 = tpu.memref_squeeze %dma_start3A : memref<1x640xf32, #tpu.memory_space<hbm>> -> memref<640xf32, #tpu.memory_space<hbm>>
      %dma_start3A_30 = tpu.memref_slice %arg8[%arg0, %mul3A_22] : memref<2x10240xf32, #tpu.memory_space<hbm>> -> memref<1x640xf32, #tpu.memory_space<hbm>>
      %dma_start3A_31 = tpu.memref_squeeze %dma_start3A_30 : memref<1x640xf32, #tpu.memory_space<hbm>> -> memref<640xf32, #tpu.memory_space<hbm>>
      tpu.enqueue_dma source(%arg16 : memref<640xf32, #tpu.memory_space<vmem>>) target(%dma_start3A_31 : memref<640xf32, #tpu.memory_space<hbm>>) target_semaphore(%run_scoped3A : memref<!tpu.dma_semaphore, #tpu.memory_space<semaphore_mem>>)
      %dma_wait3A = tpu.memref_slice %arg8[%arg0, %mul3A_22] : memref<2x10240xf32, #tpu.memory_space<hbm>> -> memref<1x640xf32, #tpu.memory_space<hbm>>
      %dma_wait3A_32 = tpu.memref_squeeze %dma_wait3A : memref<1x640xf32, #tpu.memory_space<hbm>> -> memref<640xf32, #tpu.memory_space<hbm>>
      %dma_wait3A_33 = tpu.memref_slice %arg8[%arg0, %mul3A_22] : memref<2x10240xf32, #tpu.memory_space<hbm>> -> memref<1x640xf32, #tpu.memory_space<hbm>>
      %dma_wait3A_34 = tpu.memref_squeeze %dma_wait3A_33 : memref<1x640xf32, #tpu.memory_space<hbm>> -> memref<640xf32, #tpu.memory_space<hbm>>
      tpu.wait_dma2 semaphore(%run_scoped3A : memref<!tpu.dma_semaphore, #tpu.memory_space<semaphore_mem>>) src(%arg16 : memref<640xf32, #tpu.memory_space<vmem>>) dst(%dma_wait3A_34 : memref<640xf32, #tpu.memory_space<hbm>>)
      tpu.yield
    }) : () -> ()
    %scan3A_23 = arith.constant 0 : i32
    %scan3A_24 = arith.constant 0 : i32
    %scan3A_25 = arith.constant 5 : i32
    %scan3A_26 = arith.addi %scan3A_24, %scan3A_25 : i32
    %scan3A_27 = arith.constant 1 : i32
    scf.for %scan3A_29 = %scan3A_24 to %scan3A_26 step %scan3A_27  : i32 {
      %mul3A_30 = arith.constant 640 : i32
      %mul3A_31 = arith.muli %arg1, %mul3A_30 : i32
      %mul3A_32 = arith.constant 128 : i32
      %mul3A_33 = arith.muli %scan3A_29, %mul3A_32 : i32
      %add3A_34 = arith.addi %mul3A_31, %mul3A_33 : i32
      "tpu.region"() ({
        %run_scoped3A = tpu.sem_alloc : memref<!tpu.dma_semaphore, #tpu.memory_space<semaphore_mem>>
        %dma_start3A = arith.constant 0 : i32
        %dma_start3A_35 = tpu.memref_slice %arg17[%add3A_34, %dma_start3A] : memref<10240x128xf32, #tpu.memory_space<vmem_shared>> -> memref<128x128xf32, #tpu.memory_space<vmem_shared>>
        %dma_start3A_36 = arith.constant 0 : i32
        %dma_start3A_37 = tpu.memref_slice %arg17[%add3A_34, %dma_start3A_36] : memref<10240x128xf32, #tpu.memory_space<vmem_shared>> -> memref<128x128xf32, #tpu.memory_space<vmem_shared>>
        tpu.enqueue_dma source(%dma_start3A_37 : memref<128x128xf32, #tpu.memory_space<vmem_shared>>) target(%arg13 : memref<128x128xf32, #tpu.memory_space<vmem>>) target_semaphore(%run_scoped3A : memref<!tpu.dma_semaphore, #tpu.memory_space<semaphore_mem>>)
        %dma_wait3A = arith.constant 0 : i32
        %dma_wait3A_38 = tpu.memref_slice %arg17[%add3A_34, %dma_wait3A] : memref<10240x128xf32, #tpu.memory_space<vmem_shared>> -> memref<128x128xf32, #tpu.memory_space<vmem_shared>>
        %dma_wait3A_39 = arith.constant 0 : i32
        %dma_wait3A_40 = tpu.memref_slice %arg17[%add3A_34, %dma_wait3A_39] : memref<10240x128xf32, #tpu.memory_space<vmem_shared>> -> memref<128x128xf32, #tpu.memory_space<vmem_shared>>
        tpu.wait_dma2 semaphore(%run_scoped3A : memref<!tpu.dma_semaphore, #tpu.memory_space<semaphore_mem>>) src(%dma_wait3A_40 : memref<128x128xf32, #tpu.memory_space<vmem_shared>>) dst(%arg13 : memref<128x128xf32, #tpu.memory_space<vmem>>)
        tpu.yield
      }) : () -> ()
      "tpu.region"() ({
        %run_scoped3A = tpu.sem_alloc : memref<!tpu.dma_semaphore, #tpu.memory_space<semaphore_mem>>
        %dma_start3A = arith.constant 0 : i32
        %dma_start3A_35 = tpu.memref_slice %arg7[%arg0, %add3A_34, %dma_start3A] : memref<2x10240x128xf32, #tpu.memory_space<hbm>> -> memref<1x128x128xf32, #tpu.memory_space<hbm>>
        %dma_start3A_36 = tpu.memref_squeeze %dma_start3A_35 : memref<1x128x128xf32, #tpu.memory_space<hbm>> -> memref<128x128xf32, #tpu.memory_space<hbm>>
        %dma_start3A_37 = arith.constant 0 : i32
        %dma_start3A_38 = tpu.memref_slice %arg7[%arg0, %add3A_34, %dma_start3A_37] : memref<2x10240x128xf32, #tpu.memory_space<hbm>> -> memref<1x128x128xf32, #tpu.memory_space<hbm>>
        %dma_start3A_39 = tpu.memref_squeeze %dma_start3A_38 : memref<1x128x128xf32, #tpu.memory_space<hbm>> -> memref<128x128xf32, #tpu.memory_space<hbm>>
        tpu.enqueue_dma source(%arg13 : memref<128x128xf32, #tpu.memory_space<vmem>>) target(%dma_start3A_39 : memref<128x128xf32, #tpu.memory_space<hbm>>) target_semaphore(%run_scoped3A : memref<!tpu.dma_semaphore, #tpu.memory_space<semaphore_mem>>)
        %dma_wait3A = arith.constant 0 : i32
        %dma_wait3A_40 = tpu.memref_slice %arg7[%arg0, %add3A_34, %dma_wait3A] : memref<2x10240x128xf32, #tpu.memory_space<hbm>> -> memref<1x128x128xf32, #tpu.memory_space<hbm>>
        %dma_wait3A_41 = tpu.memref_squeeze %dma_wait3A_40 : memref<1x128x128xf32, #tpu.memory_space<hbm>> -> memref<128x128xf32, #tpu.memory_space<hbm>>
        %dma_wait3A_42 = arith.constant 0 : i32
        %dma_wait3A_43 = tpu.memref_slice %arg7[%arg0, %add3A_34, %dma_wait3A_42] : memref<2x10240x128xf32, #tpu.memory_space<hbm>> -> memref<1x128x128xf32, #tpu.memory_space<hbm>>
        %dma_wait3A_44 = tpu.memref_squeeze %dma_wait3A_43 : memref<1x128x128xf32, #tpu.memory_space<hbm>> -> memref<128x128xf32, #tpu.memory_space<hbm>>
        tpu.wait_dma2 semaphore(%run_scoped3A : memref<!tpu.dma_semaphore, #tpu.memory_space<semaphore_mem>>) src(%arg13 : memref<128x128xf32, #tpu.memory_space<vmem>>) dst(%dma_wait3A_44 : memref<128x128xf32, #tpu.memory_space<hbm>>)
        tpu.yield
      }) : () -> ()
    }
    %scan3A_28 = arith.constant 5 : i32
    return
  }
}

#map = affine_map<(d0, d1) -> (0, 0)>
#map1 = affine_map<(d0, d1) -> (0)>
#map2 = affine_map<(d0, d1) -> (0, 0, 0)>
module attributes {stable_mosaic.version = 14 : i64} {
  func.func @body(%arg0: i32, %arg1: i32, %arg2: memref<10000x128xf32, #tpu.memory_space<hbm>>, %arg3: memref<320000xi32, #tpu.memory_space<hbm>>, %arg4: memref<320000xi32, #tpu.memory_space<hbm>>, %arg5: memref<128x128xf32, #tpu.memory_space<hbm>>, %arg6: memref<128xf32, #tpu.memory_space<hbm>>, %arg7: memref<2x10240x128xf32, #tpu.memory_space<hbm>>, %arg8: memref<768xi32, #tpu.memory_space<vmem>>, %arg9: memref<768xi32, #tpu.memory_space<vmem>>, %arg10: memref<128xi32, #tpu.memory_space<vmem>>, %arg11: memref<128xi32, #tpu.memory_space<vmem>>, %arg12: memref<128x128xf32, #tpu.memory_space<vmem>>, %arg13: memref<128x128xf32, #tpu.memory_space<vmem>>, %arg14: memref<128xf32, #tpu.memory_space<vmem>>, %arg15: memref<640xf32, #tpu.memory_space<vmem>>, %arg16: memref<10240x128xf32, #tpu.memory_space<vmem_shared>>, %arg17: memref<10240xf32, #tpu.memory_space<vmem_shared>>, %arg18: memref<!tpu.dma_semaphore, #tpu.memory_space<semaphore_mem>>) attributes {dimension_semantics = [#tpu.dimension_semantics<core_parallel>, #tpu.dimension_semantics<subcore_parallel>], iteration_bounds = array<i64: 2, 16>, scalar_prefetch = 0 : i64, scratch_operands = 11 : i64, tpu.core_type = #tpu.core_type<sc_vector_subcore>, window_params = [{transform_indices = #map}, {transform_indices = #map1}, {transform_indices = #map1}, {transform_indices = #map}, {transform_indices = #map1}, {transform_indices = #map2}]} {
    %mul3A = arith.constant 2 : i32
    %mul3A_0 = arith.muli %arg1, %mul3A : i32
    %add3A = arith.addi %mul3A_0, %arg0 : i32
    "tpu.region"() ({
      %run_scoped3A = tpu.sem_alloc : memref<!tpu.dma_semaphore, #tpu.memory_space<semaphore_mem>>
      tpu.enqueue_dma source(%arg5 : memref<128x128xf32, #tpu.memory_space<hbm>>) target(%arg12 : memref<128x128xf32, #tpu.memory_space<vmem>>) target_semaphore(%run_scoped3A : memref<!tpu.dma_semaphore, #tpu.memory_space<semaphore_mem>>)
      tpu.wait_dma2 semaphore(%run_scoped3A : memref<!tpu.dma_semaphore, #tpu.memory_space<semaphore_mem>>) src(%arg5 : memref<128x128xf32, #tpu.memory_space<hbm>>) dst(%arg12 : memref<128x128xf32, #tpu.memory_space<vmem>>)
      tpu.yield
    }) : () -> ()
    "tpu.region"() ({
      %run_scoped3A = tpu.sem_alloc : memref<!tpu.dma_semaphore, #tpu.memory_space<semaphore_mem>>
      tpu.enqueue_dma source(%arg6 : memref<128xf32, #tpu.memory_space<hbm>>) target(%arg14 : memref<128xf32, #tpu.memory_space<vmem>>) target_semaphore(%run_scoped3A : memref<!tpu.dma_semaphore, #tpu.memory_space<semaphore_mem>>)
      tpu.wait_dma2 semaphore(%run_scoped3A : memref<!tpu.dma_semaphore, #tpu.memory_space<semaphore_mem>>) src(%arg6 : memref<128xf32, #tpu.memory_space<hbm>>) dst(%arg14 : memref<128xf32, #tpu.memory_space<vmem>>)
      tpu.yield
    }) : () -> ()
    %scan3A = arith.constant 0 : i32
    %scan3A_1 = arith.constant 0 : i32
    %scan3A_2 = arith.constant 5 : i32
    %scan3A_3 = arith.addi %scan3A_1, %scan3A_2 : i32
    %scan3A_4 = arith.constant 1 : i32
    scf.for %scan3A_25 = %scan3A_1 to %scan3A_3 step %scan3A_4  : i32 {
      %mul3A_26 = arith.constant 640 : i32
      %mul3A_27 = arith.muli %arg1, %mul3A_26 : i32
      %mul3A_28 = arith.constant 128 : i32
      %mul3A_29 = arith.muli %scan3A_25, %mul3A_28 : i32
      %add3A_30 = arith.addi %mul3A_27, %mul3A_29 : i32
      "tpu.region"() ({
        %run_scoped3A = tpu.sem_alloc : memref<!tpu.dma_semaphore, #tpu.memory_space<semaphore_mem>>
        %dma_start3A = arith.constant 0 : i32
        %dma_start3A_31 = tpu.memref_slice %arg16[%add3A_30, %dma_start3A] : memref<10240x128xf32, #tpu.memory_space<vmem_shared>> -> memref<128x128xf32, #tpu.memory_space<vmem_shared>>
        %dma_start3A_32 = arith.constant 0 : i32
        %dma_start3A_33 = tpu.memref_slice %arg16[%add3A_30, %dma_start3A_32] : memref<10240x128xf32, #tpu.memory_space<vmem_shared>> -> memref<128x128xf32, #tpu.memory_space<vmem_shared>>
        tpu.enqueue_dma source(%arg12 : memref<128x128xf32, #tpu.memory_space<vmem>>) target(%dma_start3A_33 : memref<128x128xf32, #tpu.memory_space<vmem_shared>>) target_semaphore(%run_scoped3A : memref<!tpu.dma_semaphore, #tpu.memory_space<semaphore_mem>>)
        %dma_wait3A = arith.constant 0 : i32
        %dma_wait3A_34 = tpu.memref_slice %arg16[%add3A_30, %dma_wait3A] : memref<10240x128xf32, #tpu.memory_space<vmem_shared>> -> memref<128x128xf32, #tpu.memory_space<vmem_shared>>
        %dma_wait3A_35 = arith.constant 0 : i32
        %dma_wait3A_36 = tpu.memref_slice %arg16[%add3A_30, %dma_wait3A_35] : memref<10240x128xf32, #tpu.memory_space<vmem_shared>> -> memref<128x128xf32, #tpu.memory_space<vmem_shared>>
        tpu.wait_dma2 semaphore(%run_scoped3A : memref<!tpu.dma_semaphore, #tpu.memory_space<semaphore_mem>>) src(%arg12 : memref<128x128xf32, #tpu.memory_space<vmem>>) dst(%dma_wait3A_36 : memref<128x128xf32, #tpu.memory_space<vmem_shared>>)
        tpu.yield
      }) : () -> ()
    }
    %scan3A_5 = arith.constant 5 : i32
    %barrier3A = arith.constant 0 : index
    tpu.barrier barrier_id(%barrier3A)
    %lt3A = arith.constant 4 : i32
    %lt3A_6 = arith.cmpi slt, %add3A, %lt3A : i32
    %convert_element_type3A = arith.extui %lt3A_6 : i1 to i32
    %cond3A = arith.constant 0 : i32
    %cond3A_7 = arith.cmpi ne, %convert_element_type3A, %cond3A : i32
    scf.if %cond3A_7 {
      %add3A_25 = arith.constant 2496 : i32
      %add3A_26 = arith.addi %add3A_25, %add3A : i32
      %mul3A_27 = arith.constant 128 : i32
      %mul3A_28 = arith.muli %add3A_26, %mul3A_27 : i32
      "tpu.region"() ({
        %run_scoped3A = tpu.sem_alloc : memref<!tpu.dma_semaphore, #tpu.memory_space<semaphore_mem>>
        %dma_start3A_33 = tpu.memref_slice %arg3[%mul3A_28] : memref<320000xi32, #tpu.memory_space<hbm>> -> memref<128xi32, #tpu.memory_space<hbm>>
        %dma_start3A_34 = tpu.memref_slice %arg3[%mul3A_28] : memref<320000xi32, #tpu.memory_space<hbm>> -> memref<128xi32, #tpu.memory_space<hbm>>
        tpu.enqueue_dma source(%dma_start3A_34 : memref<128xi32, #tpu.memory_space<hbm>>) target(%arg10 : memref<128xi32, #tpu.memory_space<vmem>>) target_semaphore(%run_scoped3A : memref<!tpu.dma_semaphore, #tpu.memory_space<semaphore_mem>>)
        %dma_wait3A_35 = tpu.memref_slice %arg3[%mul3A_28] : memref<320000xi32, #tpu.memory_space<hbm>> -> memref<128xi32, #tpu.memory_space<hbm>>
        %dma_wait3A_36 = tpu.memref_slice %arg3[%mul3A_28] : memref<320000xi32, #tpu.memory_space<hbm>> -> memref<128xi32, #tpu.memory_space<hbm>>
        tpu.wait_dma2 semaphore(%run_scoped3A : memref<!tpu.dma_semaphore, #tpu.memory_space<semaphore_mem>>) src(%dma_wait3A_36 : memref<128xi32, #tpu.memory_space<hbm>>) dst(%arg10 : memref<128xi32, #tpu.memory_space<vmem>>)
        tpu.yield
      }) : () -> ()
      "tpu.region"() ({
        %run_scoped3A = tpu.sem_alloc : memref<!tpu.dma_semaphore, #tpu.memory_space<semaphore_mem>>
        %dma_start3A_33 = tpu.memref_slice %arg4[%mul3A_28] : memref<320000xi32, #tpu.memory_space<hbm>> -> memref<128xi32, #tpu.memory_space<hbm>>
        %dma_start3A_34 = tpu.memref_slice %arg4[%mul3A_28] : memref<320000xi32, #tpu.memory_space<hbm>> -> memref<128xi32, #tpu.memory_space<hbm>>
        tpu.enqueue_dma source(%dma_start3A_34 : memref<128xi32, #tpu.memory_space<hbm>>) target(%arg11 : memref<128xi32, #tpu.memory_space<vmem>>) target_semaphore(%run_scoped3A : memref<!tpu.dma_semaphore, #tpu.memory_space<semaphore_mem>>)
        %dma_wait3A_35 = tpu.memref_slice %arg4[%mul3A_28] : memref<320000xi32, #tpu.memory_space<hbm>> -> memref<128xi32, #tpu.memory_space<hbm>>
        %dma_wait3A_36 = tpu.memref_slice %arg4[%mul3A_28] : memref<320000xi32, #tpu.memory_space<hbm>> -> memref<128xi32, #tpu.memory_space<hbm>>
        tpu.wait_dma2 semaphore(%run_scoped3A : memref<!tpu.dma_semaphore, #tpu.memory_space<semaphore_mem>>) src(%dma_wait3A_36 : memref<128xi32, #tpu.memory_space<hbm>>) dst(%arg11 : memref<128xi32, #tpu.memory_space<vmem>>)
        tpu.yield
      }) : () -> ()
      %dma_start3A = arith.constant 0 : i32
      %dma_start3A_29 = arith.constant 0 : i32
      %dma_start3A_30 = tpu.memref_slice %arg2[%dma_start3A, %dma_start3A_29] : memref<10000x128xf32, #tpu.memory_space<hbm>> -> memref<10000x128xf32, #tpu.memory_space<hbm>>
      tpu.enqueue_indirect_dma source(%dma_start3A_30 : memref<10000x128xf32, #tpu.memory_space<hbm>>) target(%arg12 : memref<128x128xf32, #tpu.memory_space<vmem>>) offsets(%arg10 : memref<128xi32, #tpu.memory_space<vmem>>) semaphore(%arg18 : memref<!tpu.dma_semaphore, #tpu.memory_space<semaphore_mem>>)
      %dma_wait3A = arith.constant 0 : i32
      %dma_wait3A_31 = arith.constant 0 : i32
      %dma_wait3A_32 = tpu.memref_slice %arg2[%dma_wait3A, %dma_wait3A_31] : memref<10000x128xf32, #tpu.memory_space<hbm>> -> memref<10000x128xf32, #tpu.memory_space<hbm>>
      tpu.wait_indirect_dma semaphore(%arg18 : memref<!tpu.dma_semaphore, #tpu.memory_space<semaphore_mem>>) src(%dma_wait3A_32 : memref<10000x128xf32, #tpu.memory_space<hbm>>) dst(%arg12 : memref<128x128xf32, #tpu.memory_space<vmem>>)
      "tpu.region"() ({
        %run_scoped3A = tpu.sem_alloc : memref<!tpu.dma_semaphore, #tpu.memory_space<semaphore_mem>>
        %dma_start3A_33 = arith.constant 0 : i32
        %dma_start3A_34 = arith.constant 0 : i32
        %dma_start3A_35 = tpu.memref_slice %arg16[%dma_start3A_33, %dma_start3A_34] : memref<10240x128xf32, #tpu.memory_space<vmem_shared>> -> memref<10240x128xf32, #tpu.memory_space<vmem_shared>>
        tpu.enqueue_indirect_dma source(%arg12 : memref<128x128xf32, #tpu.memory_space<vmem>>) target(%dma_start3A_35 : memref<10240x128xf32, #tpu.memory_space<vmem_shared>>) offsets(%arg11 : memref<128xi32, #tpu.memory_space<vmem>>) semaphore(%run_scoped3A : memref<!tpu.dma_semaphore, #tpu.memory_space<semaphore_mem>>) {add = true}
        %dma_wait3A_36 = arith.constant 0 : i32
        %dma_wait3A_37 = arith.constant 0 : i32
        %dma_wait3A_38 = tpu.memref_slice %arg16[%dma_wait3A_36, %dma_wait3A_37] : memref<10240x128xf32, #tpu.memory_space<vmem_shared>> -> memref<10240x128xf32, #tpu.memory_space<vmem_shared>>
        tpu.wait_indirect_dma semaphore(%run_scoped3A : memref<!tpu.dma_semaphore, #tpu.memory_space<semaphore_mem>>) src(%arg12 : memref<128x128xf32, #tpu.memory_space<vmem>>) dst(%dma_wait3A_38 : memref<10240x128xf32, #tpu.memory_space<vmem_shared>>)
        tpu.yield
      }) : () -> ()
    } else {
    }
    %mul3A_8 = arith.constant 78 : i32
    %mul3A_9 = arith.muli %add3A, %mul3A_8 : i32
    %mul3A_10 = arith.constant 128 : i32
    %mul3A_11 = arith.muli %mul3A_9, %mul3A_10 : i32
    %scan3A_12 = arith.constant 0 : i32
    %scan3A_13 = arith.constant 0 : i32
    %scan3A_14 = arith.constant 13 : i32
    %scan3A_15 = arith.addi %scan3A_13, %scan3A_14 : i32
    %scan3A_16 = arith.constant 1 : i32
    scf.for %scan3A_25 = %scan3A_13 to %scan3A_15 step %scan3A_16  : i32 {
      %mul3A_26 = arith.constant 6 : i32
      %mul3A_27 = arith.muli %scan3A_25, %mul3A_26 : i32
      %mul3A_28 = arith.constant 128 : i32
      %mul3A_29 = arith.muli %mul3A_27, %mul3A_28 : i32
      %add3A_30 = arith.addi %mul3A_11, %mul3A_29 : i32
      "tpu.region"() ({
        %run_scoped3A = tpu.sem_alloc : memref<!tpu.dma_semaphore, #tpu.memory_space<semaphore_mem>>
        %dma_start3A_89 = tpu.memref_slice %arg3[%add3A_30] : memref<320000xi32, #tpu.memory_space<hbm>> -> memref<768xi32, #tpu.memory_space<hbm>>
        %dma_start3A_90 = tpu.memref_slice %arg3[%add3A_30] : memref<320000xi32, #tpu.memory_space<hbm>> -> memref<768xi32, #tpu.memory_space<hbm>>
        tpu.enqueue_dma source(%dma_start3A_90 : memref<768xi32, #tpu.memory_space<hbm>>) target(%arg8 : memref<768xi32, #tpu.memory_space<vmem>>) target_semaphore(%run_scoped3A : memref<!tpu.dma_semaphore, #tpu.memory_space<semaphore_mem>>)
        %dma_wait3A_91 = tpu.memref_slice %arg3[%add3A_30] : memref<320000xi32, #tpu.memory_space<hbm>> -> memref<768xi32, #tpu.memory_space<hbm>>
        %dma_wait3A_92 = tpu.memref_slice %arg3[%add3A_30] : memref<320000xi32, #tpu.memory_space<hbm>> -> memref<768xi32, #tpu.memory_space<hbm>>
        tpu.wait_dma2 semaphore(%run_scoped3A : memref<!tpu.dma_semaphore, #tpu.memory_space<semaphore_mem>>) src(%dma_wait3A_92 : memref<768xi32, #tpu.memory_space<hbm>>) dst(%arg8 : memref<768xi32, #tpu.memory_space<vmem>>)
        tpu.yield
      }) : () -> ()
      "tpu.region"() ({
        %run_scoped3A = tpu.sem_alloc : memref<!tpu.dma_semaphore, #tpu.memory_space<semaphore_mem>>
        %dma_start3A_89 = tpu.memref_slice %arg4[%add3A_30] : memref<320000xi32, #tpu.memory_space<hbm>> -> memref<768xi32, #tpu.memory_space<hbm>>
        %dma_start3A_90 = tpu.memref_slice %arg4[%add3A_30] : memref<320000xi32, #tpu.memory_space<hbm>> -> memref<768xi32, #tpu.memory_space<hbm>>
        tpu.enqueue_dma source(%dma_start3A_90 : memref<768xi32, #tpu.memory_space<hbm>>) target(%arg9 : memref<768xi32, #tpu.memory_space<vmem>>) target_semaphore(%run_scoped3A : memref<!tpu.dma_semaphore, #tpu.memory_space<semaphore_mem>>)
        %dma_wait3A_91 = tpu.memref_slice %arg4[%add3A_30] : memref<320000xi32, #tpu.memory_space<hbm>> -> memref<768xi32, #tpu.memory_space<hbm>>
        %dma_wait3A_92 = tpu.memref_slice %arg4[%add3A_30] : memref<320000xi32, #tpu.memory_space<hbm>> -> memref<768xi32, #tpu.memory_space<hbm>>
        tpu.wait_dma2 semaphore(%run_scoped3A : memref<!tpu.dma_semaphore, #tpu.memory_space<semaphore_mem>>) src(%dma_wait3A_92 : memref<768xi32, #tpu.memory_space<hbm>>) dst(%arg9 : memref<768xi32, #tpu.memory_space<vmem>>)
        tpu.yield
      }) : () -> ()
      %dma_start3A = arith.constant 0 : i32
      %dma_start3A_31 = tpu.memref_slice %arg8[%dma_start3A] : memref<768xi32, #tpu.memory_space<vmem>> -> memref<128xi32, #tpu.memory_space<vmem>>
      %dma_start3A_32 = arith.constant 0 : i32
      %dma_start3A_33 = arith.constant 0 : i32
      %dma_start3A_34 = tpu.memref_slice %arg2[%dma_start3A_32, %dma_start3A_33] : memref<10000x128xf32, #tpu.memory_space<hbm>> -> memref<10000x128xf32, #tpu.memory_space<hbm>>
      tpu.enqueue_indirect_dma source(%dma_start3A_34 : memref<10000x128xf32, #tpu.memory_space<hbm>>) target(%arg12 : memref<128x128xf32, #tpu.memory_space<vmem>>) offsets(%dma_start3A_31 : memref<128xi32, #tpu.memory_space<vmem>>) semaphore(%arg18 : memref<!tpu.dma_semaphore, #tpu.memory_space<semaphore_mem>>)
      %dma_wait3A = arith.constant 0 : i32
      %dma_wait3A_35 = tpu.memref_slice %arg8[%dma_wait3A] : memref<768xi32, #tpu.memory_space<vmem>> -> memref<128xi32, #tpu.memory_space<vmem>>
      %dma_wait3A_36 = arith.constant 0 : i32
      %dma_wait3A_37 = arith.constant 0 : i32
      %dma_wait3A_38 = tpu.memref_slice %arg2[%dma_wait3A_36, %dma_wait3A_37] : memref<10000x128xf32, #tpu.memory_space<hbm>> -> memref<10000x128xf32, #tpu.memory_space<hbm>>
      tpu.wait_indirect_dma semaphore(%arg18 : memref<!tpu.dma_semaphore, #tpu.memory_space<semaphore_mem>>) src(%dma_wait3A_38 : memref<10000x128xf32, #tpu.memory_space<hbm>>) dst(%arg12 : memref<128x128xf32, #tpu.memory_space<vmem>>)
      %dma_start3A_39 = arith.constant 128 : i32
      %dma_start3A_40 = tpu.memref_slice %arg8[%dma_start3A_39] : memref<768xi32, #tpu.memory_space<vmem>> -> memref<128xi32, #tpu.memory_space<vmem>>
      %dma_start3A_41 = arith.constant 0 : i32
      %dma_start3A_42 = arith.constant 0 : i32
      %dma_start3A_43 = tpu.memref_slice %arg2[%dma_start3A_41, %dma_start3A_42] : memref<10000x128xf32, #tpu.memory_space<hbm>> -> memref<10000x128xf32, #tpu.memory_space<hbm>>
      tpu.enqueue_indirect_dma source(%dma_start3A_43 : memref<10000x128xf32, #tpu.memory_space<hbm>>) target(%arg13 : memref<128x128xf32, #tpu.memory_space<vmem>>) offsets(%dma_start3A_40 : memref<128xi32, #tpu.memory_space<vmem>>) semaphore(%arg18 : memref<!tpu.dma_semaphore, #tpu.memory_space<semaphore_mem>>)
      "tpu.region"() ({
        %run_scoped3A = tpu.sem_alloc : memref<!tpu.dma_semaphore, #tpu.memory_space<semaphore_mem>>
        %dma_start3A_89 = arith.constant 0 : i32
        %dma_start3A_90 = tpu.memref_slice %arg9[%dma_start3A_89] : memref<768xi32, #tpu.memory_space<vmem>> -> memref<128xi32, #tpu.memory_space<vmem>>
        %dma_start3A_91 = arith.constant 0 : i32
        %dma_start3A_92 = arith.constant 0 : i32
        %dma_start3A_93 = tpu.memref_slice %arg16[%dma_start3A_91, %dma_start3A_92] : memref<10240x128xf32, #tpu.memory_space<vmem_shared>> -> memref<10240x128xf32, #tpu.memory_space<vmem_shared>>
        tpu.enqueue_indirect_dma source(%arg12 : memref<128x128xf32, #tpu.memory_space<vmem>>) target(%dma_start3A_93 : memref<10240x128xf32, #tpu.memory_space<vmem_shared>>) offsets(%dma_start3A_90 : memref<128xi32, #tpu.memory_space<vmem>>) semaphore(%run_scoped3A : memref<!tpu.dma_semaphore, #tpu.memory_space<semaphore_mem>>) {add = true}
        %dma_wait3A_94 = arith.constant 0 : i32
        %dma_wait3A_95 = tpu.memref_slice %arg9[%dma_wait3A_94] : memref<768xi32, #tpu.memory_space<vmem>> -> memref<128xi32, #tpu.memory_space<vmem>>
        %dma_wait3A_96 = arith.constant 0 : i32
        %dma_wait3A_97 = arith.constant 0 : i32
        %dma_wait3A_98 = tpu.memref_slice %arg16[%dma_wait3A_96, %dma_wait3A_97] : memref<10240x128xf32, #tpu.memory_space<vmem_shared>> -> memref<10240x128xf32, #tpu.memory_space<vmem_shared>>
        tpu.wait_indirect_dma semaphore(%run_scoped3A : memref<!tpu.dma_semaphore, #tpu.memory_space<semaphore_mem>>) src(%arg12 : memref<128x128xf32, #tpu.memory_space<vmem>>) dst(%dma_wait3A_98 : memref<10240x128xf32, #tpu.memory_space<vmem_shared>>)
        tpu.yield
      }) : () -> ()
      %dma_wait3A_44 = arith.constant 128 : i32
      %dma_wait3A_45 = tpu.memref_slice %arg8[%dma_wait3A_44] : memref<768xi32, #tpu.memory_space<vmem>> -> memref<128xi32, #tpu.memory_space<vmem>>
      %dma_wait3A_46 = arith.constant 0 : i32
      %dma_wait3A_47 = arith.constant 0 : i32
      %dma_wait3A_48 = tpu.memref_slice %arg2[%dma_wait3A_46, %dma_wait3A_47] : memref<10000x128xf32, #tpu.memory_space<hbm>> -> memref<10000x128xf32, #tpu.memory_space<hbm>>
      tpu.wait_indirect_dma semaphore(%arg18 : memref<!tpu.dma_semaphore, #tpu.memory_space<semaphore_mem>>) src(%dma_wait3A_48 : memref<10000x128xf32, #tpu.memory_space<hbm>>) dst(%arg13 : memref<128x128xf32, #tpu.memory_space<vmem>>)
      %dma_start3A_49 = arith.constant 256 : i32
      %dma_start3A_50 = tpu.memref_slice %arg8[%dma_start3A_49] : memref<768xi32, #tpu.memory_space<vmem>> -> memref<128xi32, #tpu.memory_space<vmem>>
      %dma_start3A_51 = arith.constant 0 : i32
      %dma_start3A_52 = arith.constant 0 : i32
      %dma_start3A_53 = tpu.memref_slice %arg2[%dma_start3A_51, %dma_start3A_52] : memref<10000x128xf32, #tpu.memory_space<hbm>> -> memref<10000x128xf32, #tpu.memory_space<hbm>>
      tpu.enqueue_indirect_dma source(%dma_start3A_53 : memref<10000x128xf32, #tpu.memory_space<hbm>>) target(%arg12 : memref<128x128xf32, #tpu.memory_space<vmem>>) offsets(%dma_start3A_50 : memref<128xi32, #tpu.memory_space<vmem>>) semaphore(%arg18 : memref<!tpu.dma_semaphore, #tpu.memory_space<semaphore_mem>>)
      "tpu.region"() ({
        %run_scoped3A = tpu.sem_alloc : memref<!tpu.dma_semaphore, #tpu.memory_space<semaphore_mem>>
        %dma_start3A_89 = arith.constant 128 : i32
        %dma_start3A_90 = tpu.memref_slice %arg9[%dma_start3A_89] : memref<768xi32, #tpu.memory_space<vmem>> -> memref<128xi32, #tpu.memory_space<vmem>>
        %dma_start3A_91 = arith.constant 0 : i32
        %dma_start3A_92 = arith.constant 0 : i32
        %dma_start3A_93 = tpu.memref_slice %arg16[%dma_start3A_91, %dma_start3A_92] : memref<10240x128xf32, #tpu.memory_space<vmem_shared>> -> memref<10240x128xf32, #tpu.memory_space<vmem_shared>>
        tpu.enqueue_indirect_dma source(%arg13 : memref<128x128xf32, #tpu.memory_space<vmem>>) target(%dma_start3A_93 : memref<10240x128xf32, #tpu.memory_space<vmem_shared>>) offsets(%dma_start3A_90 : memref<128xi32, #tpu.memory_space<vmem>>) semaphore(%run_scoped3A : memref<!tpu.dma_semaphore, #tpu.memory_space<semaphore_mem>>) {add = true}
        %dma_wait3A_94 = arith.constant 128 : i32
        %dma_wait3A_95 = tpu.memref_slice %arg9[%dma_wait3A_94] : memref<768xi32, #tpu.memory_space<vmem>> -> memref<128xi32, #tpu.memory_space<vmem>>
        %dma_wait3A_96 = arith.constant 0 : i32
        %dma_wait3A_97 = arith.constant 0 : i32
        %dma_wait3A_98 = tpu.memref_slice %arg16[%dma_wait3A_96, %dma_wait3A_97] : memref<10240x128xf32, #tpu.memory_space<vmem_shared>> -> memref<10240x128xf32, #tpu.memory_space<vmem_shared>>
        tpu.wait_indirect_dma semaphore(%run_scoped3A : memref<!tpu.dma_semaphore, #tpu.memory_space<semaphore_mem>>) src(%arg13 : memref<128x128xf32, #tpu.memory_space<vmem>>) dst(%dma_wait3A_98 : memref<10240x128xf32, #tpu.memory_space<vmem_shared>>)
        tpu.yield
      }) : () -> ()
      %dma_wait3A_54 = arith.constant 256 : i32
      %dma_wait3A_55 = tpu.memref_slice %arg8[%dma_wait3A_54] : memref<768xi32, #tpu.memory_space<vmem>> -> memref<128xi32, #tpu.memory_space<vmem>>
      %dma_wait3A_56 = arith.constant 0 : i32
      %dma_wait3A_57 = arith.constant 0 : i32
      %dma_wait3A_58 = tpu.memref_slice %arg2[%dma_wait3A_56, %dma_wait3A_57] : memref<10000x128xf32, #tpu.memory_space<hbm>> -> memref<10000x128xf32, #tpu.memory_space<hbm>>
      tpu.wait_indirect_dma semaphore(%arg18 : memref<!tpu.dma_semaphore, #tpu.memory_space<semaphore_mem>>) src(%dma_wait3A_58 : memref<10000x128xf32, #tpu.memory_space<hbm>>) dst(%arg12 : memref<128x128xf32, #tpu.memory_space<vmem>>)
      %dma_start3A_59 = arith.constant 384 : i32
      %dma_start3A_60 = tpu.memref_slice %arg8[%dma_start3A_59] : memref<768xi32, #tpu.memory_space<vmem>> -> memref<128xi32, #tpu.memory_space<vmem>>
      %dma_start3A_61 = arith.constant 0 : i32
      %dma_start3A_62 = arith.constant 0 : i32
      %dma_start3A_63 = tpu.memref_slice %arg2[%dma_start3A_61, %dma_start3A_62] : memref<10000x128xf32, #tpu.memory_space<hbm>> -> memref<10000x128xf32, #tpu.memory_space<hbm>>
      tpu.enqueue_indirect_dma source(%dma_start3A_63 : memref<10000x128xf32, #tpu.memory_space<hbm>>) target(%arg13 : memref<128x128xf32, #tpu.memory_space<vmem>>) offsets(%dma_start3A_60 : memref<128xi32, #tpu.memory_space<vmem>>) semaphore(%arg18 : memref<!tpu.dma_semaphore, #tpu.memory_space<semaphore_mem>>)
      "tpu.region"() ({
        %run_scoped3A = tpu.sem_alloc : memref<!tpu.dma_semaphore, #tpu.memory_space<semaphore_mem>>
        %dma_start3A_89 = arith.constant 256 : i32
        %dma_start3A_90 = tpu.memref_slice %arg9[%dma_start3A_89] : memref<768xi32, #tpu.memory_space<vmem>> -> memref<128xi32, #tpu.memory_space<vmem>>
        %dma_start3A_91 = arith.constant 0 : i32
        %dma_start3A_92 = arith.constant 0 : i32
        %dma_start3A_93 = tpu.memref_slice %arg16[%dma_start3A_91, %dma_start3A_92] : memref<10240x128xf32, #tpu.memory_space<vmem_shared>> -> memref<10240x128xf32, #tpu.memory_space<vmem_shared>>
        tpu.enqueue_indirect_dma source(%arg12 : memref<128x128xf32, #tpu.memory_space<vmem>>) target(%dma_start3A_93 : memref<10240x128xf32, #tpu.memory_space<vmem_shared>>) offsets(%dma_start3A_90 : memref<128xi32, #tpu.memory_space<vmem>>) semaphore(%run_scoped3A : memref<!tpu.dma_semaphore, #tpu.memory_space<semaphore_mem>>) {add = true}
        %dma_wait3A_94 = arith.constant 256 : i32
        %dma_wait3A_95 = tpu.memref_slice %arg9[%dma_wait3A_94] : memref<768xi32, #tpu.memory_space<vmem>> -> memref<128xi32, #tpu.memory_space<vmem>>
        %dma_wait3A_96 = arith.constant 0 : i32
        %dma_wait3A_97 = arith.constant 0 : i32
        %dma_wait3A_98 = tpu.memref_slice %arg16[%dma_wait3A_96, %dma_wait3A_97] : memref<10240x128xf32, #tpu.memory_space<vmem_shared>> -> memref<10240x128xf32, #tpu.memory_space<vmem_shared>>
        tpu.wait_indirect_dma semaphore(%run_scoped3A : memref<!tpu.dma_semaphore, #tpu.memory_space<semaphore_mem>>) src(%arg12 : memref<128x128xf32, #tpu.memory_space<vmem>>) dst(%dma_wait3A_98 : memref<10240x128xf32, #tpu.memory_space<vmem_shared>>)
        tpu.yield
      }) : () -> ()
      %dma_wait3A_64 = arith.constant 384 : i32
      %dma_wait3A_65 = tpu.memref_slice %arg8[%dma_wait3A_64] : memref<768xi32, #tpu.memory_space<vmem>> -> memref<128xi32, #tpu.memory_space<vmem>>
      %dma_wait3A_66 = arith.constant 0 : i32
      %dma_wait3A_67 = arith.constant 0 : i32
      %dma_wait3A_68 = tpu.memref_slice %arg2[%dma_wait3A_66, %dma_wait3A_67] : memref<10000x128xf32, #tpu.memory_space<hbm>> -> memref<10000x128xf32, #tpu.memory_space<hbm>>
      tpu.wait_indirect_dma semaphore(%arg18 : memref<!tpu.dma_semaphore, #tpu.memory_space<semaphore_mem>>) src(%dma_wait3A_68 : memref<10000x128xf32, #tpu.memory_space<hbm>>) dst(%arg13 : memref<128x128xf32, #tpu.memory_space<vmem>>)
      %dma_start3A_69 = arith.constant 512 : i32
      %dma_start3A_70 = tpu.memref_slice %arg8[%dma_start3A_69] : memref<768xi32, #tpu.memory_space<vmem>> -> memref<128xi32, #tpu.memory_space<vmem>>
      %dma_start3A_71 = arith.constant 0 : i32
      %dma_start3A_72 = arith.constant 0 : i32
      %dma_start3A_73 = tpu.memref_slice %arg2[%dma_start3A_71, %dma_start3A_72] : memref<10000x128xf32, #tpu.memory_space<hbm>> -> memref<10000x128xf32, #tpu.memory_space<hbm>>
      tpu.enqueue_indirect_dma source(%dma_start3A_73 : memref<10000x128xf32, #tpu.memory_space<hbm>>) target(%arg12 : memref<128x128xf32, #tpu.memory_space<vmem>>) offsets(%dma_start3A_70 : memref<128xi32, #tpu.memory_space<vmem>>) semaphore(%arg18 : memref<!tpu.dma_semaphore, #tpu.memory_space<semaphore_mem>>)
      "tpu.region"() ({
        %run_scoped3A = tpu.sem_alloc : memref<!tpu.dma_semaphore, #tpu.memory_space<semaphore_mem>>
        %dma_start3A_89 = arith.constant 384 : i32
        %dma_start3A_90 = tpu.memref_slice %arg9[%dma_start3A_89] : memref<768xi32, #tpu.memory_space<vmem>> -> memref<128xi32, #tpu.memory_space<vmem>>
        %dma_start3A_91 = arith.constant 0 : i32
        %dma_start3A_92 = arith.constant 0 : i32
        %dma_start3A_93 = tpu.memref_slice %arg16[%dma_start3A_91, %dma_start3A_92] : memref<10240x128xf32, #tpu.memory_space<vmem_shared>> -> memref<10240x128xf32, #tpu.memory_space<vmem_shared>>
        tpu.enqueue_indirect_dma source(%arg13 : memref<128x128xf32, #tpu.memory_space<vmem>>) target(%dma_start3A_93 : memref<10240x128xf32, #tpu.memory_space<vmem_shared>>) offsets(%dma_start3A_90 : memref<128xi32, #tpu.memory_space<vmem>>) semaphore(%run_scoped3A : memref<!tpu.dma_semaphore, #tpu.memory_space<semaphore_mem>>) {add = true}
        %dma_wait3A_94 = arith.constant 384 : i32
        %dma_wait3A_95 = tpu.memref_slice %arg9[%dma_wait3A_94] : memref<768xi32, #tpu.memory_space<vmem>> -> memref<128xi32, #tpu.memory_space<vmem>>
        %dma_wait3A_96 = arith.constant 0 : i32
        %dma_wait3A_97 = arith.constant 0 : i32
        %dma_wait3A_98 = tpu.memref_slice %arg16[%dma_wait3A_96, %dma_wait3A_97] : memref<10240x128xf32, #tpu.memory_space<vmem_shared>> -> memref<10240x128xf32, #tpu.memory_space<vmem_shared>>
        tpu.wait_indirect_dma semaphore(%run_scoped3A : memref<!tpu.dma_semaphore, #tpu.memory_space<semaphore_mem>>) src(%arg13 : memref<128x128xf32, #tpu.memory_space<vmem>>) dst(%dma_wait3A_98 : memref<10240x128xf32, #tpu.memory_space<vmem_shared>>)
        tpu.yield
      }) : () -> ()
      %dma_wait3A_74 = arith.constant 512 : i32
      %dma_wait3A_75 = tpu.memref_slice %arg8[%dma_wait3A_74] : memref<768xi32, #tpu.memory_space<vmem>> -> memref<128xi32, #tpu.memory_space<vmem>>
      %dma_wait3A_76 = arith.constant 0 : i32
      %dma_wait3A_77 = arith.constant 0 : i32
      %dma_wait3A_78 = tpu.memref_slice %arg2[%dma_wait3A_76, %dma_wait3A_77] : memref<10000x128xf32, #tpu.memory_space<hbm>> -> memref<10000x128xf32, #tpu.memory_space<hbm>>
      tpu.wait_indirect_dma semaphore(%arg18 : memref<!tpu.dma_semaphore, #tpu.memory_space<semaphore_mem>>) src(%dma_wait3A_78 : memref<10000x128xf32, #tpu.memory_space<hbm>>) dst(%arg12 : memref<128x128xf32, #tpu.memory_space<vmem>>)
      %dma_start3A_79 = arith.constant 640 : i32
      %dma_start3A_80 = tpu.memref_slice %arg8[%dma_start3A_79] : memref<768xi32, #tpu.memory_space<vmem>> -> memref<128xi32, #tpu.memory_space<vmem>>
      %dma_start3A_81 = arith.constant 0 : i32
      %dma_start3A_82 = arith.constant 0 : i32
      %dma_start3A_83 = tpu.memref_slice %arg2[%dma_start3A_81, %dma_start3A_82] : memref<10000x128xf32, #tpu.memory_space<hbm>> -> memref<10000x128xf32, #tpu.memory_space<hbm>>
      tpu.enqueue_indirect_dma source(%dma_start3A_83 : memref<10000x128xf32, #tpu.memory_space<hbm>>) target(%arg13 : memref<128x128xf32, #tpu.memory_space<vmem>>) offsets(%dma_start3A_80 : memref<128xi32, #tpu.memory_space<vmem>>) semaphore(%arg18 : memref<!tpu.dma_semaphore, #tpu.memory_space<semaphore_mem>>)
      "tpu.region"() ({
        %run_scoped3A = tpu.sem_alloc : memref<!tpu.dma_semaphore, #tpu.memory_space<semaphore_mem>>
        %dma_start3A_89 = arith.constant 512 : i32
        %dma_start3A_90 = tpu.memref_slice %arg9[%dma_start3A_89] : memref<768xi32, #tpu.memory_space<vmem>> -> memref<128xi32, #tpu.memory_space<vmem>>
        %dma_start3A_91 = arith.constant 0 : i32
        %dma_start3A_92 = arith.constant 0 : i32
        %dma_start3A_93 = tpu.memref_slice %arg16[%dma_start3A_91, %dma_start3A_92] : memref<10240x128xf32, #tpu.memory_space<vmem_shared>> -> memref<10240x128xf32, #tpu.memory_space<vmem_shared>>
        tpu.enqueue_indirect_dma source(%arg12 : memref<128x128xf32, #tpu.memory_space<vmem>>) target(%dma_start3A_93 : memref<10240x128xf32, #tpu.memory_space<vmem_shared>>) offsets(%dma_start3A_90 : memref<128xi32, #tpu.memory_space<vmem>>) semaphore(%run_scoped3A : memref<!tpu.dma_semaphore, #tpu.memory_space<semaphore_mem>>) {add = true}
        %dma_wait3A_94 = arith.constant 512 : i32
        %dma_wait3A_95 = tpu.memref_slice %arg9[%dma_wait3A_94] : memref<768xi32, #tpu.memory_space<vmem>> -> memref<128xi32, #tpu.memory_space<vmem>>
        %dma_wait3A_96 = arith.constant 0 : i32
        %dma_wait3A_97 = arith.constant 0 : i32
        %dma_wait3A_98 = tpu.memref_slice %arg16[%dma_wait3A_96, %dma_wait3A_97] : memref<10240x128xf32, #tpu.memory_space<vmem_shared>> -> memref<10240x128xf32, #tpu.memory_space<vmem_shared>>
        tpu.wait_indirect_dma semaphore(%run_scoped3A : memref<!tpu.dma_semaphore, #tpu.memory_space<semaphore_mem>>) src(%arg12 : memref<128x128xf32, #tpu.memory_space<vmem>>) dst(%dma_wait3A_98 : memref<10240x128xf32, #tpu.memory_space<vmem_shared>>)
        tpu.yield
      }) : () -> ()
      %dma_wait3A_84 = arith.constant 640 : i32
      %dma_wait3A_85 = tpu.memref_slice %arg8[%dma_wait3A_84] : memref<768xi32, #tpu.memory_space<vmem>> -> memref<128xi32, #tpu.memory_space<vmem>>
      %dma_wait3A_86 = arith.constant 0 : i32
      %dma_wait3A_87 = arith.constant 0 : i32
      %dma_wait3A_88 = tpu.memref_slice %arg2[%dma_wait3A_86, %dma_wait3A_87] : memref<10000x128xf32, #tpu.memory_space<hbm>> -> memref<10000x128xf32, #tpu.memory_space<hbm>>
      tpu.wait_indirect_dma semaphore(%arg18 : memref<!tpu.dma_semaphore, #tpu.memory_space<semaphore_mem>>) src(%dma_wait3A_88 : memref<10000x128xf32, #tpu.memory_space<hbm>>) dst(%arg13 : memref<128x128xf32, #tpu.memory_space<vmem>>)
      "tpu.region"() ({
        %run_scoped3A = tpu.sem_alloc : memref<!tpu.dma_semaphore, #tpu.memory_space<semaphore_mem>>
        %dma_start3A_89 = arith.constant 640 : i32
        %dma_start3A_90 = tpu.memref_slice %arg9[%dma_start3A_89] : memref<768xi32, #tpu.memory_space<vmem>> -> memref<128xi32, #tpu.memory_space<vmem>>
        %dma_start3A_91 = arith.constant 0 : i32
        %dma_start3A_92 = arith.constant 0 : i32
        %dma_start3A_93 = tpu.memref_slice %arg16[%dma_start3A_91, %dma_start3A_92] : memref<10240x128xf32, #tpu.memory_space<vmem_shared>> -> memref<10240x128xf32, #tpu.memory_space<vmem_shared>>
        tpu.enqueue_indirect_dma source(%arg13 : memref<128x128xf32, #tpu.memory_space<vmem>>) target(%dma_start3A_93 : memref<10240x128xf32, #tpu.memory_space<vmem_shared>>) offsets(%dma_start3A_90 : memref<128xi32, #tpu.memory_space<vmem>>) semaphore(%run_scoped3A : memref<!tpu.dma_semaphore, #tpu.memory_space<semaphore_mem>>) {add = true}
        %dma_wait3A_94 = arith.constant 640 : i32
        %dma_wait3A_95 = tpu.memref_slice %arg9[%dma_wait3A_94] : memref<768xi32, #tpu.memory_space<vmem>> -> memref<128xi32, #tpu.memory_space<vmem>>
        %dma_wait3A_96 = arith.constant 0 : i32
        %dma_wait3A_97 = arith.constant 0 : i32
        %dma_wait3A_98 = tpu.memref_slice %arg16[%dma_wait3A_96, %dma_wait3A_97] : memref<10240x128xf32, #tpu.memory_space<vmem_shared>> -> memref<10240x128xf32, #tpu.memory_space<vmem_shared>>
        tpu.wait_indirect_dma semaphore(%run_scoped3A : memref<!tpu.dma_semaphore, #tpu.memory_space<semaphore_mem>>) src(%arg13 : memref<128x128xf32, #tpu.memory_space<vmem>>) dst(%dma_wait3A_98 : memref<10240x128xf32, #tpu.memory_space<vmem_shared>>)
        tpu.yield
      }) : () -> ()
    }
    %scan3A_17 = arith.constant 13 : i32
    %barrier3A_18 = arith.constant 0 : index
    tpu.barrier barrier_id(%barrier3A_18)
    %scan3A_19 = arith.constant 0 : i32
    %scan3A_20 = arith.constant 0 : i32
    %scan3A_21 = arith.constant 5 : i32
    %scan3A_22 = arith.addi %scan3A_20, %scan3A_21 : i32
    %scan3A_23 = arith.constant 1 : i32
    scf.for %scan3A_25 = %scan3A_20 to %scan3A_22 step %scan3A_23  : i32 {
      %mul3A_26 = arith.constant 640 : i32
      %mul3A_27 = arith.muli %arg1, %mul3A_26 : i32
      %mul3A_28 = arith.constant 128 : i32
      %mul3A_29 = arith.muli %scan3A_25, %mul3A_28 : i32
      %add3A_30 = arith.addi %mul3A_27, %mul3A_29 : i32
      "tpu.region"() ({
        %run_scoped3A = tpu.sem_alloc : memref<!tpu.dma_semaphore, #tpu.memory_space<semaphore_mem>>
        %dma_start3A = arith.constant 0 : i32
        %dma_start3A_31 = tpu.memref_slice %arg16[%add3A_30, %dma_start3A] : memref<10240x128xf32, #tpu.memory_space<vmem_shared>> -> memref<128x128xf32, #tpu.memory_space<vmem_shared>>
        %dma_start3A_32 = arith.constant 0 : i32
        %dma_start3A_33 = tpu.memref_slice %arg16[%add3A_30, %dma_start3A_32] : memref<10240x128xf32, #tpu.memory_space<vmem_shared>> -> memref<128x128xf32, #tpu.memory_space<vmem_shared>>
        tpu.enqueue_dma source(%dma_start3A_33 : memref<128x128xf32, #tpu.memory_space<vmem_shared>>) target(%arg12 : memref<128x128xf32, #tpu.memory_space<vmem>>) target_semaphore(%run_scoped3A : memref<!tpu.dma_semaphore, #tpu.memory_space<semaphore_mem>>)
        %dma_wait3A = arith.constant 0 : i32
        %dma_wait3A_34 = tpu.memref_slice %arg16[%add3A_30, %dma_wait3A] : memref<10240x128xf32, #tpu.memory_space<vmem_shared>> -> memref<128x128xf32, #tpu.memory_space<vmem_shared>>
        %dma_wait3A_35 = arith.constant 0 : i32
        %dma_wait3A_36 = tpu.memref_slice %arg16[%add3A_30, %dma_wait3A_35] : memref<10240x128xf32, #tpu.memory_space<vmem_shared>> -> memref<128x128xf32, #tpu.memory_space<vmem_shared>>
        tpu.wait_dma2 semaphore(%run_scoped3A : memref<!tpu.dma_semaphore, #tpu.memory_space<semaphore_mem>>) src(%dma_wait3A_36 : memref<128x128xf32, #tpu.memory_space<vmem_shared>>) dst(%arg12 : memref<128x128xf32, #tpu.memory_space<vmem>>)
        tpu.yield
      }) : () -> ()
      "tpu.region"() ({
        %run_scoped3A = tpu.sem_alloc : memref<!tpu.dma_semaphore, #tpu.memory_space<semaphore_mem>>
        %dma_start3A = arith.constant 0 : i32
        %dma_start3A_31 = tpu.memref_slice %arg7[%arg0, %add3A_30, %dma_start3A] : memref<2x10240x128xf32, #tpu.memory_space<hbm>> -> memref<1x128x128xf32, #tpu.memory_space<hbm>>
        %dma_start3A_32 = tpu.memref_squeeze %dma_start3A_31 : memref<1x128x128xf32, #tpu.memory_space<hbm>> -> memref<128x128xf32, #tpu.memory_space<hbm>>
        %dma_start3A_33 = arith.constant 0 : i32
        %dma_start3A_34 = tpu.memref_slice %arg7[%arg0, %add3A_30, %dma_start3A_33] : memref<2x10240x128xf32, #tpu.memory_space<hbm>> -> memref<1x128x128xf32, #tpu.memory_space<hbm>>
        %dma_start3A_35 = tpu.memref_squeeze %dma_start3A_34 : memref<1x128x128xf32, #tpu.memory_space<hbm>> -> memref<128x128xf32, #tpu.memory_space<hbm>>
        tpu.enqueue_dma source(%arg12 : memref<128x128xf32, #tpu.memory_space<vmem>>) target(%dma_start3A_35 : memref<128x128xf32, #tpu.memory_space<hbm>>) target_semaphore(%run_scoped3A : memref<!tpu.dma_semaphore, #tpu.memory_space<semaphore_mem>>)
        %dma_wait3A = arith.constant 0 : i32
        %dma_wait3A_36 = tpu.memref_slice %arg7[%arg0, %add3A_30, %dma_wait3A] : memref<2x10240x128xf32, #tpu.memory_space<hbm>> -> memref<1x128x128xf32, #tpu.memory_space<hbm>>
        %dma_wait3A_37 = tpu.memref_squeeze %dma_wait3A_36 : memref<1x128x128xf32, #tpu.memory_space<hbm>> -> memref<128x128xf32, #tpu.memory_space<hbm>>
        %dma_wait3A_38 = arith.constant 0 : i32
        %dma_wait3A_39 = tpu.memref_slice %arg7[%arg0, %add3A_30, %dma_wait3A_38] : memref<2x10240x128xf32, #tpu.memory_space<hbm>> -> memref<1x128x128xf32, #tpu.memory_space<hbm>>
        %dma_wait3A_40 = tpu.memref_squeeze %dma_wait3A_39 : memref<1x128x128xf32, #tpu.memory_space<hbm>> -> memref<128x128xf32, #tpu.memory_space<hbm>>
        tpu.wait_dma2 semaphore(%run_scoped3A : memref<!tpu.dma_semaphore, #tpu.memory_space<semaphore_mem>>) src(%arg12 : memref<128x128xf32, #tpu.memory_space<vmem>>) dst(%dma_wait3A_40 : memref<128x128xf32, #tpu.memory_space<hbm>>)
        tpu.yield
      }) : () -> ()
    }
    %scan3A_24 = arith.constant 5 : i32
    return
  }
}

module attributes {stable_mosaic.version = 14 : i64} {
  func.func @_conv_body(%arg0: i32, %arg1: memref<2000x128xf32, #tpu.memory_space<vmem>>, %arg2: memref<2x2000x128xf32, #tpu.memory_space<vmem>>, %arg3: memref<2x2000x1xf32, #tpu.memory_space<vmem>>, %arg4: memref<128x128xf32, #tpu.memory_space<vmem>>, %arg5: memref<128x128xf32, #tpu.memory_space<vmem>>, %arg6: memref<1x128xf32, #tpu.memory_space<vmem>>, %arg7: memref<1x128xf32, #tpu.memory_space<vmem>>, %arg8: memref<2000x128xf32, #tpu.memory_space<vmem>>) attributes {dimension_semantics = [#tpu.dimension_semantics<arbitrary>], iteration_bounds = array<i64: 5>, scalar_prefetch = 0 : i64, scratch_operands = 0 : i64, tpu.core_type = #tpu.core_type<tc>, window_params = [{transform_indices = @transform_0, window_bounds = array<i64: 2000, 128>}, {transform_indices = @transform_1, window_bounds = array<i64: 2, 2000, 128>}, {transform_indices = @transform_2, window_bounds = array<i64: 2, 2000, 1>}, {pipeline_mode = #tpu.pipeline_mode<synchronous>, transform_indices = @transform_3, window_bounds = array<i64: 128, 128>}, {pipeline_mode = #tpu.pipeline_mode<synchronous>, transform_indices = @transform_4, window_bounds = array<i64: 128, 128>}, {pipeline_mode = #tpu.pipeline_mode<synchronous>, transform_indices = @transform_5, window_bounds = array<i64: 1, 128>}, {pipeline_mode = #tpu.pipeline_mode<synchronous>, transform_indices = @transform_6, window_bounds = array<i64: 1, 128>}, {transform_indices = @transform_7, window_bounds = array<i64: 2000, 128>}]} {
    %get3A = arith.constant 0 : index
    %get3A_0 = arith.constant 0 : index
    %get3A_1 = arith.constant 0 : index
    %get3A_2 = vector.load %arg3[%get3A, %get3A_0, %get3A_1] : memref<2x2000x1xf32, #tpu.memory_space<vmem>>, vector<1x2000x1xf32>
    %get3A_3 = vector.shape_cast %get3A_2 : vector<1x2000x1xf32> to vector<2000x1xf32>
    %get3A_4 = arith.constant 1 : index
    %get3A_5 = arith.constant 0 : index
    %get3A_6 = arith.constant 0 : index
    %get3A_7 = vector.load %arg3[%get3A_4, %get3A_5, %get3A_6] : memref<2x2000x1xf32, #tpu.memory_space<vmem>>, vector<1x2000x1xf32>
    %get3A_8 = vector.shape_cast %get3A_7 : vector<1x2000x1xf32> to vector<2000x1xf32>
    %add3A = arith.addf %get3A_3, %get3A_8 : vector<2000x1xf32>
    %max3A = arith.constant 1.000000e+00 : f32
    %max3A_9 = vector.broadcast %max3A : f32 to vector<2000x1xf32>
    %max3A_10 = arith.maximumf %add3A, %max3A_9 : vector<2000x1xf32>
    %get3A_11 = arith.constant 0 : index
    %get3A_12 = arith.constant 0 : index
    %get3A_13 = arith.constant 0 : index
    %get3A_14 = vector.load %arg2[%get3A_11, %get3A_12, %get3A_13] : memref<2x2000x128xf32, #tpu.memory_space<vmem>>, vector<1x2000x128xf32>
    %get3A_15 = vector.shape_cast %get3A_14 : vector<1x2000x128xf32> to vector<2000x128xf32>
    %get3A_16 = arith.constant 1 : index
    %get3A_17 = arith.constant 0 : index
    %get3A_18 = arith.constant 0 : index
    %get3A_19 = vector.load %arg2[%get3A_16, %get3A_17, %get3A_18] : memref<2x2000x128xf32, #tpu.memory_space<vmem>>, vector<1x2000x128xf32>
    %get3A_20 = vector.shape_cast %get3A_19 : vector<1x2000x128xf32> to vector<2000x128xf32>
    %add3A_21 = arith.addf %get3A_15, %get3A_20 : vector<2000x128xf32>
    %div3A = vector.broadcast %max3A_10 : vector<2000x1xf32> to vector<2000x128xf32>
    %div3A_22 = arith.divf %add3A_21, %div3A : vector<2000x128xf32>
    %get3A_23 = arith.constant 0 : index
    %get3A_24 = arith.constant 0 : index
    %get3A_25 = vector.load %arg1[%get3A_23, %get3A_24] : memref<2000x128xf32, #tpu.memory_space<vmem>>, vector<2000x128xf32>
    %get3A_26 = arith.constant 0 : index
    %get3A_27 = arith.constant 0 : index
    %get3A_28 = vector.load %arg4[%get3A_26, %get3A_27] : memref<128x128xf32, #tpu.memory_space<vmem>>, vector<128x128xf32>
    %dot_general3A = arith.constant dense<0.000000e+00> : vector<2000x128xf32>
    %dot_general3A_29 = tpu.matmul %get3A_25, %get3A_28, %dot_general3A {dimension_numbers = #tpu.dot_dimension_numbers<[1], [0], [0], [1], [0, 0, 1, 1], [], []>, transpose_lhs_hint = false} : vector<2000x128xf32>, vector<128x128xf32>, vector<2000x128xf32> -> vector<2000x128xf32>
    %get3A_30 = arith.constant 0 : index
    %get3A_31 = arith.constant 0 : index
    %get3A_32 = vector.load %arg5[%get3A_30, %get3A_31] : memref<128x128xf32, #tpu.memory_space<vmem>>, vector<128x128xf32>
    %dot_general3A_33 = arith.constant dense<0.000000e+00> : vector<2000x128xf32>
    %dot_general3A_34 = tpu.matmul %div3A_22, %get3A_32, %dot_general3A_33 {dimension_numbers = #tpu.dot_dimension_numbers<[1], [0], [0], [1], [0, 0, 1, 1], [], []>, transpose_lhs_hint = false} : vector<2000x128xf32>, vector<128x128xf32>, vector<2000x128xf32> -> vector<2000x128xf32>
    %add3A_35 = arith.addf %dot_general3A_29, %dot_general3A_34 : vector<2000x128xf32>
    %get3A_36 = arith.constant 0 : index
    %get3A_37 = arith.constant 0 : index
    %get3A_38 = vector.load %arg6[%get3A_36, %get3A_37] : memref<1x128xf32, #tpu.memory_space<vmem>>, vector<1x128xf32>
    %get3A_39 = vector.shape_cast %get3A_38 : vector<1x128xf32> to vector<128xf32>
    %mul3A = arith.constant 0.999994993 : f32
    %mul3A_40 = vector.broadcast %mul3A : f32 to vector<128xf32>
    %mul3A_41 = arith.mulf %get3A_39, %mul3A_40 : vector<128xf32>
    %broadcast_in_dim3A = vector.shape_cast %mul3A_41 : vector<128xf32> to vector<1x128xf32>
    %mul3A_42 = vector.broadcast %broadcast_in_dim3A : vector<1x128xf32> to vector<2000x128xf32>
    %mul3A_43 = arith.mulf %add3A_35, %mul3A_42 : vector<2000x128xf32>
    %get3A_44 = arith.constant 0 : index
    %get3A_45 = arith.constant 0 : index
    %get3A_46 = vector.load %arg7[%get3A_44, %get3A_45] : memref<1x128xf32, #tpu.memory_space<vmem>>, vector<1x128xf32>
    %get3A_47 = vector.shape_cast %get3A_46 : vector<1x128xf32> to vector<128xf32>
    %broadcast_in_dim3A_48 = vector.shape_cast %get3A_47 : vector<128xf32> to vector<1x128xf32>
    %add3A_49 = vector.broadcast %broadcast_in_dim3A_48 : vector<1x128xf32> to vector<2000x128xf32>
    %add3A_50 = arith.addf %mul3A_43, %add3A_49 : vector<2000x128xf32>
    %max3A_51 = arith.constant 0.000000e+00 : f32
    %max3A_52 = vector.broadcast %max3A_51 : f32 to vector<2000x128xf32>
    %max3A_53 = arith.maximumf %add3A_50, %max3A_52 : vector<2000x128xf32>
    %swap3A = arith.constant 0 : index
    %swap3A_54 = arith.constant 0 : index
    %swap3A_55 = vector.load %arg8[%swap3A, %swap3A_54] : memref<2000x128xf32, #tpu.memory_space<vmem>>, vector<2000x128xf32>
    tpu.vector_store %arg8[%swap3A, %swap3A_54], %max3A_53 {strides = array<i32>} : memref<2000x128xf32, #tpu.memory_space<vmem>>, vector<2000x128xf32>,
    return
  }
  func.func @transform_0(%arg0: i32) -> (i32, i32) {
    %c0_i32 = arith.constant 0 : i32
    %c0_i32_0 = arith.constant 0 : i32
    return %arg0, %c0_i32 : i32, i32
  }
  func.func @transform_1(%arg0: i32) -> (i32, i32, i32) {
    %c0_i32 = arith.constant 0 : i32
    %c0_i32_0 = arith.constant 0 : i32
    %c0_i32_1 = arith.constant 0 : i32
    return %c0_i32, %arg0, %c0_i32_0 : i32, i32, i32
  }
  func.func @transform_2(%arg0: i32) -> (i32, i32, i32) {
    %c0_i32 = arith.constant 0 : i32
    %c0_i32_0 = arith.constant 0 : i32
    %c0_i32_1 = arith.constant 0 : i32
    return %c0_i32, %arg0, %c0_i32_0 : i32, i32, i32
  }
  func.func @transform_3(%arg0: i32) -> (i32, i32) {
    %c0_i32 = arith.constant 0 : i32
    %c0_i32_0 = arith.constant 0 : i32
    %c0_i32_1 = arith.constant 0 : i32
    return %c0_i32, %c0_i32_0 : i32, i32
  }
  func.func @transform_4(%arg0: i32) -> (i32, i32) {
    %c0_i32 = arith.constant 0 : i32
    %c0_i32_0 = arith.constant 0 : i32
    %c0_i32_1 = arith.constant 0 : i32
    return %c0_i32, %c0_i32_0 : i32, i32
  }
  func.func @transform_5(%arg0: i32) -> (i32, i32) {
    %c0_i32 = arith.constant 0 : i32
    %c0_i32_0 = arith.constant 0 : i32
    %c0_i32_1 = arith.constant 0 : i32
    return %c0_i32, %c0_i32_0 : i32, i32
  }
  func.func @transform_6(%arg0: i32) -> (i32, i32) {
    %c0_i32 = arith.constant 0 : i32
    %c0_i32_0 = arith.constant 0 : i32
    %c0_i32_1 = arith.constant 0 : i32
    return %c0_i32, %c0_i32_0 : i32, i32
  }
  func.func @transform_7(%arg0: i32) -> (i32, i32) {
    %c0_i32 = arith.constant 0 : i32
    %c0_i32_0 = arith.constant 0 : i32
    return %arg0, %c0_i32 : i32, i32
  }
}

module attributes {stable_mosaic.version = 14 : i64} {
  func.func @_final_body(%arg0: i32, %arg1: memref<2000x128xf32, #tpu.memory_space<vmem>>, %arg2: memref<2x2000x128xf32, #tpu.memory_space<vmem>>, %arg3: memref<2x2000x1xf32, #tpu.memory_space<vmem>>, %arg4: memref<128x128xf32, #tpu.memory_space<vmem>>, %arg5: memref<128x128xf32, #tpu.memory_space<vmem>>, %arg6: memref<1x128xf32, #tpu.memory_space<vmem>>, %arg7: memref<1x128xf32, #tpu.memory_space<vmem>>, %arg8: memref<128x128xf32, #tpu.memory_space<vmem>>, %arg9: memref<1x128xf32, #tpu.memory_space<vmem>>, %arg10: memref<1x128xf32, #tpu.memory_space<vmem>>, %arg11: memref<1x128xf32, #tpu.memory_space<vmem>>, %arg12: memref<128x40xf32, #tpu.memory_space<vmem>>, %arg13: memref<1x40xf32, #tpu.memory_space<vmem>>, %arg14: memref<2000x40xf32, #tpu.memory_space<vmem>>) attributes {dimension_semantics = [#tpu.dimension_semantics<arbitrary>], iteration_bounds = array<i64: 5>, scalar_prefetch = 0 : i64, scratch_operands = 0 : i64, tpu.core_type = #tpu.core_type<tc>, window_params = [{transform_indices = @transform_0, window_bounds = array<i64: 2000, 128>}, {transform_indices = @transform_1, window_bounds = array<i64: 2, 2000, 128>}, {transform_indices = @transform_2, window_bounds = array<i64: 2, 2000, 1>}, {pipeline_mode = #tpu.pipeline_mode<synchronous>, transform_indices = @transform_3, window_bounds = array<i64: 128, 128>}, {pipeline_mode = #tpu.pipeline_mode<synchronous>, transform_indices = @transform_4, window_bounds = array<i64: 128, 128>}, {pipeline_mode = #tpu.pipeline_mode<synchronous>, transform_indices = @transform_5, window_bounds = array<i64: 1, 128>}, {pipeline_mode = #tpu.pipeline_mode<synchronous>, transform_indices = @transform_6, window_bounds = array<i64: 1, 128>}, {pipeline_mode = #tpu.pipeline_mode<synchronous>, transform_indices = @transform_7, window_bounds = array<i64: 128, 128>}, {pipeline_mode = #tpu.pipeline_mode<synchronous>, transform_indices = @transform_8, window_bounds = array<i64: 1, 128>}, {pipeline_mode = #tpu.pipeline_mode<synchronous>, transform_indices = @transform_9, window_bounds = array<i64: 1, 128>}, {pipeline_mode = #tpu.pipeline_mode<synchronous>, transform_indices = @transform_10, window_bounds = array<i64: 1, 128>}, {pipeline_mode = #tpu.pipeline_mode<synchronous>, transform_indices = @transform_11, window_bounds = array<i64: 128, 40>}, {pipeline_mode = #tpu.pipeline_mode<synchronous>, transform_indices = @transform_12, window_bounds = array<i64: 1, 40>}, {transform_indices = @transform_13, window_bounds = array<i64: 2000, 40>}]} {
    %get3A = arith.constant 0 : index
    %get3A_0 = arith.constant 0 : index
    %get3A_1 = arith.constant 0 : index
    %get3A_2 = vector.load %arg3[%get3A, %get3A_0, %get3A_1] : memref<2x2000x1xf32, #tpu.memory_space<vmem>>, vector<1x2000x1xf32>
    %get3A_3 = vector.shape_cast %get3A_2 : vector<1x2000x1xf32> to vector<2000x1xf32>
    %get3A_4 = arith.constant 1 : index
    %get3A_5 = arith.constant 0 : index
    %get3A_6 = arith.constant 0 : index
    %get3A_7 = vector.load %arg3[%get3A_4, %get3A_5, %get3A_6] : memref<2x2000x1xf32, #tpu.memory_space<vmem>>, vector<1x2000x1xf32>
    %get3A_8 = vector.shape_cast %get3A_7 : vector<1x2000x1xf32> to vector<2000x1xf32>
    %add3A = arith.addf %get3A_3, %get3A_8 : vector<2000x1xf32>
    %max3A = arith.constant 1.000000e+00 : f32
    %max3A_9 = vector.broadcast %max3A : f32 to vector<2000x1xf32>
    %max3A_10 = arith.maximumf %add3A, %max3A_9 : vector<2000x1xf32>
    %get3A_11 = arith.constant 0 : index
    %get3A_12 = arith.constant 0 : index
    %get3A_13 = arith.constant 0 : index
    %get3A_14 = vector.load %arg2[%get3A_11, %get3A_12, %get3A_13] : memref<2x2000x128xf32, #tpu.memory_space<vmem>>, vector<1x2000x128xf32>
    %get3A_15 = vector.shape_cast %get3A_14 : vector<1x2000x128xf32> to vector<2000x128xf32>
    %get3A_16 = arith.constant 1 : index
    %get3A_17 = arith.constant 0 : index
    %get3A_18 = arith.constant 0 : index
    %get3A_19 = vector.load %arg2[%get3A_16, %get3A_17, %get3A_18] : memref<2x2000x128xf32, #tpu.memory_space<vmem>>, vector<1x2000x128xf32>
    %get3A_20 = vector.shape_cast %get3A_19 : vector<1x2000x128xf32> to vector<2000x128xf32>
    %add3A_21 = arith.addf %get3A_15, %get3A_20 : vector<2000x128xf32>
    %div3A = vector.broadcast %max3A_10 : vector<2000x1xf32> to vector<2000x128xf32>
    %div3A_22 = arith.divf %add3A_21, %div3A : vector<2000x128xf32>
    %get3A_23 = arith.constant 0 : index
    %get3A_24 = arith.constant 0 : index
    %get3A_25 = vector.load %arg1[%get3A_23, %get3A_24] : memref<2000x128xf32, #tpu.memory_space<vmem>>, vector<2000x128xf32>
    %get3A_26 = arith.constant 0 : index
    %get3A_27 = arith.constant 0 : index
    %get3A_28 = vector.load %arg4[%get3A_26, %get3A_27] : memref<128x128xf32, #tpu.memory_space<vmem>>, vector<128x128xf32>
    %dot_general3A = arith.constant dense<0.000000e+00> : vector<2000x128xf32>
    %dot_general3A_29 = tpu.matmul %get3A_25, %get3A_28, %dot_general3A {dimension_numbers = #tpu.dot_dimension_numbers<[1], [0], [0], [1], [0, 0, 1, 1], [], []>, transpose_lhs_hint = false} : vector<2000x128xf32>, vector<128x128xf32>, vector<2000x128xf32> -> vector<2000x128xf32>
    %get3A_30 = arith.constant 0 : index
    %get3A_31 = arith.constant 0 : index
    %get3A_32 = vector.load %arg5[%get3A_30, %get3A_31] : memref<128x128xf32, #tpu.memory_space<vmem>>, vector<128x128xf32>
    %dot_general3A_33 = arith.constant dense<0.000000e+00> : vector<2000x128xf32>
    %dot_general3A_34 = tpu.matmul %div3A_22, %get3A_32, %dot_general3A_33 {dimension_numbers = #tpu.dot_dimension_numbers<[1], [0], [0], [1], [0, 0, 1, 1], [], []>, transpose_lhs_hint = false} : vector<2000x128xf32>, vector<128x128xf32>, vector<2000x128xf32> -> vector<2000x128xf32>
    %add3A_35 = arith.addf %dot_general3A_29, %dot_general3A_34 : vector<2000x128xf32>
    %get3A_36 = arith.constant 0 : index
    %get3A_37 = arith.constant 0 : index
    %get3A_38 = vector.load %arg6[%get3A_36, %get3A_37] : memref<1x128xf32, #tpu.memory_space<vmem>>, vector<1x128xf32>
    %get3A_39 = vector.shape_cast %get3A_38 : vector<1x128xf32> to vector<128xf32>
    %mul3A = arith.constant 0.999994993 : f32
    %mul3A_40 = vector.broadcast %mul3A : f32 to vector<128xf32>
    %mul3A_41 = arith.mulf %get3A_39, %mul3A_40 : vector<128xf32>
    %broadcast_in_dim3A = vector.shape_cast %mul3A_41 : vector<128xf32> to vector<1x128xf32>
    %mul3A_42 = vector.broadcast %broadcast_in_dim3A : vector<1x128xf32> to vector<2000x128xf32>
    %mul3A_43 = arith.mulf %add3A_35, %mul3A_42 : vector<2000x128xf32>
    %get3A_44 = arith.constant 0 : index
    %get3A_45 = arith.constant 0 : index
    %get3A_46 = vector.load %arg7[%get3A_44, %get3A_45] : memref<1x128xf32, #tpu.memory_space<vmem>>, vector<1x128xf32>
    %get3A_47 = vector.shape_cast %get3A_46 : vector<1x128xf32> to vector<128xf32>
    %broadcast_in_dim3A_48 = vector.shape_cast %get3A_47 : vector<128xf32> to vector<1x128xf32>
    %add3A_49 = vector.broadcast %broadcast_in_dim3A_48 : vector<1x128xf32> to vector<2000x128xf32>
    %add3A_50 = arith.addf %mul3A_43, %add3A_49 : vector<2000x128xf32>
    %max3A_51 = arith.constant 0.000000e+00 : f32
    %max3A_52 = vector.broadcast %max3A_51 : f32 to vector<2000x128xf32>
    %max3A_53 = arith.maximumf %add3A_50, %max3A_52 : vector<2000x128xf32>
    %get3A_54 = arith.constant 0 : index
    %get3A_55 = arith.constant 0 : index
    %get3A_56 = vector.load %arg8[%get3A_54, %get3A_55] : memref<128x128xf32, #tpu.memory_space<vmem>>, vector<128x128xf32>
    %dot_general3A_57 = arith.constant dense<0.000000e+00> : vector<2000x128xf32>
    %dot_general3A_58 = tpu.matmul %max3A_53, %get3A_56, %dot_general3A_57 {dimension_numbers = #tpu.dot_dimension_numbers<[1], [0], [0], [1], [0, 0, 1, 1], [], []>, transpose_lhs_hint = false} : vector<2000x128xf32>, vector<128x128xf32>, vector<2000x128xf32> -> vector<2000x128xf32>
    %get3A_59 = arith.constant 0 : index
    %get3A_60 = arith.constant 0 : index
    %get3A_61 = vector.load %arg9[%get3A_59, %get3A_60] : memref<1x128xf32, #tpu.memory_space<vmem>>, vector<1x128xf32>
    %get3A_62 = vector.shape_cast %get3A_61 : vector<1x128xf32> to vector<128xf32>
    %broadcast_in_dim3A_63 = vector.shape_cast %get3A_62 : vector<128xf32> to vector<1x128xf32>
    %add3A_64 = vector.broadcast %broadcast_in_dim3A_63 : vector<1x128xf32> to vector<2000x128xf32>
    %add3A_65 = arith.addf %dot_general3A_58, %add3A_64 : vector<2000x128xf32>
    %get3A_66 = arith.constant 0 : index
    %get3A_67 = arith.constant 0 : index
    %get3A_68 = vector.load %arg10[%get3A_66, %get3A_67] : memref<1x128xf32, #tpu.memory_space<vmem>>, vector<1x128xf32>
    %get3A_69 = vector.shape_cast %get3A_68 : vector<1x128xf32> to vector<128xf32>
    %mul3A_70 = arith.constant 0.999994993 : f32
    %mul3A_71 = vector.broadcast %mul3A_70 : f32 to vector<128xf32>
    %mul3A_72 = arith.mulf %get3A_69, %mul3A_71 : vector<128xf32>
    %broadcast_in_dim3A_73 = vector.shape_cast %mul3A_72 : vector<128xf32> to vector<1x128xf32>
    %mul3A_74 = vector.broadcast %broadcast_in_dim3A_73 : vector<1x128xf32> to vector<2000x128xf32>
    %mul3A_75 = arith.mulf %add3A_65, %mul3A_74 : vector<2000x128xf32>
    %get3A_76 = arith.constant 0 : index
    %get3A_77 = arith.constant 0 : index
    %get3A_78 = vector.load %arg11[%get3A_76, %get3A_77] : memref<1x128xf32, #tpu.memory_space<vmem>>, vector<1x128xf32>
    %get3A_79 = vector.shape_cast %get3A_78 : vector<1x128xf32> to vector<128xf32>
    %broadcast_in_dim3A_80 = vector.shape_cast %get3A_79 : vector<128xf32> to vector<1x128xf32>
    %add3A_81 = vector.broadcast %broadcast_in_dim3A_80 : vector<1x128xf32> to vector<2000x128xf32>
    %add3A_82 = arith.addf %mul3A_75, %add3A_81 : vector<2000x128xf32>
    %max3A_83 = arith.constant 0.000000e+00 : f32
    %max3A_84 = vector.broadcast %max3A_83 : f32 to vector<2000x128xf32>
    %max3A_85 = arith.maximumf %add3A_82, %max3A_84 : vector<2000x128xf32>
    %get3A_86 = arith.constant 0 : index
    %get3A_87 = arith.constant 0 : index
    %get3A_88 = vector.load %arg12[%get3A_86, %get3A_87] : memref<128x40xf32, #tpu.memory_space<vmem>>, vector<128x40xf32>
    %dot_general3A_89 = arith.constant dense<0.000000e+00> : vector<2000x40xf32>
    %dot_general3A_90 = tpu.matmul %max3A_85, %get3A_88, %dot_general3A_89 {dimension_numbers = #tpu.dot_dimension_numbers<[1], [0], [0], [1], [0, 0, 1, 1], [], []>, transpose_lhs_hint = false} : vector<2000x128xf32>, vector<128x40xf32>, vector<2000x40xf32> -> vector<2000x40xf32>
    %get3A_91 = arith.constant 0 : index
    %get3A_92 = arith.constant 0 : index
    %get3A_93 = vector.load %arg13[%get3A_91, %get3A_92] : memref<1x40xf32, #tpu.memory_space<vmem>>, vector<1x40xf32>
    %get3A_94 = vector.shape_cast %get3A_93 : vector<1x40xf32> to vector<40xf32>
    %broadcast_in_dim3A_95 = vector.shape_cast %get3A_94 : vector<40xf32> to vector<1x40xf32>
    %add3A_96 = vector.broadcast %broadcast_in_dim3A_95 : vector<1x40xf32> to vector<2000x40xf32>
    %add3A_97 = arith.addf %dot_general3A_90, %add3A_96 : vector<2000x40xf32>
    %swap3A = arith.constant 0 : index
    %swap3A_98 = arith.constant 0 : index
    %swap3A_99 = vector.load %arg14[%swap3A, %swap3A_98] : memref<2000x40xf32, #tpu.memory_space<vmem>>, vector<2000x40xf32>
    tpu.vector_store %arg14[%swap3A, %swap3A_98], %add3A_97 {strides = array<i32>} : memref<2000x40xf32, #tpu.memory_space<vmem>>, vector<2000x40xf32>,
    return
  }
  func.func @transform_0(%arg0: i32) -> (i32, i32) {
    %c0_i32 = arith.constant 0 : i32
    %c0_i32_0 = arith.constant 0 : i32
    return %arg0, %c0_i32 : i32, i32
  }
  func.func @transform_1(%arg0: i32) -> (i32, i32, i32) {
    %c0_i32 = arith.constant 0 : i32
    %c0_i32_0 = arith.constant 0 : i32
    %c0_i32_1 = arith.constant 0 : i32
    return %c0_i32, %arg0, %c0_i32_0 : i32, i32, i32
  }
  func.func @transform_2(%arg0: i32) -> (i32, i32, i32) {
    %c0_i32 = arith.constant 0 : i32
    %c0_i32_0 = arith.constant 0 : i32
    %c0_i32_1 = arith.constant 0 : i32
    return %c0_i32, %arg0, %c0_i32_0 : i32, i32, i32
  }
  func.func @transform_3(%arg0: i32) -> (i32, i32) {
    %c0_i32 = arith.constant 0 : i32
    %c0_i32_0 = arith.constant 0 : i32
    %c0_i32_1 = arith.constant 0 : i32
    return %c0_i32, %c0_i32_0 : i32, i32
  }
  func.func @transform_4(%arg0: i32) -> (i32, i32) {
    %c0_i32 = arith.constant 0 : i32
    %c0_i32_0 = arith.constant 0 : i32
    %c0_i32_1 = arith.constant 0 : i32
    return %c0_i32, %c0_i32_0 : i32, i32
  }
  func.func @transform_5(%arg0: i32) -> (i32, i32) {
    %c0_i32 = arith.constant 0 : i32
    %c0_i32_0 = arith.constant 0 : i32
    %c0_i32_1 = arith.constant 0 : i32
    return %c0_i32, %c0_i32_0 : i32, i32
  }
  func.func @transform_6(%arg0: i32) -> (i32, i32) {
    %c0_i32 = arith.constant 0 : i32
    %c0_i32_0 = arith.constant 0 : i32
    %c0_i32_1 = arith.constant 0 : i32
    return %c0_i32, %c0_i32_0 : i32, i32
  }
  func.func @transform_7(%arg0: i32) -> (i32, i32) {
    %c0_i32 = arith.constant 0 : i32
    %c0_i32_0 = arith.constant 0 : i32
    %c0_i32_1 = arith.constant 0 : i32
    return %c0_i32, %c0_i32_0 : i32, i32
  }
  func.func @transform_8(%arg0: i32) -> (i32, i32) {
    %c0_i32 = arith.constant 0 : i32
    %c0_i32_0 = arith.constant 0 : i32
    %c0_i32_1 = arith.constant 0 : i32
    return %c0_i32, %c0_i32_0 : i32, i32
  }
  func.func @transform_9(%arg0: i32) -> (i32, i32) {
    %c0_i32 = arith.constant 0 : i32
    %c0_i32_0 = arith.constant 0 : i32
    %c0_i32_1 = arith.constant 0 : i32
    return %c0_i32, %c0_i32_0 : i32, i32
  }
  func.func @transform_10(%arg0: i32) -> (i32, i32) {
    %c0_i32 = arith.constant 0 : i32
    %c0_i32_0 = arith.constant 0 : i32
    %c0_i32_1 = arith.constant 0 : i32
    return %c0_i32, %c0_i32_0 : i32, i32
  }
  func.func @transform_11(%arg0: i32) -> (i32, i32) {
    %c0_i32 = arith.constant 0 : i32
    %c0_i32_0 = arith.constant 0 : i32
    %c0_i32_1 = arith.constant 0 : i32
    return %c0_i32, %c0_i32_0 : i32, i32
  }
  func.func @transform_12(%arg0: i32) -> (i32, i32) {
    %c0_i32 = arith.constant 0 : i32
    %c0_i32_0 = arith.constant 0 : i32
    %c0_i32_1 = arith.constant 0 : i32
    return %c0_i32, %c0_i32_0 : i32, i32
  }
  func.func @transform_13(%arg0: i32) -> (i32, i32) {
    %c0_i32 = arith.constant 0 : i32
    %c0_i32_0 = arith.constant 0 : i32
    return %arg0, %c0_i32 : i32, i32
  }
}

</mosaic_0001>

<sc_bundles>
// kernel: kernel.11.cloned.1.call-start
scs
__scs_entry_jumppad:
0x0: {  	(pc) =	sbr.rel $0x88, $3  }
0x1: {  	(tag) =	ssettag $0x0;
	lr =	simm.s32 $0x1  }
0x2: {  	[smem:$0x3F8D] =	sst lr;
	_ =	strace $0xD0000000  }
0x3: {  	_ = 	snop  }
0x4: {  	_ = 	snop  }
0x5: {  	_ = 	snop  }
0x6: {  	_ = 	snop  }
0x7: {  	_ = 	snop  }
__scs_overlays_trampoline_lowered:
0x8: {  	[smem:$0x3F9C] =	sst s0  }
0x9: {  	[smem:$0x3F9D] =	sst s1  }
0xa: {  	[smem:$0x3F9E] =	sst s2  }
0xb: {  	[smem:$0x3F9F] =	sst s3  }
0xc: {  	[smem:$0x3FA0] =	sst s4  }
0xd: {  	[smem:$0x3FA1] =	sst s5  }
0xe: {  	[smem:$0x3FA2] =	sst s6  }
0xf: {  	[smem:$0x3FA3] =	sst s7  }
0x10: {  	[smem:$0x3FA4] =	sst s8  }
0x11: {  	[smem:$0x3FA5] =	sst s9;
	s0 =	simm.s32 @!p0 $0x0  }
0x12: {  	s1 =	sld [smem:$0x3F8B];
	s0 =	simm.s32 @p0 $0x1  }
0x13: {  	[smem:$0x3FA6] =	sst s0;
	s0 =	simm.s32 @!p1 $0x0  }
0x14: {  	s2 =	sld [smem:$0x3F8A];
	s0 =	simm.s32 @p1 $0x1  }
0x15: {  	[smem:$0x3FA7] =	sst s0;
	s0 =	simm.s32 @!p2 $0x0  }
0x16: {  	s3 =	sld [smem:$0x3FDB];
	s0 =	simm.s32 @p2 $0x1  }
0x17: {  	s4 =	simm.s32 $0x1BF5;
	[smem:$0x3FA9] =	sst s0  }
0x18: {  	s0 =	sld [smem:$0x3F8C];
	_ =	swait.ge [sflag:s4], $0x0  }
0x19: {  	s7 =	sld [smem:$0x3F8D]  }
0x1a: {  	s8 =	sadd.s32 $0xFFFFE003, lr  }
0x1b: {  	s9 =	sadd.s32 $0xFFFFFEF7, lr;
	s5 =	simm.s32 $0xFFFFFFFF;
	p2 =	slt.u32 s8, $0xFFFFF086  }
0x1c: {  	p1 =	slt.u32 s9, $0xF7A;
	s5 =	simm.s32 @!p2 $0x0  }
0x1d: {  	s5 =	simm.s32 @p1 $0x1;
	p0 =	seq.s32 s7, s2  }
0x1e: {  	s7 =	smul.u32 @!p0 $0xF7A, s2;
	p2 =	seq.s32 @!p0 s5, $0x0  }
0x1f: {  	s9 =	smul.u32 $0xF7A, s1;
	s8 =	simm.s32 @!p0 $0x1BF5;
	p2 =	por !p2, p0  }
0x20: {  	[sflag:s8] =	ssyncset.s32 @!p0 $0xFFFFF086;
	s6 =	sadd.s32 @!p0 s3, s7;
	s7 =	simm.s32 @!p0 $0x108  }
0x21: {  	s3 =	sadd.s32 s3, s9;
	s6 =	sadd.s32 @!p0 $0x88, s6;
	s7 =	simm.s32 @p2 $0x1082  }
0x22: {  	[simem:s7], [sflag:s8] =	dma.local @!p0 [hbm:s6], $0xF7A  }
0x23: {  	s9 =	sor.u32 $0xD0000000, s2;
	s6 =	simm.s32 $0x108;
	_ =	swait.ge @!p0 [sflag:s8], $0x0  }
0x24: {  	s3 =	sadd.s32 $0x88, s3;
	s6 =	simm.s32 @!p1 $0x1082;
	[sflag:s4] =	ssyncset.s32 $0xFFFFF086  }
0x25: {  	[simem:s6], [sflag:s4] =	dma.local [hbm:s3], $0xF7A  }
0x26: {  	[smem:$0x3F8D] =	sst s1;
	(tag) =	ssettag s2;
	_ =	strace s9  }
0x27: {  	s1 =	sld [smem:$0x3F9D]  }
0x28: {  	s2 =	sld [smem:$0x3F9E]  }
0x29: {  	s4 =	sld [smem:$0x3FA0]  }
0x2a: {  	p0 =	seq.s32 s5, $0x0;
	s5 =	sld [smem:$0x3FA1]  }
0x2b: {  	s6 =	sld [smem:$0x3FA2]  }
0x2c: {  	s7 =	sld [smem:$0x3FA3]  }
0x2d: {  	s3 =	simm.s32 $0x108;
	s8 =	sld [smem:$0x3FA4]  }
0x2e: {  	s3 =	simm.s32 @!p0 $0x1082;
	s9 =	sld [smem:$0x3FA5]  }
0x2f: {  	lr =	sadd.s32 s0, s3;
	s0 =	sld [smem:$0x3F9C]  }
0x30: {  	s3 =	sld [smem:$0x3F9F]  }
0x31: {  	[smem:$0x3FA8] =	sst s10  }
0x32: {  	s10 =	sld [smem:$0x3FA6];
	_ =	sdelay $0x3  }
0x33: {  	p0 =	seq.s32 s10, $0x1;
	s10 =	sld [smem:$0x3FA8];
	_ =	sdelay $0x3  }
0x34: {  	[smem:$0x3FA8] =	sst s10  }
0x35: {  	s10 =	sld [smem:$0x3FA7];
	_ =	sdelay $0x3  }
0x36: {  	p1 =	seq.s32 s10, $0x1;
	s10 =	sld [smem:$0x3FA8];
	_ =	sdelay $0x3  }
0x37: {  	[smem:$0x3FA8] =	sst s10  }
0x38: {  	s10 =	sld [smem:$0x3FA9]  }
0x39: {  	_ = 	snop;
	(pc) =	sbr.ind lr, $3  }
0x3a: {  	_ = 	snop  }
0x3b: {  	_ = 	snop  }
0x3c: {  	p2 =	seq.s32 s10, $0x1;
	s10 =	sld [smem:$0x3FA8]  }
0x3d: {  	_ =	shalt  }
0x3e: {  	_ =	shalt  }
0x3f: {  	_ =	shalt  }
0x40: {  	_ =	shalt  }
0x41: {  	_ =	shalt  }
0x42: {  	_ =	shalt  }
0x43: {  	_ =	shalt  }
0x44: {  	_ =	shalt  }
0x45: {  	_ =	shalt  }
0x46: {  	_ =	shalt  }
0x47: {  	_ =	shalt  }
0x48: {  	_ =	shalt  }
0x49: {  	_ =	shalt  }
0x4a: {  	_ =	shalt  }
0x4b: {  	_ =	shalt  }
0x4c: {  	_ =	shalt  }
0x4d: {  	_ =	shalt  }
0x4e: {  	_ =	shalt  }
0x4f: {  	_ =	shalt  }
0x50: {  	_ =	shalt  }
0x51: {  	_ =	shalt  }
0x52: {  	_ =	shalt  }
0x53: {  	_ =	shalt  }
0x54: {  	_ =	shalt  }
0x55: {  	_ =	shalt  }
0x56: {  	_ =	shalt  }
0x57: {  	_ =	shalt  }
0x58: {  	_ =	shalt  }
0x59: {  	_ =	shalt  }
0x5a: {  	_ =	shalt  }
0x5b: {  	_ =	shalt  }
0x5c: {  	_ =	shalt  }
0x5d: {  	_ =	shalt  }
0x5e: {  	_ =	shalt  }
0x5f: {  	_ =	shalt  }
0x60: {  	_ =	shalt  }
0x61: {  	_ =	shalt  }
0x62: {  	_ =	shalt  }
0x63: {  	_ =	shalt  }
0x64: {  	_ =	shalt  }
0x65: {  	_ =	shalt  }
0x66: {  	_ =	shalt  }
0x67: {  	_ =	shalt  }
0x68: {  	_ =	shalt  }
0x69: {  	_ =	shalt  }
0x6a: {  	_ =	shalt  }
0x6b: {  	_ =	shalt  }
0x6c: {  	_ =	shalt  }
0x6d: {  	_ =	shalt  }
0x6e: {  	_ =	shalt  }
0x6f: {  	_ =	shalt  }
0x70: {  	_ =	shalt  }
0x71: {  	_ =	shalt  }
0x72: {  	_ =	shalt  }
0x73: {  	_ =	shalt  }
0x74: {  	_ =	shalt  }
0x75: {  	_ =	shalt  }
0x76: {  	_ =	shalt  }
0x77: {  	_ =	shalt  }
0x78: {  	_ =	shalt  }
0x79: {  	_ =	shalt  }
0x7a: {  	_ =	shalt  }
0x7b: {  	_ =	shalt  }
0x7c: {  	_ =	shalt  }
0x7d: {  	_ =	shalt  }
0x7e: {  	_ =	shalt  }
0x7f: {  	_ =	shalt  }
0x80: {  	_ =	shalt  }
0x81: {  	_ =	shalt  }
0x82: {  	_ =	shalt  }
0x83: {  	_ =	shalt  }
0x84: {  	_ =	shalt  }
0x85: {  	_ =	shalt  }
0x86: {  	_ =	shalt  }
0x87: {  	_ =	shalt  }
.Lfunc_end0:
.L_simem_size_0:
called_computation.1_lowered:
.L_overlay_start_0:
0x88: {  	s2 =	sld [smem:$0x3FD9]  }
0x89: {  	s3 =	sld [smem:$0x3FFE];
	_ =	sdelay $0x1  }
0x8a: {  	s1 =	srdreg.scid  }
0x8b: {  	s0 =	sand.u32 $0x1, s1  }
0x8c: {  	s17 =	sshll.u32 s0, $0xA;
	s2 =	sadd.s32 s3, s2  }
0x8d: {  	s2 =	sadd.s32 s2, s17  }
0x8e: {  	[smem:$0x3FB4] =	sst s2  }
0x8f: {  	_ = 	snop  }
0x90: {  	s2 =	sld [smem:$0x3FD0];
	(tm) =	ssettm $0x1  }
0x91: {  	s18 =	sld [smem:$0x3FFB];
	_ =	sdelay $0x3  }
0x92: {  	_ =	strace s18  }
0x93: {  	s3 =	sld [smem:$0x3FFC];
	_ =	sdelay $0x3  }
0x94: {  	_ =	strace s3  }
0x95: {  	s3 =	sld [smem:$0x3FFD];
	_ =	sdelay $0x3  }
0x96: {  	_ =	strace s3  }
0x97: {  	_ =	strace $0x8FFFFFFF  }
0x98: {  	s19 =	sld [smem:$0x3FDB];
	_ =	sdelay $0x1  }
0x99: {  	s4 =	simm.s32 $_scs_section_size  }
0x9a: {  	s5 =	simm.s32 $_size__tile_overlayer_lowered;
	s6 =	simm.s32 $_tile_overlayer_lowered  }
0x9b: {  	s22 =	simm.s32 $0x1BFF;
	s21 =	sshll.u32 s6, $0x1;
	s3 =	sadd.s32 s4, s19  }
0x9c: {  	s7 =	simm.s32 $0x0;
	s20 =	sshll.u32 s5, $0x1;
	s5 =	sadd.s32 s21, s3  }
0x9d: {  	[timem:s7], [sflag:s22] =	dma.local [hbm:s5], s20  }
0x9e: {  	_ =	swait.ge [sflag:s22], s20  }
0x9f: {  	s4 =	ssub.s32 $0x0, s20;
	[sflag:s22] =	ssyncset.done $0x0  }
0xa0: {  	[sflag:s22] =	ssyncadd.s32 s4;
	_ =	sdelay $0x1  }
0xa1: {  	s23 =	simm.s32 $0x1B8B  }
0xa2: {  	_ =	swait.ge [sflag:s23], $0x1  }
0xa3: {  	[sflag:s23] =	ssyncset.done $0x0  }
0xa4: {  	s25 =	simm.s32 $0x1B8E;
	s24 =	sld [smem:$0x3FFE];
	[sflag:s23] =	ssyncadd.s32 $0xFFFFFFFF  }
0xa5: {  	s26 =	simm.s32 $execute0_lowered;
	[smem:$0x3FD2] =	sst s25  }
0xa6: {  	s5 =	sshll.u32 s26, $0x1;
	_ =	strace $0x80000049;
	[dreg:$0x1] =	wrdreg $0xFFFFFFFF  }
0xa7: {  	s28 =	simm.s32 $_size_execute0_lowered;
	s3 =	sadd.s32 s3, s5;
	[dreg:$0x0] =	wrdreg $0x0  }
0xa8: {  	s5 =	sshll.u32 s28, $0x1;
	[dreg:$0x2] =	wrdreg s3  }
0xa9: {  	[dreg:$0x3] =	wrdreg s5  }
0xaa: {  	[dreg:$0x4] =	wrdreg $0xC0  }
0xab: {  	_ =	task [dreg:s7], $0x5FFFF  }
0xac: {  	[dreg:$0x1] =	wrdreg $0xFFFFFFFF  }
0xad: {  	[dreg:$0x0] =	wrdreg $0x60  }
0xae: {  	[dreg:$0x2] =	wrdreg s24  }
0xaf: {  	[dreg:$0x3] =	wrdreg s2  }
0xb0: {  	[dreg:$0x4] =	wrdreg $0x87800  }
0xb1: {  	[dreg:$0x5] =	wrdreg $0x9  }
0xb2: {  	_ =	task.clear_ibuf [dreg:s7], $0x6FFFF;
	_ =	strace $0x90000049  }
0xb3: {  	s29 =	simm.s32 $0x9;
	_ =	strace $0x8000004B  }
0xb4: {  	_ =	swait.ge [sflag:s29], $0x1  }
0xb5: {  	[sflag:s29] =	ssyncadd.s32 $0xFFFFFFFF  }
0xb6: {  	_ =	strace $0x9000004B  }
0xb7: {  	_ =	sfence  }
0xb8: {  	s30 =	sld [smem:$0x0];
	_ =	sdelay $0x2  }
0xb9: {  	s31 =	sshll.u32 s1, $0xD;
	s1 =	sshrl.u32 s1, $0x2  }
0xba: {  	s3 =	sand.u32 $0x4000, s31;
	s1 =	sadd.s32 s1, s30  }
0xbb: {  	s0 =	sor.u32 s3, s0;
	s1 =	sshll.u32 s1, $0x11  }
0xbc: {  	s0 =	sor.u32 s1, s0  }
0xbd: {  	s0 =	sadd.s32 $0x8F2B, s0  }
0xbe: {  	[sflag:s0] =	ssyncadd.remote.s32 $0x1  }
0xbf: {  	_ =	sfence.sel $0xFFFF  }
0xc0: {  	[dreg:$0x0] =	wrdreg $0xFFFFFFFF;
	(pc) =	sbr.abs _section_cstart, $3  }
0xc1: {  	[dreg:$0x1] =	wrdreg $0xFFFFFFFF  }
0xc2: {  	_ =	task.clear_ibuf [dreg:s7], $0x2FFFF;
	_ =	strace $0x9FFFFFFF  }
0xc3: {  	(tm) =	ssettm $0x7FFFFFFF  }
tec
execute0_lowered:
.L_overlay_start_1:
0x0: {  	(tag) =	ssettag $0x1  }
0x1: {  	s0 =	rddreg [dreg:$0x0]  }
0x2: {  	s4 =	rddreg [dreg:$0x1]  }
0x3: {  	s1 =	rddreg [dreg:$0x2]  }
0x4: {  	s2 =	simm.s32 $0x0;
	s5 =	srdreg.scid;
	s15 =	stileid.u32  }
0x5: {  	s28 =	simm.s32 $0x2;
	s30 =	simm.s32 $0x300;
	s31 =	simm.s32 $0x80  }
0x6: {  	s29 =	simm.s32 $0x100;
	[smem:$0x7FF] =	sst s2;
	s3 =	sadd.s32 $0xEA00, s0  }
0x7: {  	s6 =	sadd.s32 $0x4200, s0;
	s7 =	sadd.s32 $0xE000, s0;
	s5 =	sand.u32 $0x1, s5  }
0x8: {  	s22 =	sadd.s32 $0xE800, s0;
	s0 =	sadd.s32 $0xAF400, s0;
	s9 =	smul.u32 $0x50000, s15  }
0x9: {  	s10 =	sshll.u32 s15, $0x5;
	_ =	strace $0x8000004A;
	[dreg:$0x4] =	wrdreg s7  }
0xa: {  	s24 =	smul.u32 $0x14000, s15;
	p0 =	sgt.u32 s15, $0x1;
	[dreg:$0x5] =	wrdreg s22  }
0xb: {  	s23 =	ssub.s32 $0x2, s5;
	s11 =	sshll.u32 s5, $0x4;
	s12 =	smul.u32 $0x140000, s5  }
0xc: {  	s5 =	smul.u32 $0x2700, s5;
	s8 =	sshrl.u32 s23, $0x1;
	s9 =	sshrl.u32 s9, $0x2  }
0xd: {  	s10 =	sor.u32 s11, s10;
	s16 =	sadd.s32 $0x4000, s24;
	s18 =	sadd.s32 $0x8000, s24  }
0xe: {  	s21 =	sadd.s32 $0xC000, s24;
	s11 =	sadd.s32 $0x10000, s24;
	s8 =	ssub.s32 s23, s8  }
0xf: {  	s7 =	sadd.s32 s9, s1;
	s25 =	sor.u32 $0x9C00, s10;
	s26 =	sadd.s32 s12, s24  }
0x10: {  	s17 =	sadd.s32 s12, s16;
	s22 =	sadd.s32 s12, s21;
	s10 =	sadd.s32 s6, s25  }
0x11: {  	s9 =	sadd.s32 s4, s25;
	s8 =	smax.u32 s8, $0x1;
	s13 =	sshrl.u32 s26, $0x3  }
0x12: {  	s14 =	sadd.s32 $0x8000, s7;
	s23 =	sshrl.u32 s22, $0x3;
	[dreg:$0x6] =	wrdreg s10  }
0x13: {  	s25 =	sadd.s32 $0xC000, s7;
	s26 =	sadd.s32 $0x10000, s7;
	[dreg:$0x7] =	wrdreg s9  }
0x14: {  	s22 =	sadd.s32 s16, s1;
	[dreg:$0x8] =	wrdreg s8;
	s10 =	sadd.s32 $0x4000, s7  }
0x15: {  	[dreg:$0xa] =	wrdreg s14;
	s8 =	sadd.s32 s0, s13;
	s13 =	smul.u32 $0x4E00, s15  }
0x16: {  	s9 =	sshrl.u32 s17, $0x3;
	s14 =	sadd.s32 s12, s18;
	[dreg:$0x10] =	wrdreg s25  }
0x17: {  	s12 =	sadd.s32 s12, s11;
	[dreg:$0x11] =	wrdreg s26;
	s25 =	sadd.s32 s11, s1  }
0x18: {  	s26 =	simm.s32 $0x700;
	s11 =	simm.s32 $0x280;
	[dreg:$0x9] =	wrdreg s10  }
0x19: {  	[dreg:$0xb] =	wrdreg s8;
	s9 =	sadd.s32 s0, s9;
	s20 =	sshrl.u32 s14, $0x3  }
0x1a: {  	s24 =	sshrl.u32 s12, $0x3;
	s8 =	simm.s32 $0x400;
	s10 =	simm.s32 $0x480  }
0x1b: {  	s12 =	simm.s32 $0x500;
	s14 =	simm.s32 $0x0;
	[dreg:$0xc] =	wrdreg s9  }
0x1c: {  	s5 =	sadd.s32 s5, s13;
	s9 =	sadd.s32 s0, s20;
	s13 =	simm.s32 $0x580  }
0x1d: {  	[dreg:$0xd] =	wrdreg s9;
	s9 =	sadd.s32 s0, s23;
	s5 =	sshrl.u32 s5, $0x3  }
0x1e: {  	s0 =	sadd.s32 s0, s24;
	s23 =	sadd.s32 s18, s1;
	[dreg:$0xe] =	wrdreg s9  }
0x1f: {  	s24 =	sadd.s32 s21, s1;
	[dreg:$0xf] =	wrdreg s0;
	s19 =	sadd.s32 s5, s4  }
0x20: {  	s20 =	sadd.s32 s5, s6;
	s0 =	simm.s32 $0x1;
	s4 =	simm.s32 $0x4700  }
0x21: {  	s5 =	simm.s32 $0x380;
	s6 =	simm.s32 $0x180;
	s9 =	simm.s32 $0x200  }
.LBB2_1:
0x22: {  	s15 =	rddreg [dreg:$0x4]  }
0x23: {  	[tilespmem:s26], [sflag:$0x2] =	stream.linear.gather [hbm4b:s15+s2], $0x4000, $0x38;
	[tilespmem:$0x1C780] =	vst v63  }
0x24: {  	_ =	swait.ge [sflag:s28], $0x4000  }
0x25: {  	[sflag:s28] =	ssyncset.done $0x0  }
0x26: {  	s16 =	simm.s32 $0x8700;
	s17 =	rddreg [dreg:$0x5];
	[sflag:s28] =	ssyncadd.s32 $0xFFFFC000  }
0x27: {  	[tilespmem:s16], [sflag:$0x2] =	stream.linear.gather [hbm4b:s17+s2], $0x80, $0x38;
	[tilespmem:$0x1C780] =	vst v63  }
0x28: {  	_ =	swait.ge [sflag:s28], $0x80  }
0x29: {  	[sflag:s28] =	ssyncset.done $0x0  }
0x2a: {  	[sflag:s28] =	ssyncadd.s32 $0xFFFFFF80  }
0x2b: {  	[spmem:s7] =	stream.linear.scatter [tilespmem:s26], [sflag:$0x2], $0x4000, $0x38;
	[tilespmem:$0x1C780] =	vst v63  }
0x2c: {  	_ =	swait.ge [sflag:s28], $0x4000  }
0x2d: {  	[sflag:s28] =	ssyncset.done $0x0  }
0x2e: {  	s18 =	rddreg [dreg:$0x9];
	[sflag:s28] =	ssyncadd.s32 $0xFFFFC000  }
0x2f: {  	[spmem:s18] =	stream.linear.scatter [tilespmem:s26], [sflag:$0x2], $0x4000, $0x38;
	[tilespmem:$0x1C780] =	vst v63  }
0x30: {  	_ =	swait.ge [sflag:s28], $0x4000  }
0x31: {  	[sflag:s28] =	ssyncset.done $0x0  }
0x32: {  	s21 =	rddreg [dreg:$0xa];
	[sflag:s28] =	ssyncadd.s32 $0xFFFFC000  }
0x33: {  	[spmem:s21] =	stream.linear.scatter [tilespmem:s26], [sflag:$0x2], $0x4000, $0x38;
	[tilespmem:$0x1C780] =	vst v63  }
0x34: {  	_ =	swait.ge [sflag:s28], $0x4000  }
0x35: {  	[sflag:s28] =	ssyncset.done $0x0  }
0x36: {  	s16 =	rddreg [dreg:$0x10];
	[sflag:s28] =	ssyncadd.s32 $0xFFFFC000  }
0x37: {  	[spmem:s16] =	stream.linear.scatter [tilespmem:s26], [sflag:$0x2], $0x4000, $0x38;
	[tilespmem:$0x1C780] =	vst v63  }
0x38: {  	_ =	swait.ge [sflag:s28], $0x4000  }
0x39: {  	[sflag:s28] =	ssyncset.done $0x0  }
0x3a: {  	s17 =	rddreg [dreg:$0x11];
	[sflag:s28] =	ssyncadd.s32 $0xFFFFC000  }
0x3b: {  	[spmem:s17] =	stream.linear.scatter [tilespmem:s26], [sflag:$0x2], $0x4000, $0x38;
	[tilespmem:$0x1C780] =	vst v63  }
0x3c: {  	_ =	swait.ge [sflag:s28], $0x4000  }
0x3d: {  	[sflag:s28] =	ssyncset.done $0x0  }
0x3e: {  	[sflag:s28] =	ssyncadd.s32 $0xFFFFC000  }
0x3f: {  	[bflag:$0x0] =	sbarrier.arrive $0xFFFF  }
0x40: {  	s15 =	simm.s32 @!p0 $0x0;
	s16 =	simm.s32 @!p0 $0x600;
	s17 =	rddreg [dreg:$0x6]  }
0x41: {  	[tilespmem:s16], [sflag:$0x2] =	stream.linear.gather @!p0 [hbm4b:s17+s15], $0x80, $0x38;
	[tilespmem:$0x1C780] =	vst v63  }
0x42: {  	s17 =	simm.s32 @!p0 $0x2  }
0x43: {  	_ =	swait.ge @!p0 [sflag:s17], $0x80  }
0x44: {  	[sflag:s17] =	ssyncset.done @!p0 $0x0  }
0x45: {  	s18 =	simm.s32 @!p0 $0x680;
	s21 =	rddreg [dreg:$0x7];
	[sflag:s17] =	ssyncadd.s32 @!p0 $0xFFFFFF80  }
0x46: {  	[tilespmem:s18], [sflag:$0x2] =	stream.linear.gather @!p0 [hbm4b:s21+s15], $0x80, $0x38;
	[tilespmem:$0x1C780] =	vst v63  }
0x47: {  	_ =	swait.ge @!p0 [sflag:s17], $0x80  }
0x48: {  	[sflag:s17] =	ssyncset.done @!p0 $0x0  }
0x49: {  	s15 =	simm.s32 @!p0 $0x80;
	s21 =	simm.s32 @!p0 $0x700;
	[sflag:s17] =	ssyncadd.s32 @!p0 $0xFFFFFF80  }
0x4a: {  	[tilespmem:s21], [sflag:$0x1] =	stream.indirect.gather @!p0 [hbm4b:s3+s15], $0x80, s16, s15, $0xb8;
	[tilespmem:$0x1C780] =	vst v63  }
0x4b: {  	s16 =	simm.s32 @!p0 $0x1  }
0x4c: {  	_ =	swait.ge @!p0 [sflag:s16], $0x4000  }
0x4d: {  	[sflag:s16] =	ssyncset.done @!p0 $0x0  }
0x4e: {  	[sflag:s16] =	ssyncadd.s32 @!p0 $0xFFFFC000  }
0x4f: {  	[spmem:s1] =	stream.indirect.scatter.add.f32 @!p0 [tilespmem:s21], [sflag:$0x2], $0x80, s18, s15, $0xb8;
	[tilespmem:$0x1C780] =	vst v63  }
0x50: {  	_ =	swait.ge @!p0 [sflag:s17], $0x4000  }
0x51: {  	[sflag:s17] =	ssyncset.done @!p0 $0x0  }
0x52: {  	s18 =	sadd.s32 $0x0, s20;
	[sflag:s17] =	ssyncadd.s32 @!p0 $0xFFFFC000  }
0x53: {  	[tilespmem:s2], [sflag:$0x2] =	stream.linear.gather [hbm4b:s18+s2], $0x300, $0x38;
	[tilespmem:$0x1C780] =	vst v63  }
0x54: {  	_ =	swait.ge [sflag:s28], $0x300  }
0x55: {  	[sflag:s28] =	ssyncset.done $0x0  }
0x56: {  	s21 =	sadd.s32 $0x0, s19;
	[sflag:s28] =	ssyncadd.s32 $0xFFFFFD00  }
0x57: {  	[tilespmem:s30], [sflag:$0x2] =	stream.linear.gather [hbm4b:s21+s2], $0x300, $0x38;
	[tilespmem:$0x1C780] =	vst v63  }
0x58: {  	_ =	swait.ge [sflag:s28], $0x300  }
0x59: {  	[sflag:s28] =	ssyncset.done $0x0  }
0x5a: {  	[sflag:s28] =	ssyncadd.s32 $0xFFFFFD00  }
0x5b: {  	[tilespmem:s26], [sflag:$0x1] =	stream.indirect.gather [hbm4b:s3+s31], $0x80, s2, s31, $0xb8;
	[tilespmem:$0x1C780] =	vst v63  }
0x5c: {  	_ =	swait.ge [sflag:s0], $0x4000  }
0x5d: {  	[sflag:s0] =	ssyncset.done $0x0  }
0x5e: {  	[sflag:s0] =	ssyncadd.s32 $0xFFFFC000  }
0x5f: {  	[tilespmem:s4], [sflag:$0x1] =	stream.indirect.gather [hbm4b:s3+s31], $0x80, s31, s31, $0xb8;
	[tilespmem:$0x1C780] =	vst v63  }
0x60: {  	_ = 	snop  }
0x61: {  	[spmem:s1] =	stream.indirect.scatter.add.f32 [tilespmem:s26], [sflag:$0x2], $0x80, s30, s31, $0xb8;
	[tilespmem:$0x1C780] =	vst v63  }
0x62: {  	_ =	swait.ge [sflag:s28], $0x4000  }
0x63: {  	[sflag:s28] =	ssyncset.done $0x0  }
0x64: {  	[sflag:s28] =	ssyncadd.s32 $0xFFFFC000  }
0x65: {  	_ =	swait.ge [sflag:s0], $0x4000  }
0x66: {  	[sflag:s0] =	ssyncset.done $0x0  }
0x67: {  	[sflag:s0] =	ssyncadd.s32 $0xFFFFC000  }
0x68: {  	[tilespmem:s26], [sflag:$0x1] =	stream.indirect.gather [hbm4b:s3+s31], $0x80, s29, s31, $0xb8;
	[tilespmem:$0x1C780] =	vst v63  }
0x69: {  	_ = 	snop  }
0x6a: {  	[spmem:s1] =	stream.indirect.scatter.add.f32 [tilespmem:s4], [sflag:$0x2], $0x80, s5, s31, $0xb8;
	[tilespmem:$0x1C780] =	vst v63  }
0x6b: {  	_ =	swait.ge [sflag:s28], $0x4000  }
0x6c: {  	[sflag:s28] =	ssyncset.done $0x0  }
0x6d: {  	[sflag:s28] =	ssyncadd.s32 $0xFFFFC000  }
0x6e: {  	_ =	swait.ge [sflag:s0], $0x4000  }
0x6f: {  	[sflag:s0] =	ssyncset.done $0x0  }
0x70: {  	[sflag:s0] =	ssyncadd.s32 $0xFFFFC000  }
0x71: {  	[tilespmem:s4], [sflag:$0x1] =	stream.indirect.gather [hbm4b:s3+s31], $0x80, s6, s31, $0xb8;
	[tilespmem:$0x1C780] =	vst v63  }
0x72: {  	_ = 	snop  }
0x73: {  	[spmem:s1] =	stream.indirect.scatter.add.f32 [tilespmem:s26], [sflag:$0x2], $0x80, s8, s31, $0xb8;
	[tilespmem:$0x1C780] =	vst v63  }
0x74: {  	_ =	swait.ge [sflag:s28], $0x4000  }
0x75: {  	[sflag:s28] =	ssyncset.done $0x0  }
0x76: {  	[sflag:s28] =	ssyncadd.s32 $0xFFFFC000  }
0x77: {  	_ =	swait.ge [sflag:s0], $0x4000  }
0x78: {  	[sflag:s0] =	ssyncset.done $0x0  }
0x79: {  	[sflag:s0] =	ssyncadd.s32 $0xFFFFC000  }
0x7a: {  	[tilespmem:s26], [sflag:$0x1] =	stream.indirect.gather [hbm4b:s3+s31], $0x80, s9, s31, $0xb8;
	[tilespmem:$0x1C780] =	vst v63  }
0x7b: {  	_ = 	snop  }
0x7c: {  	[spmem:s1] =	stream.indirect.scatter.add.f32 [tilespmem:s4], [sflag:$0x2], $0x80, s10, s31, $0xb8;
	[tilespmem:$0x1C780] =	vst v63  }
0x7d: {  	_ =	swait.ge [sflag:s28], $0x4000  }
0x7e: {  	[sflag:s28] =	ssyncset.done $0x0  }
0x7f: {  	[sflag:s28] =	ssyncadd.s32 $0xFFFFC000  }
0x80: {  	_ =	swait.ge [sflag:s0], $0x4000  }
0x81: {  	[sflag:s0] =	ssyncset.done $0x0  }
0x82: {  	[sflag:s0] =	ssyncadd.s32 $0xFFFFC000  }
0x83: {  	[tilespmem:s4], [sflag:$0x1] =	stream.indirect.gather [hbm4b:s3+s31], $0x80, s11, s31, $0xb8;
	[tilespmem:$0x1C780] =	vst v63  }
0x84: {  	_ = 	snop  }
0x85: {  	[spmem:s1] =	stream.indirect.scatter.add.f32 [tilespmem:s26], [sflag:$0x2], $0x80, s12, s31, $0xb8;
	[tilespmem:$0x1C780] =	vst v63  }
0x86: {  	_ =	swait.ge [sflag:s28], $0x4000  }
0x87: {  	[sflag:s28] =	ssyncset.done $0x0  }
0x88: {  	[sflag:s28] =	ssyncadd.s32 $0xFFFFC000  }
0x89: {  	_ =	swait.ge [sflag:s0], $0x4000  }
0x8a: {  	[sflag:s0] =	ssyncset.done $0x0  }
0x8b: {  	[sflag:s0] =	ssyncadd.s32 $0xFFFFC000  }
0x8c: {  	[spmem:s1] =	stream.indirect.scatter.add.f32 [tilespmem:s4], [sflag:$0x2], $0x80, s13, s31, $0xb8;
	[tilespmem:$0x1C780] =	vst v63  }
0x8d: {  	_ =	swait.ge [sflag:s28], $0x4000  }
0x8e: {  	s16 =	simm.s32 $0xC0;
	s15 =	simm.s32 $0x60;
	[sflag:s28] =	ssyncset.done $0x0  }
.LBB2_2:
0x8f: {  	s18 =	sadd.s32 s15, s20  }
0x90: {  	[sflag:s28] =	ssyncadd.s32 $0xFFFFC000;
	s21 =	smov.u32 s16;
	s17 =	sadd.s32 $0x60, s16  }
0x91: {  	[tilespmem:s2], [sflag:$0x2] =	stream.linear.gather [hbm4b:s18+s2], $0x300, $0x38;
	[tilespmem:$0x1C780] =	vst v63  }
0x92: {  	p1 =	sne.s32 s16, $0x480;
	_ =	swait.ge [sflag:s28], $0x300  }
0x93: {  	[sflag:s28] =	ssyncset.done $0x0  }
0x94: {  	s16 =	sadd.s32 s15, s19;
	s15 =	smov.u32 s21;
	[sflag:s28] =	ssyncadd.s32 $0xFFFFFD00  }
0x95: {  	[tilespmem:s30], [sflag:$0x2] =	stream.linear.gather [hbm4b:s16+s2], $0x300, $0x38;
	[tilespmem:$0x1C780] =	vst v63  }
0x96: {  	_ =	swait.ge [sflag:s28], $0x300  }
0x97: {  	[sflag:s28] =	ssyncset.done $0x0  }
0x98: {  	[sflag:s28] =	ssyncadd.s32 $0xFFFFFD00  }
0x99: {  	[tilespmem:s26], [sflag:$0x1] =	stream.indirect.gather [hbm4b:s3+s31], $0x80, s2, s31, $0xb8;
	[tilespmem:$0x1C780] =	vst v63  }
0x9a: {  	_ =	swait.ge [sflag:s0], $0x4000  }
0x9b: {  	[sflag:s0] =	ssyncset.done $0x0  }
0x9c: {  	[sflag:s0] =	ssyncadd.s32 $0xFFFFC000  }
0x9d: {  	[tilespmem:s4], [sflag:$0x1] =	stream.indirect.gather [hbm4b:s3+s31], $0x80, s31, s31, $0xb8;
	[tilespmem:$0x1C780] =	vst v63  }
0x9e: {  	_ = 	snop  }
0x9f: {  	[spmem:s1] =	stream.indirect.scatter.add.f32 [tilespmem:s26], [sflag:$0x2], $0x80, s30, s31, $0xb8;
	[tilespmem:$0x1C780] =	vst v63  }
0xa0: {  	_ =	swait.ge [sflag:s28], $0x4000  }
0xa1: {  	[sflag:s28] =	ssyncset.done $0x0  }
0xa2: {  	[sflag:s28] =	ssyncadd.s32 $0xFFFFC000  }
0xa3: {  	_ =	swait.ge [sflag:s0], $0x4000  }
0xa4: {  	[sflag:s0] =	ssyncset.done $0x0  }
0xa5: {  	[sflag:s0] =	ssyncadd.s32 $0xFFFFC000  }
0xa6: {  	[tilespmem:s26], [sflag:$0x1] =	stream.indirect.gather [hbm4b:s3+s31], $0x80, s29, s31, $0xb8;
	[tilespmem:$0x1C780] =	vst v63  }
0xa7: {  	_ = 	snop  }
0xa8: {  	[spmem:s1] =	stream.indirect.scatter.add.f32 [tilespmem:s4], [sflag:$0x2], $0x80, s5, s31, $0xb8;
	[tilespmem:$0x1C780] =	vst v63  }
0xa9: {  	_ =	swait.ge [sflag:s28], $0x4000  }
0xaa: {  	[sflag:s28] =	ssyncset.done $0x0  }
0xab: {  	[sflag:s28] =	ssyncadd.s32 $0xFFFFC000  }
0xac: {  	_ =	swait.ge [sflag:s0], $0x4000  }
0xad: {  	[sflag:s0] =	ssyncset.done $0x0  }
0xae: {  	[sflag:s0] =	ssyncadd.s32 $0xFFFFC000  }
0xaf: {  	[tilespmem:s4], [sflag:$0x1] =	stream.indirect.gather [hbm4b:s3+s31], $0x80, s6, s31, $0xb8;
	[tilespmem:$0x1C780] =	vst v63  }
0xb0: {  	_ = 	snop  }
0xb1: {  	[spmem:s1] =	stream.indirect.scatter.add.f32 [tilespmem:s26], [sflag:$0x2], $0x80, s8, s31, $0xb8;
	[tilespmem:$0x1C780] =	vst v63  }
0xb2: {  	_ =	swait.ge [sflag:s28], $0x4000  }
0xb3: {  	[sflag:s28] =	ssyncset.done $0x0  }
0xb4: {  	[sflag:s28] =	ssyncadd.s32 $0xFFFFC000  }
0xb5: {  	_ =	swait.ge [sflag:s0], $0x4000  }
0xb6: {  	[sflag:s0] =	ssyncset.done $0x0  }
0xb7: {  	[sflag:s0] =	ssyncadd.s32 $0xFFFFC000  }
0xb8: {  	[tilespmem:s26], [sflag:$0x1] =	stream.indirect.gather [hbm4b:s3+s31], $0x80, s9, s31, $0xb8;
	[tilespmem:$0x1C780] =	vst v63  }
0xb9: {  	_ = 	snop  }
0xba: {  	[spmem:s1] =	stream.indirect.scatter.add.f32 [tilespmem:s4], [sflag:$0x2], $0x80, s10, s31, $0xb8;
	[tilespmem:$0x1C780] =	vst v63  }
0xbb: {  	_ =	swait.ge [sflag:s28], $0x4000  }
0xbc: {  	[sflag:s28] =	ssyncset.done $0x0  }
0xbd: {  	[sflag:s28] =	ssyncadd.s32 $0xFFFFC000  }
0xbe: {  	_ =	swait.ge [sflag:s0], $0x4000  }
0xbf: {  	[sflag:s0] =	ssyncset.done $0x0  }
0xc0: {  	[sflag:s0] =	ssyncadd.s32 $0xFFFFC000  }
0xc1: {  	[tilespmem:s4], [sflag:$0x1] =	stream.indirect.gather [hbm4b:s3+s31], $0x80, s11, s31, $0xb8;
	[tilespmem:$0x1C780] =	vst v63  }
0xc2: {  	_ = 	snop  }
0xc3: {  	[spmem:s1] =	stream.indirect.scatter.add.f32 [tilespmem:s26], [sflag:$0x2], $0x80, s12, s31, $0xb8;
	[tilespmem:$0x1C780] =	vst v63  }
0xc4: {  	_ =	swait.ge [sflag:s28], $0x4000  }
0xc5: {  	[sflag:s28] =	ssyncset.done $0x0  }
0xc6: {  	[sflag:s28] =	ssyncadd.s32 $0xFFFFC000  }
0xc7: {  	_ =	swait.ge [sflag:s0], $0x4000  }
.Ltmp0:
0xc8: {  	[sflag:s0] =	ssyncset.done $0x0;
	(pc) =	sbr.rel @p1 .LBB2_2-.Ltmp0, $4  }
0xc9: {  	[sflag:s0] =	ssyncadd.s32 $0xFFFFC000  }
0xca: {  	[spmem:s1] =	stream.indirect.scatter.add.f32 [tilespmem:s4], [sflag:$0x2], $0x80, s13, s31, $0xb8;
	[tilespmem:$0x1C780] =	vst v63  }
0xcb: {  	_ =	swait.ge [sflag:s28], $0x4000  }
0xcc: {  	s16 =	smov.u32 s17;
	[sflag:s28] =	ssyncset.done $0x0  }
0xcd: {  	s16 =	sadd.s32 s15, s20;
	[sflag:s28] =	ssyncadd.s32 $0xFFFFC000  }
0xce: {  	[tilespmem:s2], [sflag:$0x2] =	stream.linear.gather [hbm4b:s16+s2], $0x300, $0x38;
	[tilespmem:$0x1C780] =	vst v63  }
0xcf: {  	_ =	swait.ge [sflag:s28], $0x300  }
0xd0: {  	[sflag:s28] =	ssyncset.done $0x0  }
0xd1: {  	s17 =	sadd.s32 s15, s19;
	[sflag:s28] =	ssyncadd.s32 $0xFFFFFD00  }
0xd2: {  	[tilespmem:s30], [sflag:$0x2] =	stream.linear.gather [hbm4b:s17+s2], $0x300, $0x38;
	[tilespmem:$0x1C780] =	vst v63  }
0xd3: {  	_ =	swait.ge [sflag:s28], $0x300  }
0xd4: {  	[sflag:s28] =	ssyncset.done $0x0  }
0xd5: {  	[sflag:s28] =	ssyncadd.s32 $0xFFFFFD00  }
0xd6: {  	[tilespmem:s26], [sflag:$0x1] =	stream.indirect.gather [hbm4b:s3+s31], $0x80, s2, s31, $0xb8;
	[tilespmem:$0x1C780] =	vst v63  }
0xd7: {  	_ =	swait.ge [sflag:s0], $0x4000  }
0xd8: {  	[sflag:s0] =	ssyncset.done $0x0  }
0xd9: {  	[sflag:s0] =	ssyncadd.s32 $0xFFFFC000  }
0xda: {  	[tilespmem:s4], [sflag:$0x1] =	stream.indirect.gather [hbm4b:s3+s31], $0x80, s31, s31, $0xb8;
	[tilespmem:$0x1C780] =	vst v63  }
0xdb: {  	_ = 	snop  }
0xdc: {  	[spmem:s1] =	stream.indirect.scatter.add.f32 [tilespmem:s26], [sflag:$0x2], $0x80, s30, s31, $0xb8;
	[tilespmem:$0x1C780] =	vst v63  }
0xdd: {  	_ =	swait.ge [sflag:s28], $0x4000  }
0xde: {  	[sflag:s28] =	ssyncset.done $0x0  }
0xdf: {  	[sflag:s28] =	ssyncadd.s32 $0xFFFFC000  }
0xe0: {  	_ =	swait.ge [sflag:s0], $0x4000  }
0xe1: {  	[sflag:s0] =	ssyncset.done $0x0  }
0xe2: {  	[sflag:s0] =	ssyncadd.s32 $0xFFFFC000  }
0xe3: {  	[tilespmem:s26], [sflag:$0x1] =	stream.indirect.gather [hbm4b:s3+s31], $0x80, s29, s31, $0xb8;
	[tilespmem:$0x1C780] =	vst v63  }
0xe4: {  	_ = 	snop  }
0xe5: {  	[spmem:s1] =	stream.indirect.scatter.add.f32 [tilespmem:s4], [sflag:$0x2], $0x80, s5, s31, $0xb8;
	[tilespmem:$0x1C780] =	vst v63  }
0xe6: {  	_ =	swait.ge [sflag:s28], $0x4000  }
0xe7: {  	[sflag:s28] =	ssyncset.done $0x0  }
0xe8: {  	[sflag:s28] =	ssyncadd.s32 $0xFFFFC000  }
0xe9: {  	_ =	swait.ge [sflag:s0], $0x4000  }
0xea: {  	[sflag:s0] =	ssyncset.done $0x0  }
0xeb: {  	[sflag:s0] =	ssyncadd.s32 $0xFFFFC000  }
0xec: {  	[tilespmem:s4], [sflag:$0x1] =	stream.indirect.gather [hbm4b:s3+s31], $0x80, s6, s31, $0xb8;
	[tilespmem:$0x1C780] =	vst v63  }
0xed: {  	_ = 	snop  }
0xee: {  	[spmem:s1] =	stream.indirect.scatter.add.f32 [tilespmem:s26], [sflag:$0x2], $0x80, s8, s31, $0xb8;
	[tilespmem:$0x1C780] =	vst v63  }
0xef: {  	_ =	swait.ge [sflag:s28], $0x4000  }
0xf0: {  	[sflag:s28] =	ssyncset.done $0x0  }
0xf1: {  	[sflag:s28] =	ssyncadd.s32 $0xFFFFC000  }
0xf2: {  	_ =	swait.ge [sflag:s0], $0x4000  }
0xf3: {  	[sflag:s0] =	ssyncset.done $0x0  }
0xf4: {  	[sflag:s0] =	ssyncadd.s32 $0xFFFFC000  }
0xf5: {  	[tilespmem:s26], [sflag:$0x1] =	stream.indirect.gather [hbm4b:s3+s31], $0x80, s9, s31, $0xb8;
	[tilespmem:$0x1C780] =	vst v63  }
0xf6: {  	_ = 	snop  }
0xf7: {  	[spmem:s1] =	stream.indirect.scatter.add.f32 [tilespmem:s4], [sflag:$0x2], $0x80, s10, s31, $0xb8;
	[tilespmem:$0x1C780] =	vst v63  }
0xf8: {  	_ =	swait.ge [sflag:s28], $0x4000  }
0xf9: {  	[sflag:s28] =	ssyncset.done $0x0  }
0xfa: {  	[sflag:s28] =	ssyncadd.s32 $0xFFFFC000  }
0xfb: {  	_ =	swait.ge [sflag:s0], $0x4000  }
0xfc: {  	[sflag:s0] =	ssyncset.done $0x0  }
0xfd: {  	[sflag:s0] =	ssyncadd.s32 $0xFFFFC000  }
0xfe: {  	[tilespmem:s4], [sflag:$0x1] =	stream.indirect.gather [hbm4b:s3+s31], $0x80, s11, s31, $0xb8;
	[tilespmem:$0x1C780] =	vst v63  }
0xff: {  	_ = 	snop  }
0x100: {  	[spmem:s1] =	stream.indirect.scatter.add.f32 [tilespmem:s26], [sflag:$0x2], $0x80, s12, s31, $0xb8;
	[tilespmem:$0x1C780] =	vst v63  }
0x101: {  	_ =	swait.ge [sflag:s28], $0x4000  }
0x102: {  	[sflag:s28] =	ssyncset.done $0x0  }
0x103: {  	[sflag:s28] =	ssyncadd.s32 $0xFFFFC000  }
0x104: {  	_ =	swait.ge [sflag:s0], $0x4000  }
0x105: {  	[sflag:s0] =	ssyncset.done $0x0  }
0x106: {  	[sflag:s0] =	ssyncadd.s32 $0xFFFFC000  }
0x107: {  	[spmem:s1] =	stream.indirect.scatter.add.f32 [tilespmem:s4], [sflag:$0x2], $0x80, s13, s31, $0xb8;
	[tilespmem:$0x1C780] =	vst v63  }
0x108: {  	_ =	swait.ge [sflag:s28], $0x4000  }
0x109: {  	[sflag:s28] =	ssyncset.done $0x0  }
0x10a: {  	[sflag:s28] =	ssyncadd.s32 $0xFFFFC000  }
0x10b: {  	[bflag:$0x0] =	sbarrier.arrive $0xFFFF  }
0x10c: {  	[tilespmem:s26], [sflag:$0x2] =	stream.linear.gather [spmem:s7], $0x4000, $0x38;
	[tilespmem:$0x1C780] =	vst v63  }
0x10d: {  	_ =	swait.ge [sflag:s28], $0x4000  }
0x10e: {  	[sflag:s28] =	ssyncset.done $0x0  }
0x10f: {  	s18 =	rddreg [dreg:$0xb];
	[sflag:s28] =	ssyncadd.s32 $0xFFFFC000  }
0x110: {  	[hbm4b:s18+s2] =	stream.linear.scatter [tilespmem:s26], [sflag:$0x2], $0x4000, $0x38;
	[tilespmem:$0x1C780] =	vst v63  }
0x111: {  	_ =	swait.ge [sflag:s28], $0x4000  }
0x112: {  	[sflag:s28] =	ssyncset.done $0x0  }
0x113: {  	[sflag:s28] =	ssyncadd.s32 $0xFFFFC000  }
0x114: {  	[tilespmem:s26], [sflag:$0x2] =	stream.linear.gather [spmem:s22], $0x4000, $0x38;
	[tilespmem:$0x1C780] =	vst v63  }
0x115: {  	_ =	swait.ge [sflag:s28], $0x4000  }
0x116: {  	[sflag:s28] =	ssyncset.done $0x0  }
0x117: {  	s21 =	rddreg [dreg:$0xc];
	[sflag:s28] =	ssyncadd.s32 $0xFFFFC000  }
0x118: {  	[hbm4b:s21+s2] =	stream.linear.scatter [tilespmem:s26], [sflag:$0x2], $0x4000, $0x38;
	[tilespmem:$0x1C780] =	vst v63  }
0x119: {  	_ =	swait.ge [sflag:s28], $0x4000  }
0x11a: {  	[sflag:s28] =	ssyncset.done $0x0  }
0x11b: {  	[sflag:s28] =	ssyncadd.s32 $0xFFFFC000  }
0x11c: {  	[tilespmem:s26], [sflag:$0x2] =	stream.linear.gather [spmem:s23], $0x4000, $0x38;
	[tilespmem:$0x1C780] =	vst v63  }
0x11d: {  	_ =	swait.ge [sflag:s28], $0x4000  }
0x11e: {  	[sflag:s28] =	ssyncset.done $0x0  }
0x11f: {  	s16 =	rddreg [dreg:$0xd];
	[sflag:s28] =	ssyncadd.s32 $0xFFFFC000  }
0x120: {  	[hbm4b:s16+s2] =	stream.linear.scatter [tilespmem:s26], [sflag:$0x2], $0x4000, $0x38;
	[tilespmem:$0x1C780] =	vst v63  }
0x121: {  	_ =	swait.ge [sflag:s28], $0x4000  }
0x122: {  	[sflag:s28] =	ssyncset.done $0x0  }
0x123: {  	[sflag:s28] =	ssyncadd.s32 $0xFFFFC000  }
0x124: {  	[tilespmem:s26], [sflag:$0x2] =	stream.linear.gather [spmem:s24], $0x4000, $0x38;
	[tilespmem:$0x1C780] =	vst v63  }
0x125: {  	_ =	swait.ge [sflag:s28], $0x4000  }
0x126: {  	[sflag:s28] =	ssyncset.done $0x0  }
0x127: {  	s17 =	rddreg [dreg:$0xe];
	[sflag:s28] =	ssyncadd.s32 $0xFFFFC000  }
0x128: {  	[hbm4b:s17+s2] =	stream.linear.scatter [tilespmem:s26], [sflag:$0x2], $0x4000, $0x38;
	[tilespmem:$0x1C780] =	vst v63  }
0x129: {  	_ =	swait.ge [sflag:s28], $0x4000  }
0x12a: {  	[sflag:s28] =	ssyncset.done $0x0  }
0x12b: {  	[sflag:s28] =	ssyncadd.s32 $0xFFFFC000  }
0x12c: {  	[tilespmem:s26], [sflag:$0x2] =	stream.linear.gather [spmem:s25], $0x4000, $0x38;
	[tilespmem:$0x1C780] =	vst v63  }
0x12d: {  	_ =	swait.ge [sflag:s28], $0x4000  }
0x12e: {  	[sflag:s28] =	ssyncset.done $0x0  }
0x12f: {  	s18 =	rddreg [dreg:$0xf];
	[sflag:s28] =	ssyncadd.s32 $0xFFFFC000  }
0x130: {  	[hbm4b:s18+s2] =	stream.linear.scatter [tilespmem:s26], [sflag:$0x2], $0x4000, $0x38;
	[tilespmem:$0x1C780] =	vst v63  }
0x131: {  	_ =	swait.ge [sflag:s28], $0x4000  }
0x132: {  	s14 =	sadd.s32 $0x1, s14;
	s21 =	rddreg [dreg:$0x8]  }
0x133: {  	p1 =	sne.s32 s14, s21  }
.Ltmp1:
0x134: {  	_ = 	snop;
	(pc) =	sbr.rel @p1 .LBB2_1-.Ltmp1, $3  }
0x135: {  	_ =	sdelay $0x1  }
0x136: {  	[sflag:s28] =	ssyncset.done $0x0  }
0x137: {  	[sflag:s28] =	ssyncadd.s32 $0xFFFFC000  }
0x138: {  	_ =	sfence.sel $0x180000  }
0x139: {  	[bflag:$0x0] =	sbarrier.arrive $0xFFFF  }
0x13a: {  	_ =	strace $0x9000004A  }
0x13b: {  	s0 =	stileid.u32;
	[bflag:$0x2] =	sbarrier.arrive $0xFFFF  }
0x13c: {  	p0 =	sne.s32 s0, $0x0;
	s0 =	rddreg [dreg:$0x3]  }
0x13d: {  	s0 =	sadd.s32 @!p0 $0x100000, s0  }
0x13e: {  	[sflag:s0] =	ssyncadd.tile.s32 @!p0 $0x1;
	_ =	shalt  }
.Lfunc_end2:
_tile_overlayer_lowered:
.L_overlay_start_2:
0x13f: {  	(tag) =	ssettag $0x2  }
0x140: {  	s0 =	rddreg [dreg:$0x0];
	s2 =	stileid.u32  }
0x141: {  	s1 =	rddreg [dreg:$0x1];
	p0 =	sne.s32 s2, $0x0  }
0x142: {  	s3 =	rddreg [dreg:$0x2];
	[bflag:$0x3] =	sbarrier.arrive $0xFFFF;
	s2 =	simm.s32 @!p0 $0x1C02  }
0x143: {  	[timem:s3], [sflag:s2] =	dma.local @!p0 [hbm:s0], s1  }
0x144: {  	s0 =	simm.s32 @!p0 $0x2  }
0x145: {  	_ =	swait.ge @!p0 [sflag:s0], s1  }
0x146: {  	s1 =	ssub.s32 @!p0 $0x0, s1;
	[sflag:s0] =	ssyncset.done @!p0 $0x0  }
0x147: {  	[sflag:s0] =	ssyncadd.s32 @!p0 s1  }
0x148: {  	[bflag:$0x3] =	sbarrier.arrive $0xFFFF  }
0x149: {  	_ =	shalt  }

// kernel: kernel.14.cloned.1.call-start
scs
__scs_entry_jumppad:
0x0: {  	(pc) =	sbr.rel $0x88, $3  }
0x1: {  	(tag) =	ssettag $0x0;
	lr =	simm.s32 $0x1  }
0x2: {  	[smem:$0x3F8D] =	sst lr;
	_ =	strace $0xD0000000  }
0x3: {  	_ = 	snop  }
0x4: {  	_ = 	snop  }
0x5: {  	_ = 	snop  }
0x6: {  	_ = 	snop  }
0x7: {  	_ = 	snop  }
__scs_overlays_trampoline_lowered:
0x8: {  	[smem:$0x3F9C] =	sst s0  }
0x9: {  	[smem:$0x3F9D] =	sst s1  }
0xa: {  	[smem:$0x3F9E] =	sst s2  }
0xb: {  	[smem:$0x3F9F] =	sst s3  }
0xc: {  	[smem:$0x3FA0] =	sst s4  }
0xd: {  	[smem:$0x3FA1] =	sst s5  }
0xe: {  	[smem:$0x3FA2] =	sst s6  }
0xf: {  	[smem:$0x3FA3] =	sst s7  }
0x10: {  	[smem:$0x3FA4] =	sst s8  }
0x11: {  	[smem:$0x3FA5] =	sst s9;
	s0 =	simm.s32 @!p0 $0x0  }
0x12: {  	s1 =	sld [smem:$0x3F8B];
	s0 =	simm.s32 @p0 $0x1  }
0x13: {  	[smem:$0x3FA6] =	sst s0;
	s0 =	simm.s32 @!p1 $0x0  }
0x14: {  	s2 =	sld [smem:$0x3F8A];
	s0 =	simm.s32 @p1 $0x1  }
0x15: {  	[smem:$0x3FA7] =	sst s0;
	s0 =	simm.s32 @!p2 $0x0  }
0x16: {  	s3 =	sld [smem:$0x3FDB];
	s0 =	simm.s32 @p2 $0x1  }
0x17: {  	s4 =	simm.s32 $0x1BF5;
	[smem:$0x3FA9] =	sst s0  }
0x18: {  	s0 =	sld [smem:$0x3F8C];
	_ =	swait.ge [sflag:s4], $0x0  }
0x19: {  	s7 =	sld [smem:$0x3F8D]  }
0x1a: {  	s8 =	sadd.s32 $0xFFFFE003, lr  }
0x1b: {  	s9 =	sadd.s32 $0xFFFFFEF7, lr;
	s5 =	simm.s32 $0xFFFFFFFF;
	p2 =	slt.u32 s8, $0xFFFFF086  }
0x1c: {  	p1 =	slt.u32 s9, $0xF7A;
	s5 =	simm.s32 @!p2 $0x0  }
0x1d: {  	s5 =	simm.s32 @p1 $0x1;
	p0 =	seq.s32 s7, s2  }
0x1e: {  	s7 =	smul.u32 @!p0 $0xF7A, s2;
	p2 =	seq.s32 @!p0 s5, $0x0  }
0x1f: {  	s9 =	smul.u32 $0xF7A, s1;
	s8 =	simm.s32 @!p0 $0x1BF5;
	p2 =	por !p2, p0  }
0x20: {  	[sflag:s8] =	ssyncset.s32 @!p0 $0xFFFFF086;
	s6 =	sadd.s32 @!p0 s3, s7;
	s7 =	simm.s32 @!p0 $0x108  }
0x21: {  	s3 =	sadd.s32 s3, s9;
	s6 =	sadd.s32 @!p0 $0x88, s6;
	s7 =	simm.s32 @p2 $0x1082  }
0x22: {  	[simem:s7], [sflag:s8] =	dma.local @!p0 [hbm:s6], $0xF7A  }
0x23: {  	s9 =	sor.u32 $0xD0000000, s2;
	s6 =	simm.s32 $0x108;
	_ =	swait.ge @!p0 [sflag:s8], $0x0  }
0x24: {  	s3 =	sadd.s32 $0x88, s3;
	s6 =	simm.s32 @!p1 $0x1082;
	[sflag:s4] =	ssyncset.s32 $0xFFFFF086  }
0x25: {  	[simem:s6], [sflag:s4] =	dma.local [hbm:s3], $0xF7A  }
0x26: {  	[smem:$0x3F8D] =	sst s1;
	(tag) =	ssettag s2;
	_ =	strace s9  }
0x27: {  	s1 =	sld [smem:$0x3F9D]  }
0x28: {  	s2 =	sld [smem:$0x3F9E]  }
0x29: {  	s4 =	sld [smem:$0x3FA0]  }
0x2a: {  	p0 =	seq.s32 s5, $0x0;
	s5 =	sld [smem:$0x3FA1]  }
0x2b: {  	s6 =	sld [smem:$0x3FA2]  }
0x2c: {  	s7 =	sld [smem:$0x3FA3]  }
0x2d: {  	s3 =	simm.s32 $0x108;
	s8 =	sld [smem:$0x3FA4]  }
0x2e: {  	s3 =	simm.s32 @!p0 $0x1082;
	s9 =	sld [smem:$0x3FA5]  }
0x2f: {  	lr =	sadd.s32 s0, s3;
	s0 =	sld [smem:$0x3F9C]  }
0x30: {  	s3 =	sld [smem:$0x3F9F]  }
0x31: {  	[smem:$0x3FA8] =	sst s10  }
0x32: {  	s10 =	sld [smem:$0x3FA6];
	_ =	sdelay $0x3  }
0x33: {  	p0 =	seq.s32 s10, $0x1;
	s10 =	sld [smem:$0x3FA8];
	_ =	sdelay $0x3  }
0x34: {  	[smem:$0x3FA8] =	sst s10  }
0x35: {  	s10 =	sld [smem:$0x3FA7];
	_ =	sdelay $0x3  }
0x36: {  	p1 =	seq.s32 s10, $0x1;
	s10 =	sld [smem:$0x3FA8];
	_ =	sdelay $0x3  }
0x37: {  	[smem:$0x3FA8] =	sst s10  }
0x38: {  	s10 =	sld [smem:$0x3FA9]  }
0x39: {  	_ = 	snop;
	(pc) =	sbr.ind lr, $3  }
0x3a: {  	_ = 	snop  }
0x3b: {  	_ = 	snop  }
0x3c: {  	p2 =	seq.s32 s10, $0x1;
	s10 =	sld [smem:$0x3FA8]  }
0x3d: {  	_ =	shalt  }
0x3e: {  	_ =	shalt  }
0x3f: {  	_ =	shalt  }
0x40: {  	_ =	shalt  }
0x41: {  	_ =	shalt  }
0x42: {  	_ =	shalt  }
0x43: {  	_ =	shalt  }
0x44: {  	_ =	shalt  }
0x45: {  	_ =	shalt  }
0x46: {  	_ =	shalt  }
0x47: {  	_ =	shalt  }
0x48: {  	_ =	shalt  }
0x49: {  	_ =	shalt  }
0x4a: {  	_ =	shalt  }
0x4b: {  	_ =	shalt  }
0x4c: {  	_ =	shalt  }
0x4d: {  	_ =	shalt  }
0x4e: {  	_ =	shalt  }
0x4f: {  	_ =	shalt  }
0x50: {  	_ =	shalt  }
0x51: {  	_ =	shalt  }
0x52: {  	_ =	shalt  }
0x53: {  	_ =	shalt  }
0x54: {  	_ =	shalt  }
0x55: {  	_ =	shalt  }
0x56: {  	_ =	shalt  }
0x57: {  	_ =	shalt  }
0x58: {  	_ =	shalt  }
0x59: {  	_ =	shalt  }
0x5a: {  	_ =	shalt  }
0x5b: {  	_ =	shalt  }
0x5c: {  	_ =	shalt  }
0x5d: {  	_ =	shalt  }
0x5e: {  	_ =	shalt  }
0x5f: {  	_ =	shalt  }
0x60: {  	_ =	shalt  }
0x61: {  	_ =	shalt  }
0x62: {  	_ =	shalt  }
0x63: {  	_ =	shalt  }
0x64: {  	_ =	shalt  }
0x65: {  	_ =	shalt  }
0x66: {  	_ =	shalt  }
0x67: {  	_ =	shalt  }
0x68: {  	_ =	shalt  }
0x69: {  	_ =	shalt  }
0x6a: {  	_ =	shalt  }
0x6b: {  	_ =	shalt  }
0x6c: {  	_ =	shalt  }
0x6d: {  	_ =	shalt  }
0x6e: {  	_ =	shalt  }
0x6f: {  	_ =	shalt  }
0x70: {  	_ =	shalt  }
0x71: {  	_ =	shalt  }
0x72: {  	_ =	shalt  }
0x73: {  	_ =	shalt  }
0x74: {  	_ =	shalt  }
0x75: {  	_ =	shalt  }
0x76: {  	_ =	shalt  }
0x77: {  	_ =	shalt  }
0x78: {  	_ =	shalt  }
0x79: {  	_ =	shalt  }
0x7a: {  	_ =	shalt  }
0x7b: {  	_ =	shalt  }
0x7c: {  	_ =	shalt  }
0x7d: {  	_ =	shalt  }
0x7e: {  	_ =	shalt  }
0x7f: {  	_ =	shalt  }
0x80: {  	_ =	shalt  }
0x81: {  	_ =	shalt  }
0x82: {  	_ =	shalt  }
0x83: {  	_ =	shalt  }
0x84: {  	_ =	shalt  }
0x85: {  	_ =	shalt  }
0x86: {  	_ =	shalt  }
0x87: {  	_ =	shalt  }
.Lfunc_end0:
.L_simem_size_0:
called_computation.2_lowered:
.L_overlay_start_0:
0x88: {  	s2 =	sld [smem:$0x3FD9]  }
0x89: {  	s3 =	sld [smem:$0x3FFE];
	_ =	sdelay $0x1  }
0x8a: {  	s1 =	srdreg.scid  }
0x8b: {  	s0 =	sand.u32 $0x1, s1  }
0x8c: {  	s17 =	sshll.u32 s0, $0xA;
	s2 =	sadd.s32 s3, s2  }
0x8d: {  	s2 =	sadd.s32 s2, s17  }
0x8e: {  	[smem:$0x3FB4] =	sst s2  }
0x8f: {  	_ = 	snop  }
0x90: {  	s2 =	sld [smem:$0x3FD0];
	(tm) =	ssettm $0x1  }
0x91: {  	s18 =	sld [smem:$0x3FFB];
	_ =	sdelay $0x3  }
0x92: {  	_ =	strace s18  }
0x93: {  	s3 =	sld [smem:$0x3FFC];
	_ =	sdelay $0x3  }
0x94: {  	_ =	strace s3  }
0x95: {  	s3 =	sld [smem:$0x3FFD];
	_ =	sdelay $0x3  }
0x96: {  	_ =	strace s3  }
0x97: {  	_ =	strace $0x8FFFFFFF  }
0x98: {  	s19 =	sld [smem:$0x3FDB];
	_ =	sdelay $0x1  }
0x99: {  	s4 =	simm.s32 $_scs_section_size  }
0x9a: {  	s5 =	simm.s32 $_size__tile_overlayer_lowered;
	s6 =	simm.s32 $_tile_overlayer_lowered  }
0x9b: {  	s22 =	simm.s32 $0x1BFF;
	s21 =	sshll.u32 s6, $0x1;
	s3 =	sadd.s32 s4, s19  }
0x9c: {  	s7 =	simm.s32 $0x0;
	s20 =	sshll.u32 s5, $0x1;
	s5 =	sadd.s32 s21, s3  }
0x9d: {  	[timem:s7], [sflag:s22] =	dma.local [hbm:s5], s20  }
0x9e: {  	_ =	swait.ge [sflag:s22], s20  }
0x9f: {  	s4 =	ssub.s32 $0x0, s20;
	[sflag:s22] =	ssyncset.done $0x0  }
0xa0: {  	[sflag:s22] =	ssyncadd.s32 s4;
	_ =	sdelay $0x1  }
0xa1: {  	s23 =	simm.s32 $0x1B8B  }
0xa2: {  	_ =	swait.ge [sflag:s23], $0x1  }
0xa3: {  	[sflag:s23] =	ssyncset.done $0x0  }
0xa4: {  	s25 =	simm.s32 $0x1B8E;
	s24 =	sld [smem:$0x3FFE];
	[sflag:s23] =	ssyncadd.s32 $0xFFFFFFFF  }
0xa5: {  	s26 =	simm.s32 $execute0_lowered;
	[smem:$0x3FD2] =	sst s25  }
0xa6: {  	s5 =	sshll.u32 s26, $0x1;
	_ =	strace $0x8000004C;
	[dreg:$0x1] =	wrdreg $0xFFFFFFFF  }
0xa7: {  	s28 =	simm.s32 $_size_execute0_lowered;
	s3 =	sadd.s32 s3, s5;
	[dreg:$0x0] =	wrdreg $0x0  }
0xa8: {  	s5 =	sshll.u32 s28, $0x1;
	[dreg:$0x2] =	wrdreg s3  }
0xa9: {  	[dreg:$0x3] =	wrdreg s5  }
0xaa: {  	[dreg:$0x4] =	wrdreg $0xC0  }
0xab: {  	_ =	task [dreg:s7], $0x5FFFF  }
0xac: {  	[dreg:$0x1] =	wrdreg $0xFFFFFFFF  }
0xad: {  	[dreg:$0x0] =	wrdreg $0x60  }
0xae: {  	[dreg:$0x2] =	wrdreg s24  }
0xaf: {  	[dreg:$0x3] =	wrdreg s2  }
0xb0: {  	[dreg:$0x4] =	wrdreg $0x87800  }
0xb1: {  	[dreg:$0x5] =	wrdreg $0x9  }
0xb2: {  	_ =	task.clear_ibuf [dreg:s7], $0x6FFFF;
	_ =	strace $0x9000004C  }
0xb3: {  	s29 =	simm.s32 $0x9;
	_ =	strace $0x8000004E  }
0xb4: {  	_ =	swait.ge [sflag:s29], $0x1  }
0xb5: {  	[sflag:s29] =	ssyncadd.s32 $0xFFFFFFFF  }
0xb6: {  	_ =	strace $0x9000004E  }
0xb7: {  	_ =	sfence  }
0xb8: {  	s30 =	sld [smem:$0x0];
	_ =	sdelay $0x2  }
0xb9: {  	s31 =	sshll.u32 s1, $0xD;
	s1 =	sshrl.u32 s1, $0x2  }
0xba: {  	s3 =	sand.u32 $0x4000, s31;
	s1 =	sadd.s32 s1, s30  }
0xbb: {  	s0 =	sor.u32 s3, s0;
	s1 =	sshll.u32 s1, $0x11  }
0xbc: {  	s0 =	sor.u32 s1, s0  }
0xbd: {  	s0 =	sadd.s32 $0x8F2B, s0  }
0xbe: {  	[sflag:s0] =	ssyncadd.remote.s32 $0x1  }
0xbf: {  	_ =	sfence.sel $0xFFFF  }
0xc0: {  	[dreg:$0x0] =	wrdreg $0xFFFFFFFF;
	(pc) =	sbr.abs _section_cstart, $3  }
0xc1: {  	[dreg:$0x1] =	wrdreg $0xFFFFFFFF  }
0xc2: {  	_ =	task.clear_ibuf [dreg:s7], $0x2FFFF;
	_ =	strace $0x9FFFFFFF  }
0xc3: {  	(tm) =	ssettm $0x7FFFFFFF  }
tec
execute0_lowered:
.L_overlay_start_1:
0x0: {  	(tag) =	ssettag $0x1  }
0x1: {  	s0 =	rddreg [dreg:$0x0]  }
0x2: {  	s4 =	rddreg [dreg:$0x1]  }
0x3: {  	s1 =	rddreg [dreg:$0x2]  }
0x4: {  	s2 =	simm.s32 $0x0;
	s5 =	srdreg.scid;
	s15 =	stileid.u32  }
0x5: {  	s28 =	simm.s32 $0x2;
	s30 =	simm.s32 $0x300;
	s31 =	simm.s32 $0x80  }
0x6: {  	s29 =	simm.s32 $0x100;
	[smem:$0x7FF] =	sst s2;
	s3 =	sadd.s32 $0xEA00, s0  }
0x7: {  	s6 =	sadd.s32 $0x4200, s0;
	s7 =	sadd.s32 $0xE000, s0;
	s5 =	sand.u32 $0x1, s5  }
0x8: {  	s22 =	sadd.s32 $0xE800, s0;
	s0 =	sadd.s32 $0xAF400, s0;
	s9 =	smul.u32 $0x50000, s15  }
0x9: {  	s10 =	sshll.u32 s15, $0x5;
	_ =	strace $0x8000004D;
	[dreg:$0x4] =	wrdreg s7  }
0xa: {  	s24 =	smul.u32 $0x14000, s15;
	p0 =	sgt.u32 s15, $0x1;
	[dreg:$0x5] =	wrdreg s22  }
0xb: {  	s23 =	ssub.s32 $0x2, s5;
	s11 =	sshll.u32 s5, $0x4;
	s12 =	smul.u32 $0x140000, s5  }
0xc: {  	s5 =	smul.u32 $0x2700, s5;
	s8 =	sshrl.u32 s23, $0x1;
	s9 =	sshrl.u32 s9, $0x2  }
0xd: {  	s10 =	sor.u32 s11, s10;
	s16 =	sadd.s32 $0x4000, s24;
	s18 =	sadd.s32 $0x8000, s24  }
0xe: {  	s21 =	sadd.s32 $0xC000, s24;
	s11 =	sadd.s32 $0x10000, s24;
	s8 =	ssub.s32 s23, s8  }
0xf: {  	s7 =	sadd.s32 s9, s1;
	s25 =	sor.u32 $0x9C00, s10;
	s26 =	sadd.s32 s12, s24  }
0x10: {  	s17 =	sadd.s32 s12, s16;
	s22 =	sadd.s32 s12, s21;
	s10 =	sadd.s32 s6, s25  }
0x11: {  	s9 =	sadd.s32 s4, s25;
	s8 =	smax.u32 s8, $0x1;
	s13 =	sshrl.u32 s26, $0x3  }
0x12: {  	s14 =	sadd.s32 $0x8000, s7;
	s23 =	sshrl.u32 s22, $0x3;
	[dreg:$0x6] =	wrdreg s10  }
0x13: {  	s25 =	sadd.s32 $0xC000, s7;
	s26 =	sadd.s32 $0x10000, s7;
	[dreg:$0x7] =	wrdreg s9  }
0x14: {  	s22 =	sadd.s32 s16, s1;
	[dreg:$0x8] =	wrdreg s8;
	s10 =	sadd.s32 $0x4000, s7  }
0x15: {  	[dreg:$0xa] =	wrdreg s14;
	s8 =	sadd.s32 s0, s13;
	s13 =	smul.u32 $0x4E00, s15  }
0x16: {  	s9 =	sshrl.u32 s17, $0x3;
	s14 =	sadd.s32 s12, s18;
	[dreg:$0x10] =	wrdreg s25  }
0x17: {  	s12 =	sadd.s32 s12, s11;
	[dreg:$0x11] =	wrdreg s26;
	s25 =	sadd.s32 s11, s1  }
0x18: {  	s26 =	simm.s32 $0x700;
	s11 =	simm.s32 $0x280;
	[dreg:$0x9] =	wrdreg s10  }
0x19: {  	[dreg:$0xb] =	wrdreg s8;
	s9 =	sadd.s32 s0, s9;
	s20 =	sshrl.u32 s14, $0x3  }
0x1a: {  	s24 =	sshrl.u32 s12, $0x3;
	s8 =	simm.s32 $0x400;
	s10 =	simm.s32 $0x480  }
0x1b: {  	s12 =	simm.s32 $0x500;
	s14 =	simm.s32 $0x0;
	[dreg:$0xc] =	wrdreg s9  }
0x1c: {  	s5 =	sadd.s32 s5, s13;
	s9 =	sadd.s32 s0, s20;
	s13 =	simm.s32 $0x580  }
0x1d: {  	[dreg:$0xd] =	wrdreg s9;
	s9 =	sadd.s32 s0, s23;
	s5 =	sshrl.u32 s5, $0x3  }
0x1e: {  	s0 =	sadd.s32 s0, s24;
	s23 =	sadd.s32 s18, s1;
	[dreg:$0xe] =	wrdreg s9  }
0x1f: {  	s24 =	sadd.s32 s21, s1;
	[dreg:$0xf] =	wrdreg s0;
	s19 =	sadd.s32 s5, s4  }
0x20: {  	s20 =	sadd.s32 s5, s6;
	s0 =	simm.s32 $0x1;
	s4 =	simm.s32 $0x4700  }
0x21: {  	s5 =	simm.s32 $0x380;
	s6 =	simm.s32 $0x180;
	s9 =	simm.s32 $0x200  }
.LBB2_1:
0x22: {  	s15 =	rddreg [dreg:$0x4]  }
0x23: {  	[tilespmem:s26], [sflag:$0x2] =	stream.linear.gather [hbm4b:s15+s2], $0x4000, $0x38;
	[tilespmem:$0x1C780] =	vst v63  }
0x24: {  	_ =	swait.ge [sflag:s28], $0x4000  }
0x25: {  	[sflag:s28] =	ssyncset.done $0x0  }
0x26: {  	s16 =	simm.s32 $0x8700;
	s17 =	rddreg [dreg:$0x5];
	[sflag:s28] =	ssyncadd.s32 $0xFFFFC000  }
0x27: {  	[tilespmem:s16], [sflag:$0x2] =	stream.linear.gather [hbm4b:s17+s2], $0x80, $0x38;
	[tilespmem:$0x1C780] =	vst v63  }
0x28: {  	_ =	swait.ge [sflag:s28], $0x80  }
0x29: {  	[sflag:s28] =	ssyncset.done $0x0  }
0x2a: {  	[sflag:s28] =	ssyncadd.s32 $0xFFFFFF80  }
0x2b: {  	[spmem:s7] =	stream.linear.scatter [tilespmem:s26], [sflag:$0x2], $0x4000, $0x38;
	[tilespmem:$0x1C780] =	vst v63  }
0x2c: {  	_ =	swait.ge [sflag:s28], $0x4000  }
0x2d: {  	[sflag:s28] =	ssyncset.done $0x0  }
0x2e: {  	s18 =	rddreg [dreg:$0x9];
	[sflag:s28] =	ssyncadd.s32 $0xFFFFC000  }
0x2f: {  	[spmem:s18] =	stream.linear.scatter [tilespmem:s26], [sflag:$0x2], $0x4000, $0x38;
	[tilespmem:$0x1C780] =	vst v63  }
0x30: {  	_ =	swait.ge [sflag:s28], $0x4000  }
0x31: {  	[sflag:s28] =	ssyncset.done $0x0  }
0x32: {  	s21 =	rddreg [dreg:$0xa];
	[sflag:s28] =	ssyncadd.s32 $0xFFFFC000  }
0x33: {  	[spmem:s21] =	stream.linear.scatter [tilespmem:s26], [sflag:$0x2], $0x4000, $0x38;
	[tilespmem:$0x1C780] =	vst v63  }
0x34: {  	_ =	swait.ge [sflag:s28], $0x4000  }
0x35: {  	[sflag:s28] =	ssyncset.done $0x0  }
0x36: {  	s16 =	rddreg [dreg:$0x10];
	[sflag:s28] =	ssyncadd.s32 $0xFFFFC000  }
0x37: {  	[spmem:s16] =	stream.linear.scatter [tilespmem:s26], [sflag:$0x2], $0x4000, $0x38;
	[tilespmem:$0x1C780] =	vst v63  }
0x38: {  	_ =	swait.ge [sflag:s28], $0x4000  }
0x39: {  	[sflag:s28] =	ssyncset.done $0x0  }
0x3a: {  	s17 =	rddreg [dreg:$0x11];
	[sflag:s28] =	ssyncadd.s32 $0xFFFFC000  }
0x3b: {  	[spmem:s17] =	stream.linear.scatter [tilespmem:s26], [sflag:$0x2], $0x4000, $0x38;
	[tilespmem:$0x1C780] =	vst v63  }
0x3c: {  	_ =	swait.ge [sflag:s28], $0x4000  }
0x3d: {  	[sflag:s28] =	ssyncset.done $0x0  }
0x3e: {  	[sflag:s28] =	ssyncadd.s32 $0xFFFFC000  }
0x3f: {  	[bflag:$0x0] =	sbarrier.arrive $0xFFFF  }
0x40: {  	s15 =	simm.s32 @!p0 $0x0;
	s16 =	simm.s32 @!p0 $0x600;
	s17 =	rddreg [dreg:$0x6]  }
0x41: {  	[tilespmem:s16], [sflag:$0x2] =	stream.linear.gather @!p0 [hbm4b:s17+s15], $0x80, $0x38;
	[tilespmem:$0x1C780] =	vst v63  }
0x42: {  	s17 =	simm.s32 @!p0 $0x2  }
0x43: {  	_ =	swait.ge @!p0 [sflag:s17], $0x80  }
0x44: {  	[sflag:s17] =	ssyncset.done @!p0 $0x0  }
0x45: {  	s18 =	simm.s32 @!p0 $0x680;
	s21 =	rddreg [dreg:$0x7];
	[sflag:s17] =	ssyncadd.s32 @!p0 $0xFFFFFF80  }
0x46: {  	[tilespmem:s18], [sflag:$0x2] =	stream.linear.gather @!p0 [hbm4b:s21+s15], $0x80, $0x38;
	[tilespmem:$0x1C780] =	vst v63  }
0x47: {  	_ =	swait.ge @!p0 [sflag:s17], $0x80  }
0x48: {  	[sflag:s17] =	ssyncset.done @!p0 $0x0  }
0x49: {  	s15 =	simm.s32 @!p0 $0x80;
	s21 =	simm.s32 @!p0 $0x700;
	[sflag:s17] =	ssyncadd.s32 @!p0 $0xFFFFFF80  }
0x4a: {  	[tilespmem:s21], [sflag:$0x1] =	stream.indirect.gather @!p0 [hbm4b:s3+s15], $0x80, s16, s15, $0xb8;
	[tilespmem:$0x1C780] =	vst v63  }
0x4b: {  	s16 =	simm.s32 @!p0 $0x1  }
0x4c: {  	_ =	swait.ge @!p0 [sflag:s16], $0x4000  }
0x4d: {  	[sflag:s16] =	ssyncset.done @!p0 $0x0  }
0x4e: {  	[sflag:s16] =	ssyncadd.s32 @!p0 $0xFFFFC000  }
0x4f: {  	[spmem:s1] =	stream.indirect.scatter.add.f32 @!p0 [tilespmem:s21], [sflag:$0x2], $0x80, s18, s15, $0xb8;
	[tilespmem:$0x1C780] =	vst v63  }
0x50: {  	_ =	swait.ge @!p0 [sflag:s17], $0x4000  }
0x51: {  	[sflag:s17] =	ssyncset.done @!p0 $0x0  }
0x52: {  	s18 =	sadd.s32 $0x0, s20;
	[sflag:s17] =	ssyncadd.s32 @!p0 $0xFFFFC000  }
0x53: {  	[tilespmem:s2], [sflag:$0x2] =	stream.linear.gather [hbm4b:s18+s2], $0x300, $0x38;
	[tilespmem:$0x1C780] =	vst v63  }
0x54: {  	_ =	swait.ge [sflag:s28], $0x300  }
0x55: {  	[sflag:s28] =	ssyncset.done $0x0  }
0x56: {  	s21 =	sadd.s32 $0x0, s19;
	[sflag:s28] =	ssyncadd.s32 $0xFFFFFD00  }
0x57: {  	[tilespmem:s30], [sflag:$0x2] =	stream.linear.gather [hbm4b:s21+s2], $0x300, $0x38;
	[tilespmem:$0x1C780] =	vst v63  }
0x58: {  	_ =	swait.ge [sflag:s28], $0x300  }
0x59: {  	[sflag:s28] =	ssyncset.done $0x0  }
0x5a: {  	[sflag:s28] =	ssyncadd.s32 $0xFFFFFD00  }
0x5b: {  	[tilespmem:s26], [sflag:$0x1] =	stream.indirect.gather [hbm4b:s3+s31], $0x80, s2, s31, $0xb8;
	[tilespmem:$0x1C780] =	vst v63  }
0x5c: {  	_ =	swait.ge [sflag:s0], $0x4000  }
0x5d: {  	[sflag:s0] =	ssyncset.done $0x0  }
0x5e: {  	[sflag:s0] =	ssyncadd.s32 $0xFFFFC000  }
0x5f: {  	[tilespmem:s4], [sflag:$0x1] =	stream.indirect.gather [hbm4b:s3+s31], $0x80, s31, s31, $0xb8;
	[tilespmem:$0x1C780] =	vst v63  }
0x60: {  	_ = 	snop  }
0x61: {  	[spmem:s1] =	stream.indirect.scatter.add.f32 [tilespmem:s26], [sflag:$0x2], $0x80, s30, s31, $0xb8;
	[tilespmem:$0x1C780] =	vst v63  }
0x62: {  	_ =	swait.ge [sflag:s28], $0x4000  }
0x63: {  	[sflag:s28] =	ssyncset.done $0x0  }
0x64: {  	[sflag:s28] =	ssyncadd.s32 $0xFFFFC000  }
0x65: {  	_ =	swait.ge [sflag:s0], $0x4000  }
0x66: {  	[sflag:s0] =	ssyncset.done $0x0  }
0x67: {  	[sflag:s0] =	ssyncadd.s32 $0xFFFFC000  }
0x68: {  	[tilespmem:s26], [sflag:$0x1] =	stream.indirect.gather [hbm4b:s3+s31], $0x80, s29, s31, $0xb8;
	[tilespmem:$0x1C780] =	vst v63  }
0x69: {  	_ = 	snop  }
0x6a: {  	[spmem:s1] =	stream.indirect.scatter.add.f32 [tilespmem:s4], [sflag:$0x2], $0x80, s5, s31, $0xb8;
	[tilespmem:$0x1C780] =	vst v63  }
0x6b: {  	_ =	swait.ge [sflag:s28], $0x4000  }
0x6c: {  	[sflag:s28] =	ssyncset.done $0x0  }
0x6d: {  	[sflag:s28] =	ssyncadd.s32 $0xFFFFC000  }
0x6e: {  	_ =	swait.ge [sflag:s0], $0x4000  }
0x6f: {  	[sflag:s0] =	ssyncset.done $0x0  }
0x70: {  	[sflag:s0] =	ssyncadd.s32 $0xFFFFC000  }
0x71: {  	[tilespmem:s4], [sflag:$0x1] =	stream.indirect.gather [hbm4b:s3+s31], $0x80, s6, s31, $0xb8;
	[tilespmem:$0x1C780] =	vst v63  }
0x72: {  	_ = 	snop  }
0x73: {  	[spmem:s1] =	stream.indirect.scatter.add.f32 [tilespmem:s26], [sflag:$0x2], $0x80, s8, s31, $0xb8;
	[tilespmem:$0x1C780] =	vst v63  }
0x74: {  	_ =	swait.ge [sflag:s28], $0x4000  }
0x75: {  	[sflag:s28] =	ssyncset.done $0x0  }
0x76: {  	[sflag:s28] =	ssyncadd.s32 $0xFFFFC000  }
0x77: {  	_ =	swait.ge [sflag:s0], $0x4000  }
0x78: {  	[sflag:s0] =	ssyncset.done $0x0  }
0x79: {  	[sflag:s0] =	ssyncadd.s32 $0xFFFFC000  }
0x7a: {  	[tilespmem:s26], [sflag:$0x1] =	stream.indirect.gather [hbm4b:s3+s31], $0x80, s9, s31, $0xb8;
	[tilespmem:$0x1C780] =	vst v63  }
0x7b: {  	_ = 	snop  }
0x7c: {  	[spmem:s1] =	stream.indirect.scatter.add.f32 [tilespmem:s4], [sflag:$0x2], $0x80, s10, s31, $0xb8;
	[tilespmem:$0x1C780] =	vst v63  }
0x7d: {  	_ =	swait.ge [sflag:s28], $0x4000  }
0x7e: {  	[sflag:s28] =	ssyncset.done $0x0  }
0x7f: {  	[sflag:s28] =	ssyncadd.s32 $0xFFFFC000  }
0x80: {  	_ =	swait.ge [sflag:s0], $0x4000  }
0x81: {  	[sflag:s0] =	ssyncset.done $0x0  }
0x82: {  	[sflag:s0] =	ssyncadd.s32 $0xFFFFC000  }
0x83: {  	[tilespmem:s4], [sflag:$0x1] =	stream.indirect.gather [hbm4b:s3+s31], $0x80, s11, s31, $0xb8;
	[tilespmem:$0x1C780] =	vst v63  }
0x84: {  	_ = 	snop  }
0x85: {  	[spmem:s1] =	stream.indirect.scatter.add.f32 [tilespmem:s26], [sflag:$0x2], $0x80, s12, s31, $0xb8;
	[tilespmem:$0x1C780] =	vst v63  }
0x86: {  	_ =	swait.ge [sflag:s28], $0x4000  }
0x87: {  	[sflag:s28] =	ssyncset.done $0x0  }
0x88: {  	[sflag:s28] =	ssyncadd.s32 $0xFFFFC000  }
0x89: {  	_ =	swait.ge [sflag:s0], $0x4000  }
0x8a: {  	[sflag:s0] =	ssyncset.done $0x0  }
0x8b: {  	[sflag:s0] =	ssyncadd.s32 $0xFFFFC000  }
0x8c: {  	[spmem:s1] =	stream.indirect.scatter.add.f32 [tilespmem:s4], [sflag:$0x2], $0x80, s13, s31, $0xb8;
	[tilespmem:$0x1C780] =	vst v63  }
0x8d: {  	_ =	swait.ge [sflag:s28], $0x4000  }
0x8e: {  	s16 =	simm.s32 $0xC0;
	s15 =	simm.s32 $0x60;
	[sflag:s28] =	ssyncset.done $0x0  }
.LBB2_2:
0x8f: {  	s18 =	sadd.s32 s15, s20  }
0x90: {  	[sflag:s28] =	ssyncadd.s32 $0xFFFFC000;
	s21 =	smov.u32 s16;
	s17 =	sadd.s32 $0x60, s16  }
0x91: {  	[tilespmem:s2], [sflag:$0x2] =	stream.linear.gather [hbm4b:s18+s2], $0x300, $0x38;
	[tilespmem:$0x1C780] =	vst v63  }
0x92: {  	p1 =	sne.s32 s16, $0x480;
	_ =	swait.ge [sflag:s28], $0x300  }
0x93: {  	[sflag:s28] =	ssyncset.done $0x0  }
0x94: {  	s16 =	sadd.s32 s15, s19;
	s15 =	smov.u32 s21;
	[sflag:s28] =	ssyncadd.s32 $0xFFFFFD00  }
0x95: {  	[tilespmem:s30], [sflag:$0x2] =	stream.linear.gather [hbm4b:s16+s2], $0x300, $0x38;
	[tilespmem:$0x1C780] =	vst v63  }
0x96: {  	_ =	swait.ge [sflag:s28], $0x300  }
0x97: {  	[sflag:s28] =	ssyncset.done $0x0  }
0x98: {  	[sflag:s28] =	ssyncadd.s32 $0xFFFFFD00  }
0x99: {  	[tilespmem:s26], [sflag:$0x1] =	stream.indirect.gather [hbm4b:s3+s31], $0x80, s2, s31, $0xb8;
	[tilespmem:$0x1C780] =	vst v63  }
0x9a: {  	_ =	swait.ge [sflag:s0], $0x4000  }
0x9b: {  	[sflag:s0] =	ssyncset.done $0x0  }
0x9c: {  	[sflag:s0] =	ssyncadd.s32 $0xFFFFC000  }
0x9d: {  	[tilespmem:s4], [sflag:$0x1] =	stream.indirect.gather [hbm4b:s3+s31], $0x80, s31, s31, $0xb8;
	[tilespmem:$0x1C780] =	vst v63  }
0x9e: {  	_ = 	snop  }
0x9f: {  	[spmem:s1] =	stream.indirect.scatter.add.f32 [tilespmem:s26], [sflag:$0x2], $0x80, s30, s31, $0xb8;
	[tilespmem:$0x1C780] =	vst v63  }
0xa0: {  	_ =	swait.ge [sflag:s28], $0x4000  }
0xa1: {  	[sflag:s28] =	ssyncset.done $0x0  }
0xa2: {  	[sflag:s28] =	ssyncadd.s32 $0xFFFFC000  }
0xa3: {  	_ =	swait.ge [sflag:s0], $0x4000  }
0xa4: {  	[sflag:s0] =	ssyncset.done $0x0  }
0xa5: {  	[sflag:s0] =	ssyncadd.s32 $0xFFFFC000  }
0xa6: {  	[tilespmem:s26], [sflag:$0x1] =	stream.indirect.gather [hbm4b:s3+s31], $0x80, s29, s31, $0xb8;
	[tilespmem:$0x1C780] =	vst v63  }
0xa7: {  	_ = 	snop  }
0xa8: {  	[spmem:s1] =	stream.indirect.scatter.add.f32 [tilespmem:s4], [sflag:$0x2], $0x80, s5, s31, $0xb8;
	[tilespmem:$0x1C780] =	vst v63  }
0xa9: {  	_ =	swait.ge [sflag:s28], $0x4000  }
0xaa: {  	[sflag:s28] =	ssyncset.done $0x0  }
0xab: {  	[sflag:s28] =	ssyncadd.s32 $0xFFFFC000  }
0xac: {  	_ =	swait.ge [sflag:s0], $0x4000  }
0xad: {  	[sflag:s0] =	ssyncset.done $0x0  }
0xae: {  	[sflag:s0] =	ssyncadd.s32 $0xFFFFC000  }
0xaf: {  	[tilespmem:s4], [sflag:$0x1] =	stream.indirect.gather [hbm4b:s3+s31], $0x80, s6, s31, $0xb8;
	[tilespmem:$0x1C780] =	vst v63  }
0xb0: {  	_ = 	snop  }
0xb1: {  	[spmem:s1] =	stream.indirect.scatter.add.f32 [tilespmem:s26], [sflag:$0x2], $0x80, s8, s31, $0xb8;
	[tilespmem:$0x1C780] =	vst v63  }
0xb2: {  	_ =	swait.ge [sflag:s28], $0x4000  }
0xb3: {  	[sflag:s28] =	ssyncset.done $0x0  }
0xb4: {  	[sflag:s28] =	ssyncadd.s32 $0xFFFFC000  }
0xb5: {  	_ =	swait.ge [sflag:s0], $0x4000  }
0xb6: {  	[sflag:s0] =	ssyncset.done $0x0  }
0xb7: {  	[sflag:s0] =	ssyncadd.s32 $0xFFFFC000  }
0xb8: {  	[tilespmem:s26], [sflag:$0x1] =	stream.indirect.gather [hbm4b:s3+s31], $0x80, s9, s31, $0xb8;
	[tilespmem:$0x1C780] =	vst v63  }
0xb9: {  	_ = 	snop  }
0xba: {  	[spmem:s1] =	stream.indirect.scatter.add.f32 [tilespmem:s4], [sflag:$0x2], $0x80, s10, s31, $0xb8;
	[tilespmem:$0x1C780] =	vst v63  }
0xbb: {  	_ =	swait.ge [sflag:s28], $0x4000  }
0xbc: {  	[sflag:s28] =	ssyncset.done $0x0  }
0xbd: {  	[sflag:s28] =	ssyncadd.s32 $0xFFFFC000  }
0xbe: {  	_ =	swait.ge [sflag:s0], $0x4000  }
0xbf: {  	[sflag:s0] =	ssyncset.done $0x0  }
0xc0: {  	[sflag:s0] =	ssyncadd.s32 $0xFFFFC000  }
0xc1: {  	[tilespmem:s4], [sflag:$0x1] =	stream.indirect.gather [hbm4b:s3+s31], $0x80, s11, s31, $0xb8;
	[tilespmem:$0x1C780] =	vst v63  }
0xc2: {  	_ = 	snop  }
0xc3: {  	[spmem:s1] =	stream.indirect.scatter.add.f32 [tilespmem:s26], [sflag:$0x2], $0x80, s12, s31, $0xb8;
	[tilespmem:$0x1C780] =	vst v63  }
0xc4: {  	_ =	swait.ge [sflag:s28], $0x4000  }
0xc5: {  	[sflag:s28] =	ssyncset.done $0x0  }
0xc6: {  	[sflag:s28] =	ssyncadd.s32 $0xFFFFC000  }
0xc7: {  	_ =	swait.ge [sflag:s0], $0x4000  }
.Ltmp0:
0xc8: {  	[sflag:s0] =	ssyncset.done $0x0;
	(pc) =	sbr.rel @p1 .LBB2_2-.Ltmp0, $4  }
0xc9: {  	[sflag:s0] =	ssyncadd.s32 $0xFFFFC000  }
0xca: {  	[spmem:s1] =	stream.indirect.scatter.add.f32 [tilespmem:s4], [sflag:$0x2], $0x80, s13, s31, $0xb8;
	[tilespmem:$0x1C780] =	vst v63  }
0xcb: {  	_ =	swait.ge [sflag:s28], $0x4000  }
0xcc: {  	s16 =	smov.u32 s17;
	[sflag:s28] =	ssyncset.done $0x0  }
0xcd: {  	s16 =	sadd.s32 s15, s20;
	[sflag:s28] =	ssyncadd.s32 $0xFFFFC000  }
0xce: {  	[tilespmem:s2], [sflag:$0x2] =	stream.linear.gather [hbm4b:s16+s2], $0x300, $0x38;
	[tilespmem:$0x1C780] =	vst v63  }
0xcf: {  	_ =	swait.ge [sflag:s28], $0x300  }
0xd0: {  	[sflag:s28] =	ssyncset.done $0x0  }
0xd1: {  	s17 =	sadd.s32 s15, s19;
	[sflag:s28] =	ssyncadd.s32 $0xFFFFFD00  }
0xd2: {  	[tilespmem:s30], [sflag:$0x2] =	stream.linear.gather [hbm4b:s17+s2], $0x300, $0x38;
	[tilespmem:$0x1C780] =	vst v63  }
0xd3: {  	_ =	swait.ge [sflag:s28], $0x300  }
0xd4: {  	[sflag:s28] =	ssyncset.done $0x0  }
0xd5: {  	[sflag:s28] =	ssyncadd.s32 $0xFFFFFD00  }
0xd6: {  	[tilespmem:s26], [sflag:$0x1] =	stream.indirect.gather [hbm4b:s3+s31], $0x80, s2, s31, $0xb8;
	[tilespmem:$0x1C780] =	vst v63  }
0xd7: {  	_ =	swait.ge [sflag:s0], $0x4000  }
0xd8: {  	[sflag:s0] =	ssyncset.done $0x0  }
0xd9: {  	[sflag:s0] =	ssyncadd.s32 $0xFFFFC000  }
0xda: {  	[tilespmem:s4], [sflag:$0x1] =	stream.indirect.gather [hbm4b:s3+s31], $0x80, s31, s31, $0xb8;
	[tilespmem:$0x1C780] =	vst v63  }
0xdb: {  	_ = 	snop  }
0xdc: {  	[spmem:s1] =	stream.indirect.scatter.add.f32 [tilespmem:s26], [sflag:$0x2], $0x80, s30, s31, $0xb8;
	[tilespmem:$0x1C780] =	vst v63  }
0xdd: {  	_ =	swait.ge [sflag:s28], $0x4000  }
0xde: {  	[sflag:s28] =	ssyncset.done $0x0  }
0xdf: {  	[sflag:s28] =	ssyncadd.s32 $0xFFFFC000  }
0xe0: {  	_ =	swait.ge [sflag:s0], $0x4000  }
0xe1: {  	[sflag:s0] =	ssyncset.done $0x0  }
0xe2: {  	[sflag:s0] =	ssyncadd.s32 $0xFFFFC000  }
0xe3: {  	[tilespmem:s26], [sflag:$0x1] =	stream.indirect.gather [hbm4b:s3+s31], $0x80, s29, s31, $0xb8;
	[tilespmem:$0x1C780] =	vst v63  }
0xe4: {  	_ = 	snop  }
0xe5: {  	[spmem:s1] =	stream.indirect.scatter.add.f32 [tilespmem:s4], [sflag:$0x2], $0x80, s5, s31, $0xb8;
	[tilespmem:$0x1C780] =	vst v63  }
0xe6: {  	_ =	swait.ge [sflag:s28], $0x4000  }
0xe7: {  	[sflag:s28] =	ssyncset.done $0x0  }
0xe8: {  	[sflag:s28] =	ssyncadd.s32 $0xFFFFC000  }
0xe9: {  	_ =	swait.ge [sflag:s0], $0x4000  }
0xea: {  	[sflag:s0] =	ssyncset.done $0x0  }
0xeb: {  	[sflag:s0] =	ssyncadd.s32 $0xFFFFC000  }
0xec: {  	[tilespmem:s4], [sflag:$0x1] =	stream.indirect.gather [hbm4b:s3+s31], $0x80, s6, s31, $0xb8;
	[tilespmem:$0x1C780] =	vst v63  }
0xed: {  	_ = 	snop  }
0xee: {  	[spmem:s1] =	stream.indirect.scatter.add.f32 [tilespmem:s26], [sflag:$0x2], $0x80, s8, s31, $0xb8;
	[tilespmem:$0x1C780] =	vst v63  }
0xef: {  	_ =	swait.ge [sflag:s28], $0x4000  }
0xf0: {  	[sflag:s28] =	ssyncset.done $0x0  }
0xf1: {  	[sflag:s28] =	ssyncadd.s32 $0xFFFFC000  }
0xf2: {  	_ =	swait.ge [sflag:s0], $0x4000  }
0xf3: {  	[sflag:s0] =	ssyncset.done $0x0  }
0xf4: {  	[sflag:s0] =	ssyncadd.s32 $0xFFFFC000  }
0xf5: {  	[tilespmem:s26], [sflag:$0x1] =	stream.indirect.gather [hbm4b:s3+s31], $0x80, s9, s31, $0xb8;
	[tilespmem:$0x1C780] =	vst v63  }
0xf6: {  	_ = 	snop  }
0xf7: {  	[spmem:s1] =	stream.indirect.scatter.add.f32 [tilespmem:s4], [sflag:$0x2], $0x80, s10, s31, $0xb8;
	[tilespmem:$0x1C780] =	vst v63  }
0xf8: {  	_ =	swait.ge [sflag:s28], $0x4000  }
0xf9: {  	[sflag:s28] =	ssyncset.done $0x0  }
0xfa: {  	[sflag:s28] =	ssyncadd.s32 $0xFFFFC000  }
0xfb: {  	_ =	swait.ge [sflag:s0], $0x4000  }
0xfc: {  	[sflag:s0] =	ssyncset.done $0x0  }
0xfd: {  	[sflag:s0] =	ssyncadd.s32 $0xFFFFC000  }
0xfe: {  	[tilespmem:s4], [sflag:$0x1] =	stream.indirect.gather [hbm4b:s3+s31], $0x80, s11, s31, $0xb8;
	[tilespmem:$0x1C780] =	vst v63  }
0xff: {  	_ = 	snop  }
0x100: {  	[spmem:s1] =	stream.indirect.scatter.add.f32 [tilespmem:s26], [sflag:$0x2], $0x80, s12, s31, $0xb8;
	[tilespmem:$0x1C780] =	vst v63  }
0x101: {  	_ =	swait.ge [sflag:s28], $0x4000  }
0x102: {  	[sflag:s28] =	ssyncset.done $0x0  }
0x103: {  	[sflag:s28] =	ssyncadd.s32 $0xFFFFC000  }
0x104: {  	_ =	swait.ge [sflag:s0], $0x4000  }
0x105: {  	[sflag:s0] =	ssyncset.done $0x0  }
0x106: {  	[sflag:s0] =	ssyncadd.s32 $0xFFFFC000  }
0x107: {  	[spmem:s1] =	stream.indirect.scatter.add.f32 [tilespmem:s4], [sflag:$0x2], $0x80, s13, s31, $0xb8;
	[tilespmem:$0x1C780] =	vst v63  }
0x108: {  	_ =	swait.ge [sflag:s28], $0x4000  }
0x109: {  	[sflag:s28] =	ssyncset.done $0x0  }
0x10a: {  	[sflag:s28] =	ssyncadd.s32 $0xFFFFC000  }
0x10b: {  	[bflag:$0x0] =	sbarrier.arrive $0xFFFF  }
0x10c: {  	[tilespmem:s26], [sflag:$0x2] =	stream.linear.gather [spmem:s7], $0x4000, $0x38;
	[tilespmem:$0x1C780] =	vst v63  }
0x10d: {  	_ =	swait.ge [sflag:s28], $0x4000  }
0x10e: {  	[sflag:s28] =	ssyncset.done $0x0  }
0x10f: {  	s18 =	rddreg [dreg:$0xb];
	[sflag:s28] =	ssyncadd.s32 $0xFFFFC000  }
0x110: {  	[hbm4b:s18+s2] =	stream.linear.scatter [tilespmem:s26], [sflag:$0x2], $0x4000, $0x38;
	[tilespmem:$0x1C780] =	vst v63  }
0x111: {  	_ =	swait.ge [sflag:s28], $0x4000  }
0x112: {  	[sflag:s28] =	ssyncset.done $0x0  }
0x113: {  	[sflag:s28] =	ssyncadd.s32 $0xFFFFC000  }
0x114: {  	[tilespmem:s26], [sflag:$0x2] =	stream.linear.gather [spmem:s22], $0x4000, $0x38;
	[tilespmem:$0x1C780] =	vst v63  }
0x115: {  	_ =	swait.ge [sflag:s28], $0x4000  }
0x116: {  	[sflag:s28] =	ssyncset.done $0x0  }
0x117: {  	s21 =	rddreg [dreg:$0xc];
	[sflag:s28] =	ssyncadd.s32 $0xFFFFC000  }
0x118: {  	[hbm4b:s21+s2] =	stream.linear.scatter [tilespmem:s26], [sflag:$0x2], $0x4000, $0x38;
	[tilespmem:$0x1C780] =	vst v63  }
0x119: {  	_ =	swait.ge [sflag:s28], $0x4000  }
0x11a: {  	[sflag:s28] =	ssyncset.done $0x0  }
0x11b: {  	[sflag:s28] =	ssyncadd.s32 $0xFFFFC000  }
0x11c: {  	[tilespmem:s26], [sflag:$0x2] =	stream.linear.gather [spmem:s23], $0x4000, $0x38;
	[tilespmem:$0x1C780] =	vst v63  }
0x11d: {  	_ =	swait.ge [sflag:s28], $0x4000  }
0x11e: {  	[sflag:s28] =	ssyncset.done $0x0  }
0x11f: {  	s16 =	rddreg [dreg:$0xd];
	[sflag:s28] =	ssyncadd.s32 $0xFFFFC000  }
0x120: {  	[hbm4b:s16+s2] =	stream.linear.scatter [tilespmem:s26], [sflag:$0x2], $0x4000, $0x38;
	[tilespmem:$0x1C780] =	vst v63  }
0x121: {  	_ =	swait.ge [sflag:s28], $0x4000  }
0x122: {  	[sflag:s28] =	ssyncset.done $0x0  }
0x123: {  	[sflag:s28] =	ssyncadd.s32 $0xFFFFC000  }
0x124: {  	[tilespmem:s26], [sflag:$0x2] =	stream.linear.gather [spmem:s24], $0x4000, $0x38;
	[tilespmem:$0x1C780] =	vst v63  }
0x125: {  	_ =	swait.ge [sflag:s28], $0x4000  }
0x126: {  	[sflag:s28] =	ssyncset.done $0x0  }
0x127: {  	s17 =	rddreg [dreg:$0xe];
	[sflag:s28] =	ssyncadd.s32 $0xFFFFC000  }
0x128: {  	[hbm4b:s17+s2] =	stream.linear.scatter [tilespmem:s26], [sflag:$0x2], $0x4000, $0x38;
	[tilespmem:$0x1C780] =	vst v63  }
0x129: {  	_ =	swait.ge [sflag:s28], $0x4000  }
0x12a: {  	[sflag:s28] =	ssyncset.done $0x0  }
0x12b: {  	[sflag:s28] =	ssyncadd.s32 $0xFFFFC000  }
0x12c: {  	[tilespmem:s26], [sflag:$0x2] =	stream.linear.gather [spmem:s25], $0x4000, $0x38;
	[tilespmem:$0x1C780] =	vst v63  }
0x12d: {  	_ =	swait.ge [sflag:s28], $0x4000  }
0x12e: {  	[sflag:s28] =	ssyncset.done $0x0  }
0x12f: {  	s18 =	rddreg [dreg:$0xf];
	[sflag:s28] =	ssyncadd.s32 $0xFFFFC000  }
0x130: {  	[hbm4b:s18+s2] =	stream.linear.scatter [tilespmem:s26], [sflag:$0x2], $0x4000, $0x38;
	[tilespmem:$0x1C780] =	vst v63  }
0x131: {  	_ =	swait.ge [sflag:s28], $0x4000  }
0x132: {  	s14 =	sadd.s32 $0x1, s14;
	s21 =	rddreg [dreg:$0x8]  }
0x133: {  	p1 =	sne.s32 s14, s21  }
.Ltmp1:
0x134: {  	_ = 	snop;
	(pc) =	sbr.rel @p1 .LBB2_1-.Ltmp1, $3  }
0x135: {  	_ =	sdelay $0x1  }
0x136: {  	[sflag:s28] =	ssyncset.done $0x0  }
0x137: {  	[sflag:s28] =	ssyncadd.s32 $0xFFFFC000  }
0x138: {  	_ =	sfence.sel $0x180000  }
0x139: {  	[bflag:$0x0] =	sbarrier.arrive $0xFFFF  }
0x13a: {  	_ =	strace $0x9000004D  }
0x13b: {  	s0 =	stileid.u32;
	[bflag:$0x2] =	sbarrier.arrive $0xFFFF  }
0x13c: {  	p0 =	sne.s32 s0, $0x0;
	s0 =	rddreg [dreg:$0x3]  }
0x13d: {  	s0 =	sadd.s32 @!p0 $0x100000, s0  }
0x13e: {  	[sflag:s0] =	ssyncadd.tile.s32 @!p0 $0x1;
	_ =	shalt  }
.Lfunc_end2:
_tile_overlayer_lowered:
.L_overlay_start_2:
0x13f: {  	(tag) =	ssettag $0x2  }
0x140: {  	s0 =	rddreg [dreg:$0x0];
	s2 =	stileid.u32  }
0x141: {  	s1 =	rddreg [dreg:$0x1];
	p0 =	sne.s32 s2, $0x0  }
0x142: {  	s3 =	rddreg [dreg:$0x2];
	[bflag:$0x3] =	sbarrier.arrive $0xFFFF;
	s2 =	simm.s32 @!p0 $0x1C02  }
0x143: {  	[timem:s3], [sflag:s2] =	dma.local @!p0 [hbm:s0], s1  }
0x144: {  	s0 =	simm.s32 @!p0 $0x2  }
0x145: {  	_ =	swait.ge @!p0 [sflag:s0], s1  }
0x146: {  	s1 =	ssub.s32 @!p0 $0x0, s1;
	[sflag:s0] =	ssyncset.done @!p0 $0x0  }
0x147: {  	[sflag:s0] =	ssyncadd.s32 @!p0 s1  }
0x148: {  	[bflag:$0x3] =	sbarrier.arrive $0xFFFF  }
0x149: {  	_ =	shalt  }

// kernel: kernel.8.cloned.1.call-start
scs
__scs_entry_jumppad:
0x0: {  	(pc) =	sbr.rel $0x88, $3  }
0x1: {  	(tag) =	ssettag $0x0;
	lr =	simm.s32 $0x1  }
0x2: {  	[smem:$0x3F8D] =	sst lr;
	_ =	strace $0xD0000000  }
0x3: {  	_ = 	snop  }
0x4: {  	_ = 	snop  }
0x5: {  	_ = 	snop  }
0x6: {  	_ = 	snop  }
0x7: {  	_ = 	snop  }
__scs_overlays_trampoline_lowered:
0x8: {  	[smem:$0x3F9C] =	sst s0  }
0x9: {  	[smem:$0x3F9D] =	sst s1  }
0xa: {  	[smem:$0x3F9E] =	sst s2  }
0xb: {  	[smem:$0x3F9F] =	sst s3  }
0xc: {  	[smem:$0x3FA0] =	sst s4  }
0xd: {  	[smem:$0x3FA1] =	sst s5  }
0xe: {  	[smem:$0x3FA2] =	sst s6  }
0xf: {  	[smem:$0x3FA3] =	sst s7  }
0x10: {  	[smem:$0x3FA4] =	sst s8  }
0x11: {  	[smem:$0x3FA5] =	sst s9;
	s0 =	simm.s32 @!p0 $0x0  }
0x12: {  	s1 =	sld [smem:$0x3F8B];
	s0 =	simm.s32 @p0 $0x1  }
0x13: {  	[smem:$0x3FA6] =	sst s0;
	s0 =	simm.s32 @!p1 $0x0  }
0x14: {  	s2 =	sld [smem:$0x3F8A];
	s0 =	simm.s32 @p1 $0x1  }
0x15: {  	[smem:$0x3FA7] =	sst s0;
	s0 =	simm.s32 @!p2 $0x0  }
0x16: {  	s3 =	sld [smem:$0x3FDB];
	s0 =	simm.s32 @p2 $0x1  }
0x17: {  	s4 =	simm.s32 $0x1BF5;
	[smem:$0x3FA9] =	sst s0  }
0x18: {  	s0 =	sld [smem:$0x3F8C];
	_ =	swait.ge [sflag:s4], $0x0  }
0x19: {  	s7 =	sld [smem:$0x3F8D]  }
0x1a: {  	s8 =	sadd.s32 $0xFFFFE003, lr  }
0x1b: {  	s9 =	sadd.s32 $0xFFFFFEF7, lr;
	s5 =	simm.s32 $0xFFFFFFFF;
	p2 =	slt.u32 s8, $0xFFFFF086  }
0x1c: {  	p1 =	slt.u32 s9, $0xF7A;
	s5 =	simm.s32 @!p2 $0x0  }
0x1d: {  	s5 =	simm.s32 @p1 $0x1;
	p0 =	seq.s32 s7, s2  }
0x1e: {  	s7 =	smul.u32 @!p0 $0xF7A, s2;
	p2 =	seq.s32 @!p0 s5, $0x0  }
0x1f: {  	s9 =	smul.u32 $0xF7A, s1;
	s8 =	simm.s32 @!p0 $0x1BF5;
	p2 =	por !p2, p0  }
0x20: {  	[sflag:s8] =	ssyncset.s32 @!p0 $0xFFFFF086;
	s6 =	sadd.s32 @!p0 s3, s7;
	s7 =	simm.s32 @!p0 $0x108  }
0x21: {  	s3 =	sadd.s32 s3, s9;
	s6 =	sadd.s32 @!p0 $0x88, s6;
	s7 =	simm.s32 @p2 $0x1082  }
0x22: {  	[simem:s7], [sflag:s8] =	dma.local @!p0 [hbm:s6], $0xF7A  }
0x23: {  	s9 =	sor.u32 $0xD0000000, s2;
	s6 =	simm.s32 $0x108;
	_ =	swait.ge @!p0 [sflag:s8], $0x0  }
0x24: {  	s3 =	sadd.s32 $0x88, s3;
	s6 =	simm.s32 @!p1 $0x1082;
	[sflag:s4] =	ssyncset.s32 $0xFFFFF086  }
0x25: {  	[simem:s6], [sflag:s4] =	dma.local [hbm:s3], $0xF7A  }
0x26: {  	[smem:$0x3F8D] =	sst s1;
	(tag) =	ssettag s2;
	_ =	strace s9  }
0x27: {  	s1 =	sld [smem:$0x3F9D]  }
0x28: {  	s2 =	sld [smem:$0x3F9E]  }
0x29: {  	s4 =	sld [smem:$0x3FA0]  }
0x2a: {  	p0 =	seq.s32 s5, $0x0;
	s5 =	sld [smem:$0x3FA1]  }
0x2b: {  	s6 =	sld [smem:$0x3FA2]  }
0x2c: {  	s7 =	sld [smem:$0x3FA3]  }
0x2d: {  	s3 =	simm.s32 $0x108;
	s8 =	sld [smem:$0x3FA4]  }
0x2e: {  	s3 =	simm.s32 @!p0 $0x1082;
	s9 =	sld [smem:$0x3FA5]  }
0x2f: {  	lr =	sadd.s32 s0, s3;
	s0 =	sld [smem:$0x3F9C]  }
0x30: {  	s3 =	sld [smem:$0x3F9F]  }
0x31: {  	[smem:$0x3FA8] =	sst s10  }
0x32: {  	s10 =	sld [smem:$0x3FA6];
	_ =	sdelay $0x3  }
0x33: {  	p0 =	seq.s32 s10, $0x1;
	s10 =	sld [smem:$0x3FA8];
	_ =	sdelay $0x3  }
0x34: {  	[smem:$0x3FA8] =	sst s10  }
0x35: {  	s10 =	sld [smem:$0x3FA7];
	_ =	sdelay $0x3  }
0x36: {  	p1 =	seq.s32 s10, $0x1;
	s10 =	sld [smem:$0x3FA8];
	_ =	sdelay $0x3  }
0x37: {  	[smem:$0x3FA8] =	sst s10  }
0x38: {  	s10 =	sld [smem:$0x3FA9]  }
0x39: {  	_ = 	snop;
	(pc) =	sbr.ind lr, $3  }
0x3a: {  	_ = 	snop  }
0x3b: {  	_ = 	snop  }
0x3c: {  	p2 =	seq.s32 s10, $0x1;
	s10 =	sld [smem:$0x3FA8]  }
0x3d: {  	_ =	shalt  }
0x3e: {  	_ =	shalt  }
0x3f: {  	_ =	shalt  }
0x40: {  	_ =	shalt  }
0x41: {  	_ =	shalt  }
0x42: {  	_ =	shalt  }
0x43: {  	_ =	shalt  }
0x44: {  	_ =	shalt  }
0x45: {  	_ =	shalt  }
0x46: {  	_ =	shalt  }
0x47: {  	_ =	shalt  }
0x48: {  	_ =	shalt  }
0x49: {  	_ =	shalt  }
0x4a: {  	_ =	shalt  }
0x4b: {  	_ =	shalt  }
0x4c: {  	_ =	shalt  }
0x4d: {  	_ =	shalt  }
0x4e: {  	_ =	shalt  }
0x4f: {  	_ =	shalt  }
0x50: {  	_ =	shalt  }
0x51: {  	_ =	shalt  }
0x52: {  	_ =	shalt  }
0x53: {  	_ =	shalt  }
0x54: {  	_ =	shalt  }
0x55: {  	_ =	shalt  }
0x56: {  	_ =	shalt  }
0x57: {  	_ =	shalt  }
0x58: {  	_ =	shalt  }
0x59: {  	_ =	shalt  }
0x5a: {  	_ =	shalt  }
0x5b: {  	_ =	shalt  }
0x5c: {  	_ =	shalt  }
0x5d: {  	_ =	shalt  }
0x5e: {  	_ =	shalt  }
0x5f: {  	_ =	shalt  }
0x60: {  	_ =	shalt  }
0x61: {  	_ =	shalt  }
0x62: {  	_ =	shalt  }
0x63: {  	_ =	shalt  }
0x64: {  	_ =	shalt  }
0x65: {  	_ =	shalt  }
0x66: {  	_ =	shalt  }
0x67: {  	_ =	shalt  }
0x68: {  	_ =	shalt  }
0x69: {  	_ =	shalt  }
0x6a: {  	_ =	shalt  }
0x6b: {  	_ =	shalt  }
0x6c: {  	_ =	shalt  }
0x6d: {  	_ =	shalt  }
0x6e: {  	_ =	shalt  }
0x6f: {  	_ =	shalt  }
0x70: {  	_ =	shalt  }
0x71: {  	_ =	shalt  }
0x72: {  	_ =	shalt  }
0x73: {  	_ =	shalt  }
0x74: {  	_ =	shalt  }
0x75: {  	_ =	shalt  }
0x76: {  	_ =	shalt  }
0x77: {  	_ =	shalt  }
0x78: {  	_ =	shalt  }
0x79: {  	_ =	shalt  }
0x7a: {  	_ =	shalt  }
0x7b: {  	_ =	shalt  }
0x7c: {  	_ =	shalt  }
0x7d: {  	_ =	shalt  }
0x7e: {  	_ =	shalt  }
0x7f: {  	_ =	shalt  }
0x80: {  	_ =	shalt  }
0x81: {  	_ =	shalt  }
0x82: {  	_ =	shalt  }
0x83: {  	_ =	shalt  }
0x84: {  	_ =	shalt  }
0x85: {  	_ =	shalt  }
0x86: {  	_ =	shalt  }
0x87: {  	_ =	shalt  }
.Lfunc_end0:
.L_simem_size_0:
called_computation_lowered:
.L_overlay_start_0:
0x88: {  	s2 =	sld [smem:$0x3FD9]  }
0x89: {  	s3 =	sld [smem:$0x3FFE];
	_ =	sdelay $0x1  }
0x8a: {  	s1 =	srdreg.scid  }
0x8b: {  	s0 =	sand.u32 $0x1, s1  }
0x8c: {  	s17 =	sshll.u32 s0, $0xA;
	s2 =	sadd.s32 s3, s2  }
0x8d: {  	s2 =	sadd.s32 s2, s17  }
0x8e: {  	[smem:$0x3FB4] =	sst s2  }
0x8f: {  	_ = 	snop  }
0x90: {  	s2 =	sld [smem:$0x3FC9]  }
0x91: {  	s18 =	sld [smem:$0x3FD0];
	(tm) =	ssettm $0x1  }
0x92: {  	s4 =	sld [smem:$0x3FFB];
	_ =	sdelay $0x3  }
0x93: {  	_ =	strace s4  }
0x94: {  	s4 =	sld [smem:$0x3FFC];
	_ =	sdelay $0x3  }
0x95: {  	_ =	strace s4  }
0x96: {  	s4 =	sld [smem:$0x3FFD];
	_ =	sdelay $0x3  }
0x97: {  	_ =	strace s4  }
0x98: {  	_ =	strace $0x8FFFFFFF  }
0x99: {  	s19 =	sld [smem:$0x3FDB];
	_ =	sdelay $0x1  }
0x9a: {  	s5 =	simm.s32 $_scs_section_size  }
0x9b: {  	s6 =	simm.s32 $_size__tile_overlayer_lowered;
	s7 =	simm.s32 $_tile_overlayer_lowered  }
0x9c: {  	s22 =	simm.s32 $0x1BFF;
	s21 =	sshll.u32 s7, $0x1;
	s4 =	sadd.s32 s5, s19  }
0x9d: {  	s8 =	simm.s32 $0x0;
	s20 =	sshll.u32 s6, $0x1;
	s6 =	sadd.s32 s21, s4  }
0x9e: {  	[timem:s8], [sflag:s22] =	dma.local [hbm:s6], s20  }
0x9f: {  	_ =	swait.ge [sflag:s22], s20  }
0xa0: {  	s5 =	ssub.s32 $0x0, s20;
	[sflag:s22] =	ssyncset.done $0x0  }
0xa1: {  	[sflag:s22] =	ssyncadd.s32 s5;
	_ =	sdelay $0x1  }
0xa2: {  	s23 =	simm.s32 $0x1B8B  }
0xa3: {  	_ =	swait.ge [sflag:s23], $0x1  }
0xa4: {  	[sflag:s23] =	ssyncset.done $0x0  }
0xa5: {  	s25 =	simm.s32 $0x1B8E;
	s24 =	sld [smem:$0x3FFE];
	[sflag:s23] =	ssyncadd.s32 $0xFFFFFFFF  }
0xa6: {  	s26 =	simm.s32 $execute0_lowered;
	[smem:$0x3FD2] =	sst s25  }
0xa7: {  	s6 =	sshll.u32 s26, $0x1;
	_ =	strace $0x80000046;
	[dreg:$0x1] =	wrdreg $0xFFFFFFFF  }
0xa8: {  	s28 =	simm.s32 $_size_execute0_lowered;
	s4 =	sadd.s32 s4, s6;
	[dreg:$0x0] =	wrdreg $0x0  }
0xa9: {  	s6 =	sshll.u32 s28, $0x1;
	[dreg:$0x2] =	wrdreg s4  }
0xaa: {  	[dreg:$0x3] =	wrdreg s6  }
0xab: {  	[dreg:$0x4] =	wrdreg $0xC0  }
0xac: {  	_ =	task [dreg:s8], $0x5FFFF  }
0xad: {  	[dreg:$0x1] =	wrdreg $0xFFFFFFFF  }
0xae: {  	[dreg:$0x0] =	wrdreg $0x60  }
0xaf: {  	[dreg:$0x2] =	wrdreg s2  }
0xb0: {  	[dreg:$0x3] =	wrdreg s24  }
0xb1: {  	[dreg:$0x4] =	wrdreg s18  }
0xb2: {  	[dreg:$0x5] =	wrdreg $0x8A000  }
0xb3: {  	[dreg:$0x6] =	wrdreg $0x1CA000  }
0xb4: {  	[dreg:$0x7] =	wrdreg $0x9  }
0xb5: {  	_ =	task.clear_ibuf [dreg:s8], $0x8FFFF;
	_ =	strace $0x90000046  }
0xb6: {  	s29 =	simm.s32 $0x9;
	_ =	strace $0x80000048  }
0xb7: {  	_ =	swait.ge [sflag:s29], $0x1  }
0xb8: {  	[sflag:s29] =	ssyncadd.s32 $0xFFFFFFFF  }
0xb9: {  	_ =	strace $0x90000048  }
0xba: {  	_ =	sfence  }
0xbb: {  	s30 =	sld [smem:$0x0];
	_ =	sdelay $0x2  }
0xbc: {  	s31 =	sshll.u32 s1, $0xD;
	s1 =	sshrl.u32 s1, $0x2  }
0xbd: {  	s3 =	sand.u32 $0x4000, s31;
	s1 =	sadd.s32 s1, s30  }
0xbe: {  	s0 =	sor.u32 s3, s0;
	s1 =	sshll.u32 s1, $0x11  }
0xbf: {  	s0 =	sor.u32 s1, s0  }
0xc0: {  	s0 =	sadd.s32 $0x8F2B, s0  }
0xc1: {  	[sflag:s0] =	ssyncadd.remote.s32 $0x1  }
0xc2: {  	_ =	sfence.sel $0xFFFF  }
0xc3: {  	[dreg:$0x0] =	wrdreg $0xFFFFFFFF;
	(pc) =	sbr.abs _section_cstart, $3  }
0xc4: {  	[dreg:$0x1] =	wrdreg $0xFFFFFFFF  }
0xc5: {  	_ =	task.clear_ibuf [dreg:s8], $0x2FFFF;
	_ =	strace $0x9FFFFFFF  }
0xc6: {  	(tm) =	ssettm $0x7FFFFFFF  }
0xc7: {  	_ =	shalt  }
tec
execute0_lowered:
.L_overlay_start_1:
0x0: {  	(tag) =	ssettag $0x1  }
0x1: {  	s1 =	rddreg [dreg:$0x0]  }
0x2: {  	s0 =	rddreg [dreg:$0x1]  }
0x3: {  	s3 =	rddreg [dreg:$0x2];
	s4 =	srdreg.scid  }
0x4: {  	s21 =	stileid.u32;
	s2 =	rddreg [dreg:$0x3]  }
0x5: {  	s30 =	simm.s32 $0x700;
	s31 =	simm.s32 $0x2;
	s5 =	smul.u32 $0x500, s21  }
0x6: {  	s4 =	sand.u32 $0x1, s4;
	s6 =	sadd.s32 $0x4200, s0;
	s9 =	smul.u32 $0x280, s21  }
0x7: {  	s7 =	sadd.s32 $0xF400, s0;
	s11 =	sshll.u32 s21, $0x5;
	s13 =	smul.u32 $0x14000, s21  }
0x8: {  	p0 =	sgt.u32 s21, $0x1;
	s8 =	sshll.u32 s4, $0x7;
	s25 =	smul.u32 $0x140000, s4  }
0x9: {  	s23 =	ssub.s32 $0x2, s4;
	s12 =	sshll.u32 s4, $0x4;
	s4 =	smul.u32 $0x2700, s4  }
0xa: {  	s5 =	sor.u32 s8, s5;
	s10 =	sshrl.u32 s23, $0x1;
	s24 =	sor.u32 s12, s11  }
0xb: {  	s11 =	sadd.s32 $0x80, s9;
	s16 =	sadd.s32 $0x100, s9;
	s17 =	sadd.s32 $0x180, s9  }
0xc: {  	s22 =	sadd.s32 $0x200, s9;
	s10 =	ssub.s32 s23, s10;
	s12 =	sor.u32 $0x9C00, s24  }
0xd: {  	s15 =	sshll.u32 s11, $0x7;
	s18 =	sshll.u32 s16, $0x7;
	s20 =	sshll.u32 s17, $0x7  }
0xe: {  	s24 =	sshll.u32 s22, $0x7;
	s13 =	sadd.s32 s25, s13;
	s23 =	smul.u32 $0x4E00, s21  }
0xf: {  	s5 =	sshrl.u32 s5, $0x3;
	s14 =	sadd.s32 s25, s15;
	s13 =	sshrl.u32 s13, $0x3  }
0x10: {  	s19 =	sadd.s32 s25, s18;
	s8 =	sadd.s32 s25, s24;
	s10 =	smax.u32 s10, $0x1  }
0x11: {  	s29 =	sadd.s32 s15, s2;
	s15 =	sadd.s32 s18, s2;
	s14 =	sshrl.u32 s14, $0x3  }
0x12: {  	s13 =	sadd.s32 s7, s13;
	s28 =	sshrl.u32 s19, $0x3;
	s19 =	sadd.s32 s25, s20  }
0x13: {  	s8 =	sshrl.u32 s8, $0x3;
	s4 =	sadd.s32 s4, s23;
	s20 =	sadd.s32 s20, s2  }
0x14: {  	[dreg:$0x6] =	wrdreg s13;
	s26 =	sadd.s32 s7, s14;
	s14 =	sshrl.u32 s19, $0x3  }
0x15: {  	s13 =	sadd.s32 s7, s28;
	s28 =	sadd.s32 s3, s12;
	[dreg:$0x7] =	wrdreg s26  }
0x16: {  	s4 =	sshrl.u32 s4, $0x3;
	[dreg:$0x8] =	wrdreg s13;
	s25 =	sadd.s32 s7, s14  }
0x17: {  	s7 =	sadd.s32 s7, s8;
	s8 =	rddreg [dreg:$0x4];
	s26 =	sadd.s32 s6, s12  }
0x18: {  	[dreg:$0xc] =	wrdreg s28;
	s12 =	simm.s32 $0x0;
	s13 =	sadd.s32 s4, s3  }
0x19: {  	s14 =	sadd.s32 s4, s6;
	s6 =	smul.u32 $0x50000, s21;
	[dreg:$0x9] =	wrdreg s25  }
0x1a: {  	s3 =	sadd.s32 s5, s0;
	s21 =	smov.u32 s15;
	[dreg:$0xa] =	wrdreg s7  }
0x1b: {  	s4 =	simm.s32 $0x1;
	s5 =	simm.s32 $0x4700;
	[dreg:$0xb] =	wrdreg s26  }
0x1c: {  	s15 =	simm.s32 $0x200;
	[smem:$0x7FF] =	sst s12;
	s7 =	sadd.s32 $0xE000, s0  }
0x1d: {  	s0 =	sadd.s32 $0xE800, s0;
	_ =	strace $0x80000047;
	[dreg:$0xd] =	wrdreg s7  }
0x1e: {  	s19 =	sadd.s32 s9, s8;
	s3 =	sadd.s32 $0xEA00, s3;
	[dreg:$0xe] =	wrdreg s0  }
0x1f: {  	s11 =	sadd.s32 s11, s8;
	s18 =	sadd.s32 s16, s8;
	[dreg:$0xf] =	wrdreg s3  }
0x20: {  	s26 =	sadd.s32 s17, s8;
	s25 =	sadd.s32 s24, s2;
	[dreg:$0x10] =	wrdreg s10  }
0x21: {  	s24 =	smov.u32 s20;
	s28 =	sadd.s32 s22, s8;
	[dreg:$0x11] =	wrdreg s11  }
0x22: {  	s16 =	simm.s32 $0x480;
	s20 =	simm.s32 $0x500;
	[dreg:$0x13] =	wrdreg s18  }
0x23: {  	s22 =	simm.s32 $0x580;
	s9 =	sshrl.u32 s6, $0x2;
	[dreg:$0x15] =	wrdreg s26  }
0x24: {  	[dreg:$0x18] =	wrdreg s28;
	s11 =	simm.s32 $0x8700;
	s0 =	simm.s32 $0x300  }
0x25: {  	s3 =	simm.s32 $0x80;
	s6 =	simm.s32 $0x100;
	[dreg:$0x12] =	wrdreg s21  }
0x26: {  	s7 =	simm.s32 $0x380;
	s10 =	simm.s32 $0x400;
	[dreg:$0x14] =	wrdreg s24  }
0x27: {  	s18 =	simm.s32 $0x280;
	[dreg:$0x16] =	wrdreg s25;
	s23 =	sadd.s32 s9, s2  }
0x28: {  	s26 =	simm.s32 $0x0;
	s9 =	simm.s32 $0x180;
	[dreg:$0x17] =	wrdreg s23  }
.LBB2_1:
0x29: {  	s17 =	rddreg [dreg:$0xd]  }
0x2a: {  	[tilespmem:s30], [sflag:$0x2] =	stream.linear.gather [hbm4b:s17+s12], $0x4000, $0x38;
	[tilespmem:$0x1CC80] =	vst v63  }
0x2b: {  	_ =	swait.ge [sflag:s31], $0x4000  }
0x2c: {  	[sflag:s31] =	ssyncset.done $0x0  }
0x2d: {  	s17 =	rddreg [dreg:$0xe];
	[sflag:s31] =	ssyncadd.s32 $0xFFFFC000  }
0x2e: {  	[tilespmem:s11], [sflag:$0x2] =	stream.linear.gather [hbm4b:s17+s12], $0x80, $0x38;
	[tilespmem:$0x1CC80] =	vst v63  }
0x2f: {  	_ =	swait.ge [sflag:s31], $0x80  }
0x30: {  	[sflag:s31] =	ssyncset.done $0x0  }
0x31: {  	[sflag:s31] =	ssyncadd.s32 $0xFFFFFF80  }
0x32: {  	[spmem:s23] =	stream.linear.scatter [tilespmem:s30], [sflag:$0x2], $0x4000, $0x38;
	[tilespmem:$0x1CC80] =	vst v63  }
0x33: {  	_ =	swait.ge [sflag:s31], $0x4000  }
0x34: {  	[sflag:s31] =	ssyncset.done $0x0  }
0x35: {  	[sflag:s31] =	ssyncadd.s32 $0xFFFFC000  }
0x36: {  	[spmem:s19] =	stream.linear.scatter [tilespmem:s30], [sflag:$0x2], $0x80, $0x38;
	[tilespmem:$0x1CC80] =	vst v63  }
0x37: {  	_ =	swait.ge [sflag:s31], $0x80  }
0x38: {  	[sflag:s31] =	ssyncset.done $0x0  }
0x39: {  	[sflag:s31] =	ssyncadd.s32 $0xFFFFFF80  }
0x3a: {  	[spmem:s29] =	stream.linear.scatter [tilespmem:s30], [sflag:$0x2], $0x4000, $0x38;
	[tilespmem:$0x1CC80] =	vst v63  }
0x3b: {  	_ =	swait.ge [sflag:s31], $0x4000  }
0x3c: {  	[sflag:s31] =	ssyncset.done $0x0  }
0x3d: {  	s23 =	smov.u32 s19;
	s19 =	rddreg [dreg:$0x11];
	[sflag:s31] =	ssyncadd.s32 $0xFFFFC000  }
0x3e: {  	[spmem:s19] =	stream.linear.scatter [tilespmem:s30], [sflag:$0x2], $0x80, $0x38;
	[tilespmem:$0x1CC80] =	vst v63  }
0x3f: {  	_ =	swait.ge [sflag:s31], $0x80  }
0x40: {  	[sflag:s31] =	ssyncset.done $0x0  }
0x41: {  	[sflag:s31] =	ssyncadd.s32 $0xFFFFFF80  }
0x42: {  	[spmem:s21] =	stream.linear.scatter [tilespmem:s30], [sflag:$0x2], $0x4000, $0x38;
	[tilespmem:$0x1CC80] =	vst v63  }
0x43: {  	_ =	swait.ge [sflag:s31], $0x4000  }
0x44: {  	[sflag:s31] =	ssyncset.done $0x0  }
0x45: {  	s21 =	rddreg [dreg:$0x13];
	[sflag:s31] =	ssyncadd.s32 $0xFFFFC000  }
0x46: {  	[spmem:s21] =	stream.linear.scatter [tilespmem:s30], [sflag:$0x2], $0x80, $0x38;
	[tilespmem:$0x1CC80] =	vst v63  }
0x47: {  	_ =	swait.ge [sflag:s31], $0x80  }
0x48: {  	[sflag:s31] =	ssyncset.done $0x0  }
0x49: {  	[sflag:s31] =	ssyncadd.s32 $0xFFFFFF80  }
0x4a: {  	[spmem:s24] =	stream.linear.scatter [tilespmem:s30], [sflag:$0x2], $0x4000, $0x38;
	[tilespmem:$0x1CC80] =	vst v63  }
0x4b: {  	_ =	swait.ge [sflag:s31], $0x4000  }
0x4c: {  	[sflag:s31] =	ssyncset.done $0x0  }
0x4d: {  	s19 =	rddreg [dreg:$0x15];
	[sflag:s31] =	ssyncadd.s32 $0xFFFFC000  }
0x4e: {  	[spmem:s19] =	stream.linear.scatter [tilespmem:s30], [sflag:$0x2], $0x80, $0x38;
	[tilespmem:$0x1CC80] =	vst v63  }
0x4f: {  	_ =	swait.ge [sflag:s31], $0x80  }
0x50: {  	[sflag:s31] =	ssyncset.done $0x0  }
0x51: {  	[sflag:s31] =	ssyncadd.s32 $0xFFFFFF80  }
0x52: {  	[spmem:s25] =	stream.linear.scatter [tilespmem:s30], [sflag:$0x2], $0x4000, $0x38;
	[tilespmem:$0x1CC80] =	vst v63  }
0x53: {  	_ =	swait.ge [sflag:s31], $0x4000  }
0x54: {  	[sflag:s31] =	ssyncset.done $0x0  }
0x55: {  	s21 =	rddreg [dreg:$0x18];
	[sflag:s31] =	ssyncadd.s32 $0xFFFFC000  }
0x56: {  	[spmem:s21] =	stream.linear.scatter [tilespmem:s30], [sflag:$0x2], $0x80, $0x38;
	[tilespmem:$0x1CC80] =	vst v63  }
0x57: {  	_ =	swait.ge [sflag:s31], $0x80  }
0x58: {  	[sflag:s31] =	ssyncset.done $0x0  }
0x59: {  	[sflag:s31] =	ssyncadd.s32 $0xFFFFFF80  }
0x5a: {  	s28 =	smov.u32 s29;
	s17 =	simm.s32 @!p0 $0x0;
	[bflag:$0x0] =	sbarrier.arrive $0xFFFF  }
0x5b: {  	s29 =	simm.s32 @!p0 $0x2;
	s24 =	simm.s32 @!p0 $0x600;
	s19 =	rddreg [dreg:$0xb]  }
0x5c: {  	[tilespmem:s24], [sflag:$0x2] =	stream.linear.gather @!p0 [hbm4b:s19+s17], $0x80, $0x38;
	[tilespmem:$0x1CC80] =	vst v63  }
0x5d: {  	_ =	swait.ge @!p0 [sflag:s29], $0x80  }
0x5e: {  	[sflag:s29] =	ssyncset.done @!p0 $0x0  }
0x5f: {  	s19 =	simm.s32 @!p0 $0x680;
	s21 =	rddreg [dreg:$0xc];
	[sflag:s29] =	ssyncadd.s32 @!p0 $0xFFFFFF80  }
0x60: {  	[tilespmem:s19], [sflag:$0x2] =	stream.linear.gather @!p0 [hbm4b:s21+s17], $0x80, $0x38;
	[tilespmem:$0x1CC80] =	vst v63  }
0x61: {  	_ =	swait.ge @!p0 [sflag:s29], $0x80  }
0x62: {  	[sflag:s29] =	ssyncset.done @!p0 $0x0  }
0x63: {  	s17 =	simm.s32 @!p0 $0x80;
	s21 =	simm.s32 @!p0 $0x700;
	[sflag:s29] =	ssyncadd.s32 @!p0 $0xFFFFFF80  }
0x64: {  	[tilespmem:s21], [sflag:$0x1] =	stream.indirect.gather @!p0 [hbm4b:s1+s17], $0x80, s24, s17, $0xb8;
	[tilespmem:$0x1CC80] =	vst v63  }
0x65: {  	s24 =	simm.s32 @!p0 $0x1  }
0x66: {  	_ =	swait.ge @!p0 [sflag:s24], $0x4000  }
0x67: {  	[sflag:s24] =	ssyncset.done @!p0 $0x0  }
0x68: {  	[sflag:s24] =	ssyncadd.s32 @!p0 $0xFFFFC000  }
0x69: {  	[spmem:s2] =	stream.indirect.scatter.add.f32 @!p0 [tilespmem:s21], [sflag:$0x2], $0x80, s19, s17, $0xb8;
	[tilespmem:$0x1CC80] =	vst v63  }
0x6a: {  	_ =	swait.ge @!p0 [sflag:s29], $0x4000  }
0x6b: {  	[sflag:s29] =	ssyncset.done @!p0 $0x0  }
0x6c: {  	s21 =	simm.s32 @!p0 $0x8700;
	[sflag:s29] =	ssyncadd.s32 @!p0 $0xFFFFC000  }
0x6d: {  	[spmem:s8] =	stream.indirect.scatter.add.f32 @!p0 [tilespmem:s21], [sflag:$0x2], $0x1, s19, s17, $0xb8;
	[tilespmem:$0x1CC80] =	vst v63  }
0x6e: {  	_ =	swait.ge @!p0 [sflag:s29], $0x80  }
0x6f: {  	[sflag:s29] =	ssyncset.done @!p0 $0x0  }
0x70: {  	s24 =	sadd.s32 $0x0, s14;
	[sflag:s29] =	ssyncadd.s32 @!p0 $0xFFFFFF80  }
0x71: {  	[tilespmem:s12], [sflag:$0x2] =	stream.linear.gather [hbm4b:s24+s12], $0x300, $0x38;
	[tilespmem:$0x1CC80] =	vst v63  }
0x72: {  	_ =	swait.ge [sflag:s31], $0x300  }
0x73: {  	[sflag:s31] =	ssyncset.done $0x0  }
0x74: {  	s25 =	sadd.s32 $0x0, s13;
	[sflag:s31] =	ssyncadd.s32 $0xFFFFFD00  }
0x75: {  	[tilespmem:s0], [sflag:$0x2] =	stream.linear.gather [hbm4b:s25+s12], $0x300, $0x38;
	[tilespmem:$0x1CC80] =	vst v63  }
0x76: {  	_ =	swait.ge [sflag:s31], $0x300  }
0x77: {  	[sflag:s31] =	ssyncset.done $0x0  }
0x78: {  	[sflag:s31] =	ssyncadd.s32 $0xFFFFFD00  }
0x79: {  	[tilespmem:s30], [sflag:$0x1] =	stream.indirect.gather [hbm4b:s1+s3], $0x80, s12, s3, $0xb8;
	[tilespmem:$0x1CC80] =	vst v63  }
0x7a: {  	_ =	swait.ge [sflag:s4], $0x4000  }
0x7b: {  	[sflag:s4] =	ssyncset.done $0x0  }
0x7c: {  	[sflag:s4] =	ssyncadd.s32 $0xFFFFC000  }
0x7d: {  	[tilespmem:s5], [sflag:$0x1] =	stream.indirect.gather [hbm4b:s1+s3], $0x80, s3, s3, $0xb8;
	[tilespmem:$0x1CC80] =	vst v63  }
0x7e: {  	_ = 	snop  }
0x7f: {  	[spmem:s2] =	stream.indirect.scatter.add.f32 [tilespmem:s30], [sflag:$0x2], $0x80, s0, s3, $0xb8;
	[tilespmem:$0x1CC80] =	vst v63  }
0x80: {  	_ =	swait.ge [sflag:s31], $0x4000  }
0x81: {  	[sflag:s31] =	ssyncset.done $0x0  }
0x82: {  	[sflag:s31] =	ssyncadd.s32 $0xFFFFC000  }
0x83: {  	[spmem:s8] =	stream.indirect.scatter.add.f32 [tilespmem:s11], [sflag:$0x2], $0x1, s0, s3, $0xb8;
	[tilespmem:$0x1CC80] =	vst v63  }
0x84: {  	_ =	swait.ge [sflag:s31], $0x80  }
0x85: {  	[sflag:s31] =	ssyncset.done $0x0  }
0x86: {  	[sflag:s31] =	ssyncadd.s32 $0xFFFFFF80  }
0x87: {  	_ =	swait.ge [sflag:s4], $0x4000  }
0x88: {  	[sflag:s4] =	ssyncset.done $0x0  }
0x89: {  	[sflag:s4] =	ssyncadd.s32 $0xFFFFC000  }
0x8a: {  	[tilespmem:s30], [sflag:$0x1] =	stream.indirect.gather [hbm4b:s1+s3], $0x80, s6, s3, $0xb8;
	[tilespmem:$0x1CC80] =	vst v63  }
0x8b: {  	_ = 	snop  }
0x8c: {  	[spmem:s2] =	stream.indirect.scatter.add.f32 [tilespmem:s5], [sflag:$0x2], $0x80, s7, s3, $0xb8;
	[tilespmem:$0x1CC80] =	vst v63  }
0x8d: {  	_ =	swait.ge [sflag:s31], $0x4000  }
0x8e: {  	[sflag:s31] =	ssyncset.done $0x0  }
0x8f: {  	[sflag:s31] =	ssyncadd.s32 $0xFFFFC000  }
0x90: {  	[spmem:s8] =	stream.indirect.scatter.add.f32 [tilespmem:s11], [sflag:$0x2], $0x1, s7, s3, $0xb8;
	[tilespmem:$0x1CC80] =	vst v63  }
0x91: {  	_ =	swait.ge [sflag:s31], $0x80  }
0x92: {  	[sflag:s31] =	ssyncset.done $0x0  }
0x93: {  	[sflag:s31] =	ssyncadd.s32 $0xFFFFFF80  }
0x94: {  	_ =	swait.ge [sflag:s4], $0x4000  }
0x95: {  	[sflag:s4] =	ssyncset.done $0x0  }
0x96: {  	[sflag:s4] =	ssyncadd.s32 $0xFFFFC000  }
0x97: {  	[tilespmem:s5], [sflag:$0x1] =	stream.indirect.gather [hbm4b:s1+s3], $0x80, s9, s3, $0xb8;
	[tilespmem:$0x1CC80] =	vst v63  }
0x98: {  	_ = 	snop  }
0x99: {  	[spmem:s2] =	stream.indirect.scatter.add.f32 [tilespmem:s30], [sflag:$0x2], $0x80, s10, s3, $0xb8;
	[tilespmem:$0x1CC80] =	vst v63  }
0x9a: {  	_ =	swait.ge [sflag:s31], $0x4000  }
0x9b: {  	[sflag:s31] =	ssyncset.done $0x0  }
0x9c: {  	[sflag:s31] =	ssyncadd.s32 $0xFFFFC000  }
0x9d: {  	[spmem:s8] =	stream.indirect.scatter.add.f32 [tilespmem:s11], [sflag:$0x2], $0x1, s10, s3, $0xb8;
	[tilespmem:$0x1CC80] =	vst v63  }
0x9e: {  	_ =	swait.ge [sflag:s31], $0x80  }
0x9f: {  	[sflag:s31] =	ssyncset.done $0x0  }
0xa0: {  	[sflag:s31] =	ssyncadd.s32 $0xFFFFFF80  }
0xa1: {  	_ =	swait.ge [sflag:s4], $0x4000  }
0xa2: {  	[sflag:s4] =	ssyncset.done $0x0  }
0xa3: {  	[sflag:s4] =	ssyncadd.s32 $0xFFFFC000  }
0xa4: {  	[tilespmem:s30], [sflag:$0x1] =	stream.indirect.gather [hbm4b:s1+s3], $0x80, s15, s3, $0xb8;
	[tilespmem:$0x1CC80] =	vst v63  }
0xa5: {  	_ = 	snop  }
0xa6: {  	[spmem:s2] =	stream.indirect.scatter.add.f32 [tilespmem:s5], [sflag:$0x2], $0x80, s16, s3, $0xb8;
	[tilespmem:$0x1CC80] =	vst v63  }
0xa7: {  	_ =	swait.ge [sflag:s31], $0x4000  }
0xa8: {  	[sflag:s31] =	ssyncset.done $0x0  }
0xa9: {  	[sflag:s31] =	ssyncadd.s32 $0xFFFFC000  }
0xaa: {  	[spmem:s8] =	stream.indirect.scatter.add.f32 [tilespmem:s11], [sflag:$0x2], $0x1, s16, s3, $0xb8;
	[tilespmem:$0x1CC80] =	vst v63  }
0xab: {  	_ =	swait.ge [sflag:s31], $0x80  }
0xac: {  	[sflag:s31] =	ssyncset.done $0x0  }
0xad: {  	[sflag:s31] =	ssyncadd.s32 $0xFFFFFF80  }
0xae: {  	_ =	swait.ge [sflag:s4], $0x4000  }
0xaf: {  	[sflag:s4] =	ssyncset.done $0x0  }
0xb0: {  	[sflag:s4] =	ssyncadd.s32 $0xFFFFC000  }
0xb1: {  	[tilespmem:s5], [sflag:$0x1] =	stream.indirect.gather [hbm4b:s1+s3], $0x80, s18, s3, $0xb8;
	[tilespmem:$0x1CC80] =	vst v63  }
0xb2: {  	_ = 	snop  }
0xb3: {  	[spmem:s2] =	stream.indirect.scatter.add.f32 [tilespmem:s30], [sflag:$0x2], $0x80, s20, s3, $0xb8;
	[tilespmem:$0x1CC80] =	vst v63  }
0xb4: {  	_ =	swait.ge [sflag:s31], $0x4000  }
0xb5: {  	[sflag:s31] =	ssyncset.done $0x0  }
0xb6: {  	[sflag:s31] =	ssyncadd.s32 $0xFFFFC000  }
0xb7: {  	[spmem:s8] =	stream.indirect.scatter.add.f32 [tilespmem:s11], [sflag:$0x2], $0x1, s20, s3, $0xb8;
	[tilespmem:$0x1CC80] =	vst v63  }
0xb8: {  	_ =	swait.ge [sflag:s31], $0x80  }
0xb9: {  	[sflag:s31] =	ssyncset.done $0x0  }
0xba: {  	[sflag:s31] =	ssyncadd.s32 $0xFFFFFF80  }
0xbb: {  	_ =	swait.ge [sflag:s4], $0x4000  }
0xbc: {  	[sflag:s4] =	ssyncset.done $0x0  }
0xbd: {  	[sflag:s4] =	ssyncadd.s32 $0xFFFFC000  }
0xbe: {  	[spmem:s2] =	stream.indirect.scatter.add.f32 [tilespmem:s5], [sflag:$0x2], $0x80, s22, s3, $0xb8;
	[tilespmem:$0x1CC80] =	vst v63  }
0xbf: {  	_ =	swait.ge [sflag:s31], $0x4000  }
0xc0: {  	[sflag:s31] =	ssyncset.done $0x0  }
0xc1: {  	[sflag:s31] =	ssyncadd.s32 $0xFFFFC000  }
0xc2: {  	[spmem:s8] =	stream.indirect.scatter.add.f32 [tilespmem:s11], [sflag:$0x2], $0x1, s22, s3, $0xb8;
	[tilespmem:$0x1CC80] =	vst v63  }
0xc3: {  	_ =	swait.ge [sflag:s31], $0x80  }
0xc4: {  	s29 =	simm.s32 $0x60;
	s24 =	simm.s32 $0xC0;
	[sflag:s31] =	ssyncset.done $0x0  }
.LBB2_2:
0xc5: {  	s19 =	sadd.s32 s29, s14  }
0xc6: {  	[sflag:s31] =	ssyncadd.s32 $0xFFFFFF80;
	s21 =	smov.u32 s24;
	s17 =	sadd.s32 $0x60, s24  }
0xc7: {  	[tilespmem:s12], [sflag:$0x2] =	stream.linear.gather [hbm4b:s19+s12], $0x300, $0x38;
	[tilespmem:$0x1CC80] =	vst v63  }
0xc8: {  	p1 =	sne.s32 s24, $0x480;
	_ =	swait.ge [sflag:s31], $0x300  }
0xc9: {  	[sflag:s31] =	ssyncset.done $0x0  }
0xca: {  	s19 =	sadd.s32 s29, s13;
	s29 =	smov.u32 s21;
	[sflag:s31] =	ssyncadd.s32 $0xFFFFFD00  }
0xcb: {  	[tilespmem:s0], [sflag:$0x2] =	stream.linear.gather [hbm4b:s19+s12], $0x300, $0x38;
	[tilespmem:$0x1CC80] =	vst v63  }
0xcc: {  	_ =	swait.ge [sflag:s31], $0x300  }
0xcd: {  	[sflag:s31] =	ssyncset.done $0x0  }
0xce: {  	[sflag:s31] =	ssyncadd.s32 $0xFFFFFD00  }
0xcf: {  	[tilespmem:s30], [sflag:$0x1] =	stream.indirect.gather [hbm4b:s1+s3], $0x80, s12, s3, $0xb8;
	[tilespmem:$0x1CC80] =	vst v63  }
0xd0: {  	_ =	swait.ge [sflag:s4], $0x4000  }
0xd1: {  	[sflag:s4] =	ssyncset.done $0x0  }
0xd2: {  	[sflag:s4] =	ssyncadd.s32 $0xFFFFC000  }
0xd3: {  	[tilespmem:s5], [sflag:$0x1] =	stream.indirect.gather [hbm4b:s1+s3], $0x80, s3, s3, $0xb8;
	[tilespmem:$0x1CC80] =	vst v63  }
0xd4: {  	_ = 	snop  }
0xd5: {  	[spmem:s2] =	stream.indirect.scatter.add.f32 [tilespmem:s30], [sflag:$0x2], $0x80, s0, s3, $0xb8;
	[tilespmem:$0x1CC80] =	vst v63  }
0xd6: {  	_ =	swait.ge [sflag:s31], $0x4000  }
0xd7: {  	[sflag:s31] =	ssyncset.done $0x0  }
0xd8: {  	[sflag:s31] =	ssyncadd.s32 $0xFFFFC000  }
0xd9: {  	[spmem:s8] =	stream.indirect.scatter.add.f32 [tilespmem:s11], [sflag:$0x2], $0x1, s0, s3, $0xb8;
	[tilespmem:$0x1CC80] =	vst v63  }
0xda: {  	_ =	swait.ge [sflag:s31], $0x80  }
0xdb: {  	[sflag:s31] =	ssyncset.done $0x0  }
0xdc: {  	[sflag:s31] =	ssyncadd.s32 $0xFFFFFF80  }
0xdd: {  	_ =	swait.ge [sflag:s4], $0x4000  }
0xde: {  	[sflag:s4] =	ssyncset.done $0x0  }
0xdf: {  	[sflag:s4] =	ssyncadd.s32 $0xFFFFC000  }
0xe0: {  	[tilespmem:s30], [sflag:$0x1] =	stream.indirect.gather [hbm4b:s1+s3], $0x80, s6, s3, $0xb8;
	[tilespmem:$0x1CC80] =	vst v63  }
0xe1: {  	_ = 	snop  }
0xe2: {  	[spmem:s2] =	stream.indirect.scatter.add.f32 [tilespmem:s5], [sflag:$0x2], $0x80, s7, s3, $0xb8;
	[tilespmem:$0x1CC80] =	vst v63  }
0xe3: {  	_ =	swait.ge [sflag:s31], $0x4000  }
0xe4: {  	[sflag:s31] =	ssyncset.done $0x0  }
0xe5: {  	[sflag:s31] =	ssyncadd.s32 $0xFFFFC000  }
0xe6: {  	[spmem:s8] =	stream.indirect.scatter.add.f32 [tilespmem:s11], [sflag:$0x2], $0x1, s7, s3, $0xb8;
	[tilespmem:$0x1CC80] =	vst v63  }
0xe7: {  	_ =	swait.ge [sflag:s31], $0x80  }
0xe8: {  	[sflag:s31] =	ssyncset.done $0x0  }
0xe9: {  	[sflag:s31] =	ssyncadd.s32 $0xFFFFFF80  }
0xea: {  	_ =	swait.ge [sflag:s4], $0x4000  }
0xeb: {  	[sflag:s4] =	ssyncset.done $0x0  }
0xec: {  	[sflag:s4] =	ssyncadd.s32 $0xFFFFC000  }
0xed: {  	[tilespmem:s5], [sflag:$0x1] =	stream.indirect.gather [hbm4b:s1+s3], $0x80, s9, s3, $0xb8;
	[tilespmem:$0x1CC80] =	vst v63  }
0xee: {  	_ = 	snop  }
0xef: {  	[spmem:s2] =	stream.indirect.scatter.add.f32 [tilespmem:s30], [sflag:$0x2], $0x80, s10, s3, $0xb8;
	[tilespmem:$0x1CC80] =	vst v63  }
0xf0: {  	_ =	swait.ge [sflag:s31], $0x4000  }
0xf1: {  	[sflag:s31] =	ssyncset.done $0x0  }
0xf2: {  	[sflag:s31] =	ssyncadd.s32 $0xFFFFC000  }
0xf3: {  	[spmem:s8] =	stream.indirect.scatter.add.f32 [tilespmem:s11], [sflag:$0x2], $0x1, s10, s3, $0xb8;
	[tilespmem:$0x1CC80] =	vst v63  }
0xf4: {  	_ =	swait.ge [sflag:s31], $0x80  }
0xf5: {  	[sflag:s31] =	ssyncset.done $0x0  }
0xf6: {  	[sflag:s31] =	ssyncadd.s32 $0xFFFFFF80  }
0xf7: {  	_ =	swait.ge [sflag:s4], $0x4000  }
0xf8: {  	[sflag:s4] =	ssyncset.done $0x0  }
0xf9: {  	[sflag:s4] =	ssyncadd.s32 $0xFFFFC000  }
0xfa: {  	[tilespmem:s30], [sflag:$0x1] =	stream.indirect.gather [hbm4b:s1+s3], $0x80, s15, s3, $0xb8;
	[tilespmem:$0x1CC80] =	vst v63  }
0xfb: {  	_ = 	snop  }
0xfc: {  	[spmem:s2] =	stream.indirect.scatter.add.f32 [tilespmem:s5], [sflag:$0x2], $0x80, s16, s3, $0xb8;
	[tilespmem:$0x1CC80] =	vst v63  }
0xfd: {  	_ =	swait.ge [sflag:s31], $0x4000  }
0xfe: {  	[sflag:s31] =	ssyncset.done $0x0  }
0xff: {  	[sflag:s31] =	ssyncadd.s32 $0xFFFFC000  }
0x100: {  	[spmem:s8] =	stream.indirect.scatter.add.f32 [tilespmem:s11], [sflag:$0x2], $0x1, s16, s3, $0xb8;
	[tilespmem:$0x1CC80] =	vst v63  }
0x101: {  	_ =	swait.ge [sflag:s31], $0x80  }
0x102: {  	[sflag:s31] =	ssyncset.done $0x0  }
0x103: {  	[sflag:s31] =	ssyncadd.s32 $0xFFFFFF80  }
0x104: {  	_ =	swait.ge [sflag:s4], $0x4000  }
0x105: {  	[sflag:s4] =	ssyncset.done $0x0  }
0x106: {  	[sflag:s4] =	ssyncadd.s32 $0xFFFFC000  }
0x107: {  	[tilespmem:s5], [sflag:$0x1] =	stream.indirect.gather [hbm4b:s1+s3], $0x80, s18, s3, $0xb8;
	[tilespmem:$0x1CC80] =	vst v63  }
0x108: {  	_ = 	snop  }
0x109: {  	[spmem:s2] =	stream.indirect.scatter.add.f32 [tilespmem:s30], [sflag:$0x2], $0x80, s20, s3, $0xb8;
	[tilespmem:$0x1CC80] =	vst v63  }
0x10a: {  	_ =	swait.ge [sflag:s31], $0x4000  }
0x10b: {  	[sflag:s31] =	ssyncset.done $0x0  }
0x10c: {  	[sflag:s31] =	ssyncadd.s32 $0xFFFFC000  }
0x10d: {  	[spmem:s8] =	stream.indirect.scatter.add.f32 [tilespmem:s11], [sflag:$0x2], $0x1, s20, s3, $0xb8;
	[tilespmem:$0x1CC80] =	vst v63  }
0x10e: {  	_ =	swait.ge [sflag:s31], $0x80  }
0x10f: {  	[sflag:s31] =	ssyncset.done $0x0  }
0x110: {  	[sflag:s31] =	ssyncadd.s32 $0xFFFFFF80  }
0x111: {  	_ =	swait.ge [sflag:s4], $0x4000  }
0x112: {  	[sflag:s4] =	ssyncset.done $0x0  }
0x113: {  	[sflag:s4] =	ssyncadd.s32 $0xFFFFC000  }
0x114: {  	[spmem:s2] =	stream.indirect.scatter.add.f32 [tilespmem:s5], [sflag:$0x2], $0x80, s22, s3, $0xb8;
	[tilespmem:$0x1CC80] =	vst v63  }
0x115: {  	_ =	swait.ge [sflag:s31], $0x4000  }
.Ltmp0:
0x116: {  	[sflag:s31] =	ssyncset.done $0x0;
	(pc) =	sbr.rel @p1 .LBB2_2-.Ltmp0, $4  }
0x117: {  	[sflag:s31] =	ssyncadd.s32 $0xFFFFC000  }
0x118: {  	[spmem:s8] =	stream.indirect.scatter.add.f32 [tilespmem:s11], [sflag:$0x2], $0x1, s22, s3, $0xb8;
	[tilespmem:$0x1CC80] =	vst v63  }
0x119: {  	_ =	swait.ge [sflag:s31], $0x80  }
0x11a: {  	s24 =	smov.u32 s17;
	[sflag:s31] =	ssyncset.done $0x0  }
0x11b: {  	s17 =	sadd.s32 s29, s14;
	[sflag:s31] =	ssyncadd.s32 $0xFFFFFF80  }
0x11c: {  	[tilespmem:s12], [sflag:$0x2] =	stream.linear.gather [hbm4b:s17+s12], $0x300, $0x38;
	[tilespmem:$0x1CC80] =	vst v63  }
0x11d: {  	_ =	swait.ge [sflag:s31], $0x300  }
0x11e: {  	[sflag:s31] =	ssyncset.done $0x0  }
0x11f: {  	s21 =	sadd.s32 s29, s13;
	[sflag:s31] =	ssyncadd.s32 $0xFFFFFD00  }
0x120: {  	[tilespmem:s0], [sflag:$0x2] =	stream.linear.gather [hbm4b:s21+s12], $0x300, $0x38;
	[tilespmem:$0x1CC80] =	vst v63  }
0x121: {  	_ =	swait.ge [sflag:s31], $0x300  }
0x122: {  	[sflag:s31] =	ssyncset.done $0x0  }
0x123: {  	[sflag:s31] =	ssyncadd.s32 $0xFFFFFD00  }
0x124: {  	[tilespmem:s30], [sflag:$0x1] =	stream.indirect.gather [hbm4b:s1+s3], $0x80, s12, s3, $0xb8;
	[tilespmem:$0x1CC80] =	vst v63  }
0x125: {  	_ =	swait.ge [sflag:s4], $0x4000  }
0x126: {  	[sflag:s4] =	ssyncset.done $0x0  }
0x127: {  	[sflag:s4] =	ssyncadd.s32 $0xFFFFC000  }
0x128: {  	[tilespmem:s5], [sflag:$0x1] =	stream.indirect.gather [hbm4b:s1+s3], $0x80, s3, s3, $0xb8;
	[tilespmem:$0x1CC80] =	vst v63  }
0x129: {  	_ = 	snop  }
0x12a: {  	[spmem:s2] =	stream.indirect.scatter.add.f32 [tilespmem:s30], [sflag:$0x2], $0x80, s0, s3, $0xb8;
	[tilespmem:$0x1CC80] =	vst v63  }
0x12b: {  	_ =	swait.ge [sflag:s31], $0x4000  }
0x12c: {  	[sflag:s31] =	ssyncset.done $0x0  }
0x12d: {  	[sflag:s31] =	ssyncadd.s32 $0xFFFFC000  }
0x12e: {  	[spmem:s8] =	stream.indirect.scatter.add.f32 [tilespmem:s11], [sflag:$0x2], $0x1, s0, s3, $0xb8;
	[tilespmem:$0x1CC80] =	vst v63  }
0x12f: {  	_ =	swait.ge [sflag:s31], $0x80  }
0x130: {  	[sflag:s31] =	ssyncset.done $0x0  }
0x131: {  	[sflag:s31] =	ssyncadd.s32 $0xFFFFFF80  }
0x132: {  	_ =	swait.ge [sflag:s4], $0x4000  }
0x133: {  	[sflag:s4] =	ssyncset.done $0x0  }
0x134: {  	[sflag:s4] =	ssyncadd.s32 $0xFFFFC000  }
0x135: {  	[tilespmem:s30], [sflag:$0x1] =	stream.indirect.gather [hbm4b:s1+s3], $0x80, s6, s3, $0xb8;
	[tilespmem:$0x1CC80] =	vst v63  }
0x136: {  	_ = 	snop  }
0x137: {  	[spmem:s2] =	stream.indirect.scatter.add.f32 [tilespmem:s5], [sflag:$0x2], $0x80, s7, s3, $0xb8;
	[tilespmem:$0x1CC80] =	vst v63  }
0x138: {  	_ =	swait.ge [sflag:s31], $0x4000  }
0x139: {  	[sflag:s31] =	ssyncset.done $0x0  }
0x13a: {  	[sflag:s31] =	ssyncadd.s32 $0xFFFFC000  }
0x13b: {  	[spmem:s8] =	stream.indirect.scatter.add.f32 [tilespmem:s11], [sflag:$0x2], $0x1, s7, s3, $0xb8;
	[tilespmem:$0x1CC80] =	vst v63  }
0x13c: {  	_ =	swait.ge [sflag:s31], $0x80  }
0x13d: {  	[sflag:s31] =	ssyncset.done $0x0  }
0x13e: {  	[sflag:s31] =	ssyncadd.s32 $0xFFFFFF80  }
0x13f: {  	_ =	swait.ge [sflag:s4], $0x4000  }
0x140: {  	[sflag:s4] =	ssyncset.done $0x0  }
0x141: {  	[sflag:s4] =	ssyncadd.s32 $0xFFFFC000  }
0x142: {  	[tilespmem:s5], [sflag:$0x1] =	stream.indirect.gather [hbm4b:s1+s3], $0x80, s9, s3, $0xb8;
	[tilespmem:$0x1CC80] =	vst v63  }
0x143: {  	_ = 	snop  }
0x144: {  	[spmem:s2] =	stream.indirect.scatter.add.f32 [tilespmem:s30], [sflag:$0x2], $0x80, s10, s3, $0xb8;
	[tilespmem:$0x1CC80] =	vst v63  }
0x145: {  	_ =	swait.ge [sflag:s31], $0x4000  }
0x146: {  	[sflag:s31] =	ssyncset.done $0x0  }
0x147: {  	[sflag:s31] =	ssyncadd.s32 $0xFFFFC000  }
0x148: {  	[spmem:s8] =	stream.indirect.scatter.add.f32 [tilespmem:s11], [sflag:$0x2], $0x1, s10, s3, $0xb8;
	[tilespmem:$0x1CC80] =	vst v63  }
0x149: {  	_ =	swait.ge [sflag:s31], $0x80  }
0x14a: {  	[sflag:s31] =	ssyncset.done $0x0  }
0x14b: {  	[sflag:s31] =	ssyncadd.s32 $0xFFFFFF80  }
0x14c: {  	_ =	swait.ge [sflag:s4], $0x4000  }
0x14d: {  	[sflag:s4] =	ssyncset.done $0x0  }
0x14e: {  	[sflag:s4] =	ssyncadd.s32 $0xFFFFC000  }
0x14f: {  	[tilespmem:s30], [sflag:$0x1] =	stream.indirect.gather [hbm4b:s1+s3], $0x80, s15, s3, $0xb8;
	[tilespmem:$0x1CC80] =	vst v63  }
0x150: {  	_ = 	snop  }
0x151: {  	[spmem:s2] =	stream.indirect.scatter.add.f32 [tilespmem:s5], [sflag:$0x2], $0x80, s16, s3, $0xb8;
	[tilespmem:$0x1CC80] =	vst v63  }
0x152: {  	_ =	swait.ge [sflag:s31], $0x4000  }
0x153: {  	[sflag:s31] =	ssyncset.done $0x0  }
0x154: {  	[sflag:s31] =	ssyncadd.s32 $0xFFFFC000  }
0x155: {  	[spmem:s8] =	stream.indirect.scatter.add.f32 [tilespmem:s11], [sflag:$0x2], $0x1, s16, s3, $0xb8;
	[tilespmem:$0x1CC80] =	vst v63  }
0x156: {  	_ =	swait.ge [sflag:s31], $0x80  }
0x157: {  	[sflag:s31] =	ssyncset.done $0x0  }
0x158: {  	[sflag:s31] =	ssyncadd.s32 $0xFFFFFF80  }
0x159: {  	_ =	swait.ge [sflag:s4], $0x4000  }
0x15a: {  	[sflag:s4] =	ssyncset.done $0x0  }
0x15b: {  	[sflag:s4] =	ssyncadd.s32 $0xFFFFC000  }
0x15c: {  	[tilespmem:s5], [sflag:$0x1] =	stream.indirect.gather [hbm4b:s1+s3], $0x80, s18, s3, $0xb8;
	[tilespmem:$0x1CC80] =	vst v63  }
0x15d: {  	_ = 	snop  }
0x15e: {  	[spmem:s2] =	stream.indirect.scatter.add.f32 [tilespmem:s30], [sflag:$0x2], $0x80, s20, s3, $0xb8;
	[tilespmem:$0x1CC80] =	vst v63  }
0x15f: {  	_ =	swait.ge [sflag:s31], $0x4000  }
0x160: {  	[sflag:s31] =	ssyncset.done $0x0  }
0x161: {  	[sflag:s31] =	ssyncadd.s32 $0xFFFFC000  }
0x162: {  	[spmem:s8] =	stream.indirect.scatter.add.f32 [tilespmem:s11], [sflag:$0x2], $0x1, s20, s3, $0xb8;
	[tilespmem:$0x1CC80] =	vst v63  }
0x163: {  	_ =	swait.ge [sflag:s31], $0x80  }
0x164: {  	[sflag:s31] =	ssyncset.done $0x0  }
0x165: {  	[sflag:s31] =	ssyncadd.s32 $0xFFFFFF80  }
0x166: {  	_ =	swait.ge [sflag:s4], $0x4000  }
0x167: {  	[sflag:s4] =	ssyncset.done $0x0  }
0x168: {  	[sflag:s4] =	ssyncadd.s32 $0xFFFFC000  }
0x169: {  	[spmem:s2] =	stream.indirect.scatter.add.f32 [tilespmem:s5], [sflag:$0x2], $0x80, s22, s3, $0xb8;
	[tilespmem:$0x1CC80] =	vst v63  }
0x16a: {  	_ =	swait.ge [sflag:s31], $0x4000  }
0x16b: {  	[sflag:s31] =	ssyncset.done $0x0  }
0x16c: {  	[sflag:s31] =	ssyncadd.s32 $0xFFFFC000  }
0x16d: {  	[spmem:s8] =	stream.indirect.scatter.add.f32 [tilespmem:s11], [sflag:$0x2], $0x1, s22, s3, $0xb8;
	[tilespmem:$0x1CC80] =	vst v63  }
0x16e: {  	_ =	swait.ge [sflag:s31], $0x80  }
0x16f: {  	[sflag:s31] =	ssyncset.done $0x0  }
0x170: {  	[sflag:s31] =	ssyncadd.s32 $0xFFFFFF80  }
0x171: {  	s21 =	simm.s32 $0x8780;
	[bflag:$0x0] =	sbarrier.arrive $0xFFFF  }
0x172: {  	[tilespmem:s21], [sflag:$0x2] =	stream.linear.gather [spmem:s23], $0x280, $0x38;
	[tilespmem:$0x1CC80] =	vst v63  }
0x173: {  	_ =	swait.ge [sflag:s31], $0x280  }
0x174: {  	[sflag:s31] =	ssyncset.done $0x0  }
0x175: {  	s24 =	rddreg [dreg:$0xf];
	[sflag:s31] =	ssyncadd.s32 $0xFFFFFD80  }
0x176: {  	[hbm4b:s24+s3] =	stream.strided.scatter [tilespmem:s21], [sflag:$0x2], $0x280, s6, s3, $0x38;
	[tilespmem:$0x1CC80] =	vst v63  }
0x177: {  	_ =	swait.ge [sflag:s31], $0x280  }
0x178: {  	[sflag:s31] =	ssyncset.done $0x0  }
0x179: {  	s19 =	smov.u32 s23;
	s23 =	rddreg [dreg:$0x17];
	[sflag:s31] =	ssyncadd.s32 $0xFFFFFD80  }
0x17a: {  	[tilespmem:s30], [sflag:$0x2] =	stream.linear.gather [spmem:s23], $0x4000, $0x38;
	[tilespmem:$0x1CC80] =	vst v63  }
0x17b: {  	_ =	swait.ge [sflag:s31], $0x4000  }
0x17c: {  	[sflag:s31] =	ssyncset.done $0x0  }
0x17d: {  	s25 =	rddreg [dreg:$0x6];
	[sflag:s31] =	ssyncadd.s32 $0xFFFFC000  }
0x17e: {  	[hbm4b:s25+s12] =	stream.linear.scatter [tilespmem:s30], [sflag:$0x2], $0x4000, $0x38;
	[tilespmem:$0x1CC80] =	vst v63  }
0x17f: {  	_ =	swait.ge [sflag:s31], $0x4000  }
0x180: {  	[sflag:s31] =	ssyncset.done $0x0  }
0x181: {  	[sflag:s31] =	ssyncadd.s32 $0xFFFFC000  }
0x182: {  	[tilespmem:s30], [sflag:$0x2] =	stream.linear.gather [spmem:s28], $0x4000, $0x38;
	[tilespmem:$0x1CC80] =	vst v63  }
0x183: {  	_ =	swait.ge [sflag:s31], $0x4000  }
0x184: {  	[sflag:s31] =	ssyncset.done $0x0  }
0x185: {  	s21 =	rddreg [dreg:$0x7];
	[sflag:s31] =	ssyncadd.s32 $0xFFFFC000  }
0x186: {  	[hbm4b:s21+s12] =	stream.linear.scatter [tilespmem:s30], [sflag:$0x2], $0x4000, $0x38;
	[tilespmem:$0x1CC80] =	vst v63  }
0x187: {  	_ =	swait.ge [sflag:s31], $0x4000  }
0x188: {  	[sflag:s31] =	ssyncset.done $0x0  }
0x189: {  	s21 =	rddreg [dreg:$0x12];
	[sflag:s31] =	ssyncadd.s32 $0xFFFFC000  }
0x18a: {  	[tilespmem:s30], [sflag:$0x2] =	stream.linear.gather [spmem:s21], $0x4000, $0x38;
	[tilespmem:$0x1CC80] =	vst v63  }
0x18b: {  	_ =	swait.ge [sflag:s31], $0x4000  }
0x18c: {  	[sflag:s31] =	ssyncset.done $0x0  }
0x18d: {  	s24 =	rddreg [dreg:$0x8];
	[sflag:s31] =	ssyncadd.s32 $0xFFFFC000  }
0x18e: {  	[hbm4b:s24+s12] =	stream.linear.scatter [tilespmem:s30], [sflag:$0x2], $0x4000, $0x38;
	[tilespmem:$0x1CC80] =	vst v63  }
0x18f: {  	_ =	swait.ge [sflag:s31], $0x4000  }
0x190: {  	[sflag:s31] =	ssyncset.done $0x0  }
0x191: {  	s24 =	rddreg [dreg:$0x14];
	[sflag:s31] =	ssyncadd.s32 $0xFFFFC000  }
0x192: {  	[tilespmem:s30], [sflag:$0x2] =	stream.linear.gather [spmem:s24], $0x4000, $0x38;
	[tilespmem:$0x1CC80] =	vst v63  }
0x193: {  	_ =	swait.ge [sflag:s31], $0x4000  }
0x194: {  	[sflag:s31] =	ssyncset.done $0x0  }
0x195: {  	s25 =	rddreg [dreg:$0x9];
	[sflag:s31] =	ssyncadd.s32 $0xFFFFC000  }
0x196: {  	[hbm4b:s25+s12] =	stream.linear.scatter [tilespmem:s30], [sflag:$0x2], $0x4000, $0x38;
	[tilespmem:$0x1CC80] =	vst v63  }
0x197: {  	_ =	swait.ge [sflag:s31], $0x4000  }
0x198: {  	[sflag:s31] =	ssyncset.done $0x0  }
0x199: {  	s25 =	rddreg [dreg:$0x16];
	[sflag:s31] =	ssyncadd.s32 $0xFFFFC000  }
0x19a: {  	[tilespmem:s30], [sflag:$0x2] =	stream.linear.gather [spmem:s25], $0x4000, $0x38;
	[tilespmem:$0x1CC80] =	vst v63  }
0x19b: {  	_ =	swait.ge [sflag:s31], $0x4000  }
0x19c: {  	[sflag:s31] =	ssyncset.done $0x0  }
0x19d: {  	s29 =	smov.u32 s28;
	s28 =	rddreg [dreg:$0xa];
	[sflag:s31] =	ssyncadd.s32 $0xFFFFC000  }
0x19e: {  	[hbm4b:s28+s12] =	stream.linear.scatter [tilespmem:s30], [sflag:$0x2], $0x4000, $0x38;
	[tilespmem:$0x1CC80] =	vst v63  }
0x19f: {  	_ =	swait.ge [sflag:s31], $0x4000  }
0x1a0: {  	s26 =	sadd.s32 $0x1, s26;
	s28 =	rddreg [dreg:$0x10]  }
0x1a1: {  	p1 =	sne.s32 s26, s28  }
.Ltmp1:
0x1a2: {  	_ = 	snop;
	(pc) =	sbr.rel @p1 .LBB2_1-.Ltmp1, $3  }
0x1a3: {  	_ =	sdelay $0x1  }
0x1a4: {  	[sflag:s31] =	ssyncset.done $0x0  }
0x1a5: {  	[sflag:s31] =	ssyncadd.s32 $0xFFFFC000  }
0x1a6: {  	_ =	sfence.sel $0x180000  }
0x1a7: {  	[bflag:$0x0] =	sbarrier.arrive $0xFFFF  }
0x1a8: {  	_ =	strace $0x90000047  }
0x1a9: {  	s0 =	stileid.u32;
	[bflag:$0x2] =	sbarrier.arrive $0xFFFF  }
0x1aa: {  	p0 =	sne.s32 s0, $0x0;
	s0 =	rddreg [dreg:$0x5]  }
0x1ab: {  	s0 =	sadd.s32 @!p0 $0x100000, s0  }
0x1ac: {  	[sflag:s0] =	ssyncadd.tile.s32 @!p0 $0x1;
	_ =	shalt  }
.Lfunc_end2:
_tile_overlayer_lowered:
.L_overlay_start_2:
0x1ad: {  	(tag) =	ssettag $0x2  }
0x1ae: {  	s0 =	rddreg [dreg:$0x0];
	s2 =	stileid.u32  }
0x1af: {  	s1 =	rddreg [dreg:$0x1];
	p0 =	sne.s32 s2, $0x0  }
0x1b0: {  	s3 =	rddreg [dreg:$0x2];
	[bflag:$0x3] =	sbarrier.arrive $0xFFFF;
	s2 =	simm.s32 @!p0 $0x1C02  }
0x1b1: {  	[timem:s3], [sflag:s2] =	dma.local @!p0 [hbm:s0], s1  }
0x1b2: {  	s0 =	simm.s32 @!p0 $0x2  }
0x1b3: {  	_ =	swait.ge @!p0 [sflag:s0], s1  }
0x1b4: {  	s1 =	ssub.s32 @!p0 $0x0, s1;
	[sflag:s0] =	ssyncset.done @!p0 $0x0  }
0x1b5: {  	[sflag:s0] =	ssyncadd.s32 @!p0 s1  }
0x1b6: {  	[bflag:$0x3] =	sbarrier.arrive $0xFFFF  }
0x1b7: {  	_ =	shalt  }

</sc_bundles>
